<compile_context>
chip_gen: v7x
topology: tpu7x:2x2x1
jax: 0.10.2.dev20260603
libtpu: 0.0.44.dev20260713+nightly
codegen_flags: <defaults>
</compile_context>

<pallas_src>
import numpy as np
import jax
import jax.numpy as jnp
from jax import lax
from jax.experimental import pallas as pl
from jax.experimental.pallas import tpu as pltpu
from jax.experimental.pallas import tpu_sc as plsc

_TASKS = 1000
_B = 1024
_C = 192
_S = 14
_D = _C * _S * _S
_CW = 1792
_NCH = _D // _CW
_NW = 32
_RPW = _B // _NW
_G = 8
_STEPS = (_RPW // _G) * _NCH
_NVEC = _CW // 16


def _np_normal_key42(n):
    rot = [[13, 15, 26, 6], [17, 29, 16, 24]]
    k0, k1 = np.uint32(0), np.uint32(42)
    ks = [k0, k1, np.uint32(k0 ^ k1 ^ np.uint32(0x1BD11BDA))]
    x0 = np.full(n, ks[0], dtype=np.uint32)
    x1 = (np.arange(n, dtype=np.uint32) + ks[1]).astype(np.uint32)
    for i in range(5):
        for r in rot[i % 2]:
            x0 = (x0 + x1).astype(np.uint32)
            x1 = ((x1 << np.uint32(r)) | (x1 >> np.uint32(32 - r)))
            x1 = x1 ^ x0
        x0 = (x0 + ks[(i + 1) % 3]).astype(np.uint32)
        x1 = (x1 + ks[(i + 2) % 3] + np.uint32(i + 1)).astype(np.uint32)
    bits = x0 ^ x1
    fb = (bits >> np.uint32(9)) | np.uint32(0x3F800000)
    floats = fb.view(np.float32) - np.float32(1.0)
    lo = np.nextafter(np.float32(-1.0), np.float32(0.0))
    hi = np.float32(1.0)
    u = np.maximum(lo, (floats * (hi - lo) + lo).astype(np.float32))
    from scipy.special import erfinv
    return (np.sqrt(2.0) * erfinv(u.astype(np.float64))).astype(np.float32)


_EPS = _np_normal_key42(_B * _D).reshape(_B, _D)


def _sc_body(x_hbm, eps_hbm, muy_hbm, la_hbm, lbl_hbm, out_hbm,
             lblb, xb0, eb0, mb0, ab0, xb1, eb1, mb1, ab1,
             si0, si1, so0, so1):
    wid = lax.axis_index("s") * 2 + lax.axis_index("c")
    base_row = wid * _RPW
    pltpu.sync_copy(lbl_hbm.at[pl.ds(base_row, _RPW)], lblb)

    sets = ((xb0, eb0, mb0, ab0, si0, so0), (xb1, eb1, mb1, ab1, si1, so1))

    def offs(s):
        g = s // _NCH
        c = (s % _NCH) * _CW
        return base_row + g * _G, c, g

    def issue_loads(s, p):
        xb, eb, mb, ab, si, _ = sets[p]
        b0, c, g = offs(s)
        idx = lblb.at[pl.ds(g * _G, _G)]
        pltpu.async_copy(x_hbm.at[pl.ds(b0, _G), pl.ds(c, _CW)], xb, si)
        pltpu.async_copy(eps_hbm.at[pl.ds(b0, _G), pl.ds(c, _CW)], eb, si)
        pltpu.async_copy(muy_hbm.at[idx, pl.ds(c, _CW)], mb, si)
        pltpu.async_copy(la_hbm.at[idx, pl.ds(c, _CW)], ab, si)

    def drain_loads(p):
        xb, eb, mb, ab, si, _ = sets[p]
        for buf in (xb, eb, mb, ab):
            pltpu.make_async_copy(
                x_hbm.at[pl.ds(0, _G), pl.ds(0, _CW)], buf, si).wait()

    def compute(p):
        xb, eb, mb, ab, _, _ = sets[p]
        for r in range(_G):
            def vec(i, r=r):
                sl = pl.ds(i, 16)
                xb[r, sl] = xb[r, sl] * (
                    eb[r, sl] * jnp.exp(ab[r, sl]) + mb[r, sl])
            plsc.parallel_loop(0, _CW, step=16, unroll=8)(vec)

    def issue_store(s, p):
        xb, _, _, _, _, so = sets[p]
        b0, c, _ = offs(s)
        pltpu.async_copy(xb, out_hbm.at[pl.ds(b0, _G), pl.ds(c, _CW)], so)

    def drain_store(p):
        xb, _, _, _, _, so = sets[p]
        pltpu.make_async_copy(
            xb, out_hbm.at[pl.ds(0, _G), pl.ds(0, _CW)], so).wait()

    issue_loads(0, 0)

    def body(k, carry):
        s = 2 * k

        @pl.when(k > 0)
        def _():
            drain_store(1)
        issue_loads(s + 1, 1)
        drain_loads(0)
        compute(0)
        issue_store(s, 0)

        @pl.when(k < _STEPS // 2 - 1)
        def _():
            drain_store(0)
            issue_loads(s + 2, 0)
        drain_loads(1)
        compute(1)
        issue_store(s + 1, 1)
        return carry

    lax.fori_loop(0, _STEPS // 2, body, 0)
    drain_store(0)
    drain_store(1)


_mesh = plsc.VectorSubcoreMesh(core_axis_name="c", subcore_axis_name="s")

_launch = pl.kernel(
    _sc_body,
    out_type=jax.ShapeDtypeStruct((_B, _D), jnp.float32),
    mesh=_mesh,
    compiler_params=pltpu.CompilerParams(use_tc_tiling_on_sc=True),
    scratch_types=[
        pltpu.VMEM((_RPW,), jnp.int32),
        pltpu.VMEM((_G, _CW), jnp.float32),
        pltpu.VMEM((_G, _CW), jnp.float32),
        pltpu.VMEM((_G, _CW), jnp.float32),
        pltpu.VMEM((_G, _CW), jnp.float32),
        pltpu.VMEM((_G, _CW), jnp.float32),
        pltpu.VMEM((_G, _CW), jnp.float32),
        pltpu.VMEM((_G, _CW), jnp.float32),
        pltpu.VMEM((_G, _CW), jnp.float32),
        pltpu.SemaphoreType.DMA,
        pltpu.SemaphoreType.DMA,
        pltpu.SemaphoreType.DMA,
        pltpu.SemaphoreType.DMA,
    ],
)


def kernel(x, task_labels, num_samples, muy, log_alpha):
    tile_idx = jnp.arange(_B, dtype=jnp.int32) % (_B // num_samples)
    lbl = jnp.take(task_labels, tile_idx)
    x2 = x.reshape(_B, _D)
    eps = jnp.asarray(_EPS)
    out2 = _launch(x2, eps, muy, log_alpha, lbl)
    return out2.reshape(x.shape)

# --- scband reference (transcript-rebuilt; emitter-appended) ---
"""Pipeline reference for scband-gauss-dropout-conv2d-695784702411 (READ-ONLY COPY).

The authoritative reference and input builder live on the scoring server;
editing this copy changes nothing except your own understanding.
"""

import jax, jax.numpy as jnp
import numpy as np
import math

TASKS = 1000
C = 192
S = 14
P = 0.5
D = C * S * S
BATCH = 1024


def setup_inputs(seed: int = 0) -> dict:
    key = jax.random.key(seed)
    k1, k2 = jax.random.split(key)
    x = jax.random.normal(k1, (BATCH, C, S, S), dtype=jnp.float32)
    task_labels = jax.random.randint(k2, (BATCH,), 0, TASKS, dtype=jnp.int32)
    # Parameters initialized per reset_parameters(): muy = 1, log_alpha = log(sqrt(p))
    muy = jnp.full((TASKS, D), 1.0, dtype=jnp.float32)
    log_alpha = jnp.full((TASKS, D), math.log(math.sqrt(P)), dtype=jnp.float32)
    return {"x": x, "task_labels": task_labels, "num_samples": 1, "muy": muy, "log_alpha": log_alpha}


def reference(x, task_labels, num_samples, muy, log_alpha):
    B = x.shape[0]
    # embedding lookup of per-task multiplicative-noise parameters
    tile_idx = jnp.arange(B) % (B // num_samples)
    muy_e = jnp.take(muy, task_labels, axis=0)
    muy_e = muy_e.reshape(B, C, S, S)
    muy_e = jnp.take(muy_e, tile_idx, axis=0)
    la_e = jnp.take(log_alpha, task_labels, axis=0)
    alpha = jnp.exp(la_e)
    alpha = alpha.reshape(B, C, S, S)
    alpha = jnp.take(alpha, tile_idx, axis=0)
    # torch.randn(x.size()) -> deterministic jax equivalent with a fixed key
    epsilon = jax.random.normal(jax.random.key(42), x.shape, dtype=x.dtype)
    epsilon = epsilon * alpha + muy_e
    return x * epsilon

if __name__ == "__main__":
    import jax
    _d = setup_inputs()
    print(jax.jit(kernel)(*tuple(_d.values())))

</pallas_src>

<mosaic_0001>
#map = affine_map<(d0, d1) -> (0, 0)>
#map1 = affine_map<(d0, d1) -> (0)>
module attributes {stable_mosaic.version = 14 : i64} {
  func.func @_sc_body(%arg0: i32, %arg1: i32, %arg2: memref<1024x37632xf32, #tpu.memory_space<hbm>>, %arg3: memref<1024x37632xf32, #tpu.memory_space<hbm>>, %arg4: memref<1000x37632xf32, #tpu.memory_space<hbm>>, %arg5: memref<1000x37632xf32, #tpu.memory_space<hbm>>, %arg6: memref<1024xi32, #tpu.memory_space<hbm>>, %arg7: memref<1024x37632xf32, #tpu.memory_space<hbm>>, %arg8: memref<32xi32, #tpu.memory_space<vmem>>, %arg9: memref<8x1792xf32, #tpu.memory_space<vmem>>, %arg10: memref<8x1792xf32, #tpu.memory_space<vmem>>, %arg11: memref<8x1792xf32, #tpu.memory_space<vmem>>, %arg12: memref<8x1792xf32, #tpu.memory_space<vmem>>, %arg13: memref<8x1792xf32, #tpu.memory_space<vmem>>, %arg14: memref<8x1792xf32, #tpu.memory_space<vmem>>, %arg15: memref<8x1792xf32, #tpu.memory_space<vmem>>, %arg16: memref<8x1792xf32, #tpu.memory_space<vmem>>, %arg17: memref<!tpu.dma_semaphore, #tpu.memory_space<semaphore_mem>>, %arg18: memref<!tpu.dma_semaphore, #tpu.memory_space<semaphore_mem>>, %arg19: memref<!tpu.dma_semaphore, #tpu.memory_space<semaphore_mem>>, %arg20: memref<!tpu.dma_semaphore, #tpu.memory_space<semaphore_mem>>) attributes {dimension_semantics = [#tpu.dimension_semantics<core_parallel>, #tpu.dimension_semantics<subcore_parallel>], iteration_bounds = array<i64: 2, 16>, scalar_prefetch = 0 : i64, scratch_operands = 13 : i64, tpu.core_type = #tpu.core_type<sc_vector_subcore>, window_params = [{transform_indices = #map}, {transform_indices = #map}, {transform_indices = #map}, {transform_indices = #map}, {transform_indices = #map1}, {transform_indices = #map}]} {
    %mul3A = arith.constant 2 : i32
    %mul3A_0 = arith.muli %arg1, %mul3A : i32
    %add3A = arith.addi %mul3A_0, %arg0 : i32
    %mul3A_1 = arith.constant 32 : i32
    %mul3A_2 = arith.muli %add3A, %mul3A_1 : i32
    "tpu.region"() ({
      %run_scoped3A = tpu.sem_alloc : memref<!tpu.dma_semaphore, #tpu.memory_space<semaphore_mem>>
      %dma_start3A_38 = tpu.memref_slice %arg6[%mul3A_2] : memref<1024xi32, #tpu.memory_space<hbm>> -> memref<32xi32, #tpu.memory_space<hbm>>
      %dma_start3A_39 = tpu.memref_slice %arg6[%mul3A_2] : memref<1024xi32, #tpu.memory_space<hbm>> -> memref<32xi32, #tpu.memory_space<hbm>>
      tpu.enqueue_dma source(%dma_start3A_39 : memref<32xi32, #tpu.memory_space<hbm>>) target(%arg8 : memref<32xi32, #tpu.memory_space<vmem>>) target_semaphore(%run_scoped3A : memref<!tpu.dma_semaphore, #tpu.memory_space<semaphore_mem>>)
      %dma_wait3A_40 = tpu.memref_slice %arg6[%mul3A_2] : memref<1024xi32, #tpu.memory_space<hbm>> -> memref<32xi32, #tpu.memory_space<hbm>>
      %dma_wait3A_41 = tpu.memref_slice %arg6[%mul3A_2] : memref<1024xi32, #tpu.memory_space<hbm>> -> memref<32xi32, #tpu.memory_space<hbm>>
      tpu.wait_dma2 semaphore(%run_scoped3A : memref<!tpu.dma_semaphore, #tpu.memory_space<semaphore_mem>>) src(%dma_wait3A_41 : memref<32xi32, #tpu.memory_space<hbm>>) dst(%arg8 : memref<32xi32, #tpu.memory_space<vmem>>)
      tpu.yield
    }) : () -> ()
    %add3A_3 = arith.constant 0 : i32
    %add3A_4 = arith.addi %mul3A_2, %add3A_3 : i32
    %dma_start3A = arith.constant 0 : i32
    %dma_start3A_5 = tpu.memref_slice %arg2[%add3A_4, %dma_start3A] : memref<1024x37632xf32, #tpu.memory_space<hbm>> -> memref<8x1792xf32, #tpu.memory_space<hbm>>
    %dma_start3A_6 = arith.constant 0 : i32
    %dma_start3A_7 = tpu.memref_slice %arg2[%add3A_4, %dma_start3A_6] : memref<1024x37632xf32, #tpu.memory_space<hbm>> -> memref<8x1792xf32, #tpu.memory_space<hbm>>
    tpu.enqueue_dma source(%dma_start3A_7 : memref<8x1792xf32, #tpu.memory_space<hbm>>) target(%arg9 : memref<8x1792xf32, #tpu.memory_space<vmem>>) target_semaphore(%arg17 : memref<!tpu.dma_semaphore, #tpu.memory_space<semaphore_mem>>)
    %dma_start3A_8 = arith.constant 0 : i32
    %dma_start3A_9 = tpu.memref_slice %arg3[%add3A_4, %dma_start3A_8] : memref<1024x37632xf32, #tpu.memory_space<hbm>> -> memref<8x1792xf32, #tpu.memory_space<hbm>>
    %dma_start3A_10 = arith.constant 0 : i32
    %dma_start3A_11 = tpu.memref_slice %arg3[%add3A_4, %dma_start3A_10] : memref<1024x37632xf32, #tpu.memory_space<hbm>> -> memref<8x1792xf32, #tpu.memory_space<hbm>>
    tpu.enqueue_dma source(%dma_start3A_11 : memref<8x1792xf32, #tpu.memory_space<hbm>>) target(%arg10 : memref<8x1792xf32, #tpu.memory_space<vmem>>) target_semaphore(%arg17 : memref<!tpu.dma_semaphore, #tpu.memory_space<semaphore_mem>>)
    %dma_start3A_12 = arith.constant 0 : i32
    %dma_start3A_13 = tpu.memref_slice %arg8[%dma_start3A_12] : memref<32xi32, #tpu.memory_space<vmem>> -> memref<8xi32, #tpu.memory_space<vmem>>
    %dma_start3A_14 = arith.constant 0 : i32
    %dma_start3A_15 = arith.constant 0 : i32
    %dma_start3A_16 = tpu.memref_slice %arg4[%dma_start3A_14, %dma_start3A_15] : memref<1000x37632xf32, #tpu.memory_space<hbm>> -> memref<1000x1792xf32, #tpu.memory_space<hbm>>
    tpu.enqueue_indirect_dma source(%dma_start3A_16 : memref<1000x1792xf32, #tpu.memory_space<hbm>>) target(%arg11 : memref<8x1792xf32, #tpu.memory_space<vmem>>) offsets(%dma_start3A_13 : memref<8xi32, #tpu.memory_space<vmem>>) semaphore(%arg17 : memref<!tpu.dma_semaphore, #tpu.memory_space<semaphore_mem>>)
    %dma_start3A_17 = arith.constant 0 : i32
    %dma_start3A_18 = tpu.memref_slice %arg8[%dma_start3A_17] : memref<32xi32, #tpu.memory_space<vmem>> -> memref<8xi32, #tpu.memory_space<vmem>>
    %dma_start3A_19 = arith.constant 0 : i32
    %dma_start3A_20 = arith.constant 0 : i32
    %dma_start3A_21 = tpu.memref_slice %arg5[%dma_start3A_19, %dma_start3A_20] : memref<1000x37632xf32, #tpu.memory_space<hbm>> -> memref<1000x1792xf32, #tpu.memory_space<hbm>>
    tpu.enqueue_indirect_dma source(%dma_start3A_21 : memref<1000x1792xf32, #tpu.memory_space<hbm>>) target(%arg12 : memref<8x1792xf32, #tpu.memory_space<vmem>>) offsets(%dma_start3A_18 : memref<8xi32, #tpu.memory_space<vmem>>) semaphore(%arg17 : memref<!tpu.dma_semaphore, #tpu.memory_space<semaphore_mem>>)
    %scan3A = arith.constant 0 : i32
    %scan3A_22 = arith.constant 0 : i32
    %scan3A_23 = arith.constant 42 : i32
    %scan3A_24 = arith.addi %scan3A_22, %scan3A_23 : i32
    %scan3A_25 = arith.constant 1 : i32
    scf.for %scan3A_38 = %scan3A_22 to %scan3A_24 step %scan3A_25  : i32 {
      %mul3A_39 = arith.constant 2 : i32
      %mul3A_40 = arith.muli %mul3A_39, %scan3A_38 : i32
      %gt3A = arith.constant 0 : i32
      %gt3A_41 = arith.cmpi sgt, %scan3A_38, %gt3A : i32
      %convert_element_type3A = arith.extui %gt3A_41 : i1 to i32
      %cond3A = arith.constant 0 : i32
      %cond3A_42 = arith.cmpi ne, %convert_element_type3A, %cond3A : i32
      scf.if %cond3A_42 {
        %dma_wait3A_288 = arith.constant 0 : i32
        %dma_wait3A_289 = arith.constant 0 : i32
        %dma_wait3A_290 = tpu.memref_slice %arg7[%dma_wait3A_288, %dma_wait3A_289] : memref<1024x37632xf32, #tpu.memory_space<hbm>> -> memref<8x1792xf32, #tpu.memory_space<hbm>>
        %dma_wait3A_291 = arith.constant 0 : i32
        %dma_wait3A_292 = arith.constant 0 : i32
        %dma_wait3A_293 = tpu.memref_slice %arg7[%dma_wait3A_291, %dma_wait3A_292] : memref<1024x37632xf32, #tpu.memory_space<hbm>> -> memref<8x1792xf32, #tpu.memory_space<hbm>>
        tpu.wait_dma2 semaphore(%arg20 : memref<!tpu.dma_semaphore, #tpu.memory_space<semaphore_mem>>) src(%arg13 : memref<8x1792xf32, #tpu.memory_space<vmem>>) dst(%dma_wait3A_293 : memref<8x1792xf32, #tpu.memory_space<hbm>>)
      } else {
      }
      %add3A_43 = arith.constant 1 : i32
      %add3A_44 = arith.addi %mul3A_40, %add3A_43 : i32
      %jit3A = arith.constant 21 : i32
      %div3A = arith.divsi %add3A_44, %jit3A : i32
      %sign3A = arith.constant 0 : i32
      %sign3A_45 = arith.cmpi sgt, %add3A_44, %sign3A : i32
      %sign3A_46 = arith.extui %sign3A_45 : i1 to i32
      %sign3A_47 = arith.constant 0 : i32
      %sign3A_48 = arith.cmpi slt, %add3A_44, %sign3A_47 : i32
      %sign3A_49 = arith.extui %sign3A_48 : i1 to i32
      %sign3A_50 = arith.subi %sign3A_46, %sign3A_49 : i32
      %sign3A_51 = arith.constant 0 : i32
      %sign3A_52 = arith.cmpi sgt, %jit3A, %sign3A_51 : i32
      %sign3A_53 = arith.extui %sign3A_52 : i1 to i32
      %sign3A_54 = arith.constant 0 : i32
      %sign3A_55 = arith.cmpi slt, %jit3A, %sign3A_54 : i32
      %sign3A_56 = arith.extui %sign3A_55 : i1 to i32
      %sign3A_57 = arith.subi %sign3A_53, %sign3A_56 : i32
      %ne3A = arith.cmpi ne, %sign3A_50, %sign3A_57 : i32
      %rem3A = arith.remsi %add3A_44, %jit3A : i32
      %ne3A_58 = arith.constant 0 : i32
      %ne3A_59 = arith.cmpi ne, %rem3A, %ne3A_58 : i32
      %and3A = arith.andi %ne3A, %ne3A_59 : i1
      %sub3A = arith.constant 1 : i32
      %sub3A_60 = arith.subi %div3A, %sub3A : i32
      %select_n3A = arith.select %and3A, %sub3A_60, %div3A : i32
      %jit3A_61 = arith.constant 21 : i32
      %eq3A = arith.constant 0 : i32
      %eq3A_62 = arith.cmpi eq, %jit3A_61, %eq3A : i32
      %jit3A_63 = arith.constant 1 : i32
      %select_n3A_64 = arith.select %eq3A_62, %jit3A_63, %jit3A_61 : i32
      %rem3A_65 = arith.remsi %add3A_44, %select_n3A_64 : i32
      %ne3A_66 = arith.constant 0 : i32
      %ne3A_67 = arith.cmpi ne, %rem3A_65, %ne3A_66 : i32
      %lt3A = arith.constant 0 : i32
      %lt3A_68 = arith.cmpi slt, %rem3A_65, %lt3A : i32
      %lt3A_69 = arith.constant 0 : i32
      %lt3A_70 = arith.cmpi slt, %select_n3A_64, %lt3A_69 : i32
      %ne3A_71 = arith.xori %lt3A_68, %lt3A_70 : i1
      %and3A_72 = arith.andi %ne3A_71, %ne3A_67 : i1
      %add3A_73 = arith.addi %rem3A_65, %select_n3A_64 : i32
      %select_n3A_74 = arith.select %and3A_72, %add3A_73, %rem3A_65 : i32
      %mul3A_75 = arith.constant 1792 : i32
      %mul3A_76 = arith.muli %select_n3A_74, %mul3A_75 : i32
      %mul3A_77 = arith.constant 8 : i32
      %mul3A_78 = arith.muli %select_n3A, %mul3A_77 : i32
      %add3A_79 = arith.addi %mul3A_2, %mul3A_78 : i32
      %mul3A_80 = arith.constant 8 : i32
      %mul3A_81 = arith.muli %select_n3A, %mul3A_80 : i32
      %dma_start3A_82 = tpu.memref_slice %arg2[%add3A_79, %mul3A_76] : memref<1024x37632xf32, #tpu.memory_space<hbm>> -> memref<8x1792xf32, #tpu.memory_space<hbm>>
      %dma_start3A_83 = tpu.memref_slice %arg2[%add3A_79, %mul3A_76] : memref<1024x37632xf32, #tpu.memory_space<hbm>> -> memref<8x1792xf32, #tpu.memory_space<hbm>>
      tpu.enqueue_dma source(%dma_start3A_83 : memref<8x1792xf32, #tpu.memory_space<hbm>>) target(%arg13 : memref<8x1792xf32, #tpu.memory_space<vmem>>) target_semaphore(%arg18 : memref<!tpu.dma_semaphore, #tpu.memory_space<semaphore_mem>>)
      %dma_start3A_84 = tpu.memref_slice %arg3[%add3A_79, %mul3A_76] : memref<1024x37632xf32, #tpu.memory_space<hbm>> -> memref<8x1792xf32, #tpu.memory_space<hbm>>
      %dma_start3A_85 = tpu.memref_slice %arg3[%add3A_79, %mul3A_76] : memref<1024x37632xf32, #tpu.memory_space<hbm>> -> memref<8x1792xf32, #tpu.memory_space<hbm>>
      tpu.enqueue_dma source(%dma_start3A_85 : memref<8x1792xf32, #tpu.memory_space<hbm>>) target(%arg14 : memref<8x1792xf32, #tpu.memory_space<vmem>>) target_semaphore(%arg18 : memref<!tpu.dma_semaphore, #tpu.memory_space<semaphore_mem>>)
      %dma_start3A_86 = tpu.memref_slice %arg8[%mul3A_81] : memref<32xi32, #tpu.memory_space<vmem>> -> memref<8xi32, #tpu.memory_space<vmem>>
      %dma_start3A_87 = arith.constant 0 : i32
      %dma_start3A_88 = tpu.memref_slice %arg4[%dma_start3A_87, %mul3A_76] : memref<1000x37632xf32, #tpu.memory_space<hbm>> -> memref<1000x1792xf32, #tpu.memory_space<hbm>>
      tpu.enqueue_indirect_dma source(%dma_start3A_88 : memref<1000x1792xf32, #tpu.memory_space<hbm>>) target(%arg15 : memref<8x1792xf32, #tpu.memory_space<vmem>>) offsets(%dma_start3A_86 : memref<8xi32, #tpu.memory_space<vmem>>) semaphore(%arg18 : memref<!tpu.dma_semaphore, #tpu.memory_space<semaphore_mem>>)
      %dma_start3A_89 = tpu.memref_slice %arg8[%mul3A_81] : memref<32xi32, #tpu.memory_space<vmem>> -> memref<8xi32, #tpu.memory_space<vmem>>
      %dma_start3A_90 = arith.constant 0 : i32
      %dma_start3A_91 = tpu.memref_slice %arg5[%dma_start3A_90, %mul3A_76] : memref<1000x37632xf32, #tpu.memory_space<hbm>> -> memref<1000x1792xf32, #tpu.memory_space<hbm>>
      tpu.enqueue_indirect_dma source(%dma_start3A_91 : memref<1000x1792xf32, #tpu.memory_space<hbm>>) target(%arg16 : memref<8x1792xf32, #tpu.memory_space<vmem>>) offsets(%dma_start3A_89 : memref<8xi32, #tpu.memory_space<vmem>>) semaphore(%arg18 : memref<!tpu.dma_semaphore, #tpu.memory_space<semaphore_mem>>)
      %dma_wait3A_92 = arith.constant 0 : i32
      %dma_wait3A_93 = arith.constant 0 : i32
      %dma_wait3A_94 = tpu.memref_slice %arg2[%dma_wait3A_92, %dma_wait3A_93] : memref<1024x37632xf32, #tpu.memory_space<hbm>> -> memref<8x1792xf32, #tpu.memory_space<hbm>>
      %dma_wait3A_95 = arith.constant 0 : i32
      %dma_wait3A_96 = arith.constant 0 : i32
      %dma_wait3A_97 = tpu.memref_slice %arg2[%dma_wait3A_95, %dma_wait3A_96] : memref<1024x37632xf32, #tpu.memory_space<hbm>> -> memref<8x1792xf32, #tpu.memory_space<hbm>>
      tpu.wait_dma2 semaphore(%arg17 : memref<!tpu.dma_semaphore, #tpu.memory_space<semaphore_mem>>) src(%dma_wait3A_97 : memref<8x1792xf32, #tpu.memory_space<hbm>>) dst(%arg9 : memref<8x1792xf32, #tpu.memory_space<vmem>>)
      %dma_wait3A_98 = arith.constant 0 : i32
      %dma_wait3A_99 = arith.constant 0 : i32
      %dma_wait3A_100 = tpu.memref_slice %arg2[%dma_wait3A_98, %dma_wait3A_99] : memref<1024x37632xf32, #tpu.memory_space<hbm>> -> memref<8x1792xf32, #tpu.memory_space<hbm>>
      %dma_wait3A_101 = arith.constant 0 : i32
      %dma_wait3A_102 = arith.constant 0 : i32
      %dma_wait3A_103 = tpu.memref_slice %arg2[%dma_wait3A_101, %dma_wait3A_102] : memref<1024x37632xf32, #tpu.memory_space<hbm>> -> memref<8x1792xf32, #tpu.memory_space<hbm>>
      tpu.wait_dma2 semaphore(%arg17 : memref<!tpu.dma_semaphore, #tpu.memory_space<semaphore_mem>>) src(%dma_wait3A_103 : memref<8x1792xf32, #tpu.memory_space<hbm>>) dst(%arg10 : memref<8x1792xf32, #tpu.memory_space<vmem>>)
      %dma_wait3A_104 = arith.constant 0 : i32
      %dma_wait3A_105 = arith.constant 0 : i32
      %dma_wait3A_106 = tpu.memref_slice %arg2[%dma_wait3A_104, %dma_wait3A_105] : memref<1024x37632xf32, #tpu.memory_space<hbm>> -> memref<8x1792xf32, #tpu.memory_space<hbm>>
      %dma_wait3A_107 = arith.constant 0 : i32
      %dma_wait3A_108 = arith.constant 0 : i32
      %dma_wait3A_109 = tpu.memref_slice %arg2[%dma_wait3A_107, %dma_wait3A_108] : memref<1024x37632xf32, #tpu.memory_space<hbm>> -> memref<8x1792xf32, #tpu.memory_space<hbm>>
      tpu.wait_dma2 semaphore(%arg17 : memref<!tpu.dma_semaphore, #tpu.memory_space<semaphore_mem>>) src(%dma_wait3A_109 : memref<8x1792xf32, #tpu.memory_space<hbm>>) dst(%arg11 : memref<8x1792xf32, #tpu.memory_space<vmem>>)
      %dma_wait3A_110 = arith.constant 0 : i32
      %dma_wait3A_111 = arith.constant 0 : i32
      %dma_wait3A_112 = tpu.memref_slice %arg2[%dma_wait3A_110, %dma_wait3A_111] : memref<1024x37632xf32, #tpu.memory_space<hbm>> -> memref<8x1792xf32, #tpu.memory_space<hbm>>
      %dma_wait3A_113 = arith.constant 0 : i32
      %dma_wait3A_114 = arith.constant 0 : i32
      %dma_wait3A_115 = tpu.memref_slice %arg2[%dma_wait3A_113, %dma_wait3A_114] : memref<1024x37632xf32, #tpu.memory_space<hbm>> -> memref<8x1792xf32, #tpu.memory_space<hbm>>
      tpu.wait_dma2 semaphore(%arg17 : memref<!tpu.dma_semaphore, #tpu.memory_space<semaphore_mem>>) src(%dma_wait3A_115 : memref<8x1792xf32, #tpu.memory_space<hbm>>) dst(%arg12 : memref<8x1792xf32, #tpu.memory_space<vmem>>)
      %parallel_loop3A = arith.constant 0 : i32
      %parallel_loop3A_116 = arith.constant 1792 : i32
      %parallel_loop3A_117 = arith.constant 16 : i32
      scf.for %parallel_loop3A_288 = %parallel_loop3A to %parallel_loop3A_116 step %parallel_loop3A_117  : i32 {
        %parallel_loop3A_289 = arith.constant 0 : i32
        %parallel_loop3A_290 = arith.index_cast %parallel_loop3A_289 : i32 to index
        %parallel_loop3A_291 = arith.index_cast %parallel_loop3A_288 : i32 to index
        %parallel_loop3A_292 = tpu.vector_load %arg9[%parallel_loop3A_290, %parallel_loop3A_291] {strides = array<i32>} : memref<8x1792xf32, #tpu.memory_space<vmem>>, vector<1x16xf32>,
        %parallel_loop3A_293 = vector.shape_cast %parallel_loop3A_292 : vector<1x16xf32> to vector<16xf32>
        %parallel_loop3A_294 = arith.constant 0 : i32
        %parallel_loop3A_295 = arith.index_cast %parallel_loop3A_294 : i32 to index
        %parallel_loop3A_296 = arith.index_cast %parallel_loop3A_288 : i32 to index
        %parallel_loop3A_297 = tpu.vector_load %arg10[%parallel_loop3A_295, %parallel_loop3A_296] {strides = array<i32>} : memref<8x1792xf32, #tpu.memory_space<vmem>>, vector<1x16xf32>,
        %parallel_loop3A_298 = vector.shape_cast %parallel_loop3A_297 : vector<1x16xf32> to vector<16xf32>
        %parallel_loop3A_299 = arith.constant 0 : i32
        %parallel_loop3A_300 = arith.index_cast %parallel_loop3A_299 : i32 to index
        %parallel_loop3A_301 = arith.index_cast %parallel_loop3A_288 : i32 to index
        %parallel_loop3A_302 = tpu.vector_load %arg12[%parallel_loop3A_300, %parallel_loop3A_301] {strides = array<i32>} : memref<8x1792xf32, #tpu.memory_space<vmem>>, vector<1x16xf32>,
        %parallel_loop3A_303 = vector.shape_cast %parallel_loop3A_302 : vector<1x16xf32> to vector<16xf32>
        %parallel_loop3A_304 = math.exp %parallel_loop3A_303 : vector<16xf32>
        %parallel_loop3A_305 = arith.mulf %parallel_loop3A_298, %parallel_loop3A_304 : vector<16xf32>
        %parallel_loop3A_306 = arith.constant 0 : i32
        %parallel_loop3A_307 = arith.index_cast %parallel_loop3A_306 : i32 to index
        %parallel_loop3A_308 = arith.index_cast %parallel_loop3A_288 : i32 to index
        %parallel_loop3A_309 = tpu.vector_load %arg11[%parallel_loop3A_307, %parallel_loop3A_308] {strides = array<i32>} : memref<8x1792xf32, #tpu.memory_space<vmem>>, vector<1x16xf32>,
        %parallel_loop3A_310 = vector.shape_cast %parallel_loop3A_309 : vector<1x16xf32> to vector<16xf32>
        %parallel_loop3A_311 = arith.addf %parallel_loop3A_305, %parallel_loop3A_310 : vector<16xf32>
        %parallel_loop3A_312 = arith.mulf %parallel_loop3A_293, %parallel_loop3A_311 : vector<16xf32>
        %parallel_loop3A_313 = arith.constant 0 : i32
        %parallel_loop3A_314 = arith.index_cast %parallel_loop3A_313 : i32 to index
        %parallel_loop3A_315 = arith.index_cast %parallel_loop3A_288 : i32 to index
        %parallel_loop3A_316 = tpu.vector_load %arg9[%parallel_loop3A_314, %parallel_loop3A_315] {strides = array<i32>} : memref<8x1792xf32, #tpu.memory_space<vmem>>, vector<1x16xf32>,
        %parallel_loop3A_317 = vector.shape_cast %parallel_loop3A_316 : vector<1x16xf32> to vector<16xf32>
        %parallel_loop3A_318 = vector.shape_cast %parallel_loop3A_312 : vector<16xf32> to vector<1x16xf32>
        tpu.vector_store %arg9[%parallel_loop3A_314, %parallel_loop3A_315], %parallel_loop3A_318 {strides = array<i32>} : memref<8x1792xf32, #tpu.memory_space<vmem>>, vector<1x16xf32>,
      } {sc.loop_unroll_factor = 8 : i64, sc.parallel_access}
      %parallel_loop3A_118 = arith.constant 0 : i32
      %parallel_loop3A_119 = arith.constant 1792 : i32
      %parallel_loop3A_120 = arith.constant 16 : i32
      scf.for %parallel_loop3A_288 = %parallel_loop3A_118 to %parallel_loop3A_119 step %parallel_loop3A_120  : i32 {
        %parallel_loop3A_289 = arith.constant 1 : i32
        %parallel_loop3A_290 = arith.index_cast %parallel_loop3A_289 : i32 to index
        %parallel_loop3A_291 = arith.index_cast %parallel_loop3A_288 : i32 to index
        %parallel_loop3A_292 = tpu.vector_load %arg9[%parallel_loop3A_290, %parallel_loop3A_291] {strides = array<i32>} : memref<8x1792xf32, #tpu.memory_space<vmem>>, vector<1x16xf32>,
        %parallel_loop3A_293 = vector.shape_cast %parallel_loop3A_292 : vector<1x16xf32> to vector<16xf32>
        %parallel_loop3A_294 = arith.constant 1 : i32
        %parallel_loop3A_295 = arith.index_cast %parallel_loop3A_294 : i32 to index
        %parallel_loop3A_296 = arith.index_cast %parallel_loop3A_288 : i32 to index
        %parallel_loop3A_297 = tpu.vector_load %arg10[%parallel_loop3A_295, %parallel_loop3A_296] {strides = array<i32>} : memref<8x1792xf32, #tpu.memory_space<vmem>>, vector<1x16xf32>,
        %parallel_loop3A_298 = vector.shape_cast %parallel_loop3A_297 : vector<1x16xf32> to vector<16xf32>
        %parallel_loop3A_299 = arith.constant 1 : i32
        %parallel_loop3A_300 = arith.index_cast %parallel_loop3A_299 : i32 to index
        %parallel_loop3A_301 = arith.index_cast %parallel_loop3A_288 : i32 to index
        %parallel_loop3A_302 = tpu.vector_load %arg12[%parallel_loop3A_300, %parallel_loop3A_301] {strides = array<i32>} : memref<8x1792xf32, #tpu.memory_space<vmem>>, vector<1x16xf32>,
        %parallel_loop3A_303 = vector.shape_cast %parallel_loop3A_302 : vector<1x16xf32> to vector<16xf32>
        %parallel_loop3A_304 = math.exp %parallel_loop3A_303 : vector<16xf32>
        %parallel_loop3A_305 = arith.mulf %parallel_loop3A_298, %parallel_loop3A_304 : vector<16xf32>
        %parallel_loop3A_306 = arith.constant 1 : i32
        %parallel_loop3A_307 = arith.index_cast %parallel_loop3A_306 : i32 to index
        %parallel_loop3A_308 = arith.index_cast %parallel_loop3A_288 : i32 to index
        %parallel_loop3A_309 = tpu.vector_load %arg11[%parallel_loop3A_307, %parallel_loop3A_308] {strides = array<i32>} : memref<8x1792xf32, #tpu.memory_space<vmem>>, vector<1x16xf32>,
        %parallel_loop3A_310 = vector.shape_cast %parallel_loop3A_309 : vector<1x16xf32> to vector<16xf32>
        %parallel_loop3A_311 = arith.addf %parallel_loop3A_305, %parallel_loop3A_310 : vector<16xf32>
        %parallel_loop3A_312 = arith.mulf %parallel_loop3A_293, %parallel_loop3A_311 : vector<16xf32>
        %parallel_loop3A_313 = arith.constant 1 : i32
        %parallel_loop3A_314 = arith.index_cast %parallel_loop3A_313 : i32 to index
        %parallel_loop3A_315 = arith.index_cast %parallel_loop3A_288 : i32 to index
        %parallel_loop3A_316 = tpu.vector_load %arg9[%parallel_loop3A_314, %parallel_loop3A_315] {strides = array<i32>} : memref<8x1792xf32, #tpu.memory_space<vmem>>, vector<1x16xf32>,
        %parallel_loop3A_317 = vector.shape_cast %parallel_loop3A_316 : vector<1x16xf32> to vector<16xf32>
        %parallel_loop3A_318 = vector.shape_cast %parallel_loop3A_312 : vector<16xf32> to vector<1x16xf32>
        tpu.vector_store %arg9[%parallel_loop3A_314, %parallel_loop3A_315], %parallel_loop3A_318 {strides = array<i32>} : memref<8x1792xf32, #tpu.memory_space<vmem>>, vector<1x16xf32>,
      } {sc.loop_unroll_factor = 8 : i64, sc.parallel_access}
      %parallel_loop3A_121 = arith.constant 0 : i32
      %parallel_loop3A_122 = arith.constant 1792 : i32
      %parallel_loop3A_123 = arith.constant 16 : i32
      scf.for %parallel_loop3A_288 = %parallel_loop3A_121 to %parallel_loop3A_122 step %parallel_loop3A_123  : i32 {
        %parallel_loop3A_289 = arith.constant 2 : i32
        %parallel_loop3A_290 = arith.index_cast %parallel_loop3A_289 : i32 to index
        %parallel_loop3A_291 = arith.index_cast %parallel_loop3A_288 : i32 to index
        %parallel_loop3A_292 = tpu.vector_load %arg9[%parallel_loop3A_290, %parallel_loop3A_291] {strides = array<i32>} : memref<8x1792xf32, #tpu.memory_space<vmem>>, vector<1x16xf32>,
        %parallel_loop3A_293 = vector.shape_cast %parallel_loop3A_292 : vector<1x16xf32> to vector<16xf32>
        %parallel_loop3A_294 = arith.constant 2 : i32
        %parallel_loop3A_295 = arith.index_cast %parallel_loop3A_294 : i32 to index
        %parallel_loop3A_296 = arith.index_cast %parallel_loop3A_288 : i32 to index
        %parallel_loop3A_297 = tpu.vector_load %arg10[%parallel_loop3A_295, %parallel_loop3A_296] {strides = array<i32>} : memref<8x1792xf32, #tpu.memory_space<vmem>>, vector<1x16xf32>,
        %parallel_loop3A_298 = vector.shape_cast %parallel_loop3A_297 : vector<1x16xf32> to vector<16xf32>
        %parallel_loop3A_299 = arith.constant 2 : i32
        %parallel_loop3A_300 = arith.index_cast %parallel_loop3A_299 : i32 to index
        %parallel_loop3A_301 = arith.index_cast %parallel_loop3A_288 : i32 to index
        %parallel_loop3A_302 = tpu.vector_load %arg12[%parallel_loop3A_300, %parallel_loop3A_301] {strides = array<i32>} : memref<8x1792xf32, #tpu.memory_space<vmem>>, vector<1x16xf32>,
        %parallel_loop3A_303 = vector.shape_cast %parallel_loop3A_302 : vector<1x16xf32> to vector<16xf32>
        %parallel_loop3A_304 = math.exp %parallel_loop3A_303 : vector<16xf32>
        %parallel_loop3A_305 = arith.mulf %parallel_loop3A_298, %parallel_loop3A_304 : vector<16xf32>
        %parallel_loop3A_306 = arith.constant 2 : i32
        %parallel_loop3A_307 = arith.index_cast %parallel_loop3A_306 : i32 to index
        %parallel_loop3A_308 = arith.index_cast %parallel_loop3A_288 : i32 to index
        %parallel_loop3A_309 = tpu.vector_load %arg11[%parallel_loop3A_307, %parallel_loop3A_308] {strides = array<i32>} : memref<8x1792xf32, #tpu.memory_space<vmem>>, vector<1x16xf32>,
        %parallel_loop3A_310 = vector.shape_cast %parallel_loop3A_309 : vector<1x16xf32> to vector<16xf32>
        %parallel_loop3A_311 = arith.addf %parallel_loop3A_305, %parallel_loop3A_310 : vector<16xf32>
        %parallel_loop3A_312 = arith.mulf %parallel_loop3A_293, %parallel_loop3A_311 : vector<16xf32>
        %parallel_loop3A_313 = arith.constant 2 : i32
        %parallel_loop3A_314 = arith.index_cast %parallel_loop3A_313 : i32 to index
        %parallel_loop3A_315 = arith.index_cast %parallel_loop3A_288 : i32 to index
        %parallel_loop3A_316 = tpu.vector_load %arg9[%parallel_loop3A_314, %parallel_loop3A_315] {strides = array<i32>} : memref<8x1792xf32, #tpu.memory_space<vmem>>, vector<1x16xf32>,
        %parallel_loop3A_317 = vector.shape_cast %parallel_loop3A_316 : vector<1x16xf32> to vector<16xf32>
        %parallel_loop3A_318 = vector.shape_cast %parallel_loop3A_312 : vector<16xf32> to vector<1x16xf32>
        tpu.vector_store %arg9[%parallel_loop3A_314, %parallel_loop3A_315], %parallel_loop3A_318 {strides = array<i32>} : memref<8x1792xf32, #tpu.memory_space<vmem>>, vector<1x16xf32>,
      } {sc.loop_unroll_factor = 8 : i64, sc.parallel_access}
      %parallel_loop3A_124 = arith.constant 0 : i32
      %parallel_loop3A_125 = arith.constant 1792 : i32
      %parallel_loop3A_126 = arith.constant 16 : i32
      scf.for %parallel_loop3A_288 = %parallel_loop3A_124 to %parallel_loop3A_125 step %parallel_loop3A_126  : i32 {
        %parallel_loop3A_289 = arith.constant 3 : i32
        %parallel_loop3A_290 = arith.index_cast %parallel_loop3A_289 : i32 to index
        %parallel_loop3A_291 = arith.index_cast %parallel_loop3A_288 : i32 to index
        %parallel_loop3A_292 = tpu.vector_load %arg9[%parallel_loop3A_290, %parallel_loop3A_291] {strides = array<i32>} : memref<8x1792xf32, #tpu.memory_space<vmem>>, vector<1x16xf32>,
        %parallel_loop3A_293 = vector.shape_cast %parallel_loop3A_292 : vector<1x16xf32> to vector<16xf32>
        %parallel_loop3A_294 = arith.constant 3 : i32
        %parallel_loop3A_295 = arith.index_cast %parallel_loop3A_294 : i32 to index
        %parallel_loop3A_296 = arith.index_cast %parallel_loop3A_288 : i32 to index
        %parallel_loop3A_297 = tpu.vector_load %arg10[%parallel_loop3A_295, %parallel_loop3A_296] {strides = array<i32>} : memref<8x1792xf32, #tpu.memory_space<vmem>>, vector<1x16xf32>,
        %parallel_loop3A_298 = vector.shape_cast %parallel_loop3A_297 : vector<1x16xf32> to vector<16xf32>
        %parallel_loop3A_299 = arith.constant 3 : i32
        %parallel_loop3A_300 = arith.index_cast %parallel_loop3A_299 : i32 to index
        %parallel_loop3A_301 = arith.index_cast %parallel_loop3A_288 : i32 to index
        %parallel_loop3A_302 = tpu.vector_load %arg12[%parallel_loop3A_300, %parallel_loop3A_301] {strides = array<i32>} : memref<8x1792xf32, #tpu.memory_space<vmem>>, vector<1x16xf32>,
        %parallel_loop3A_303 = vector.shape_cast %parallel_loop3A_302 : vector<1x16xf32> to vector<16xf32>
        %parallel_loop3A_304 = math.exp %parallel_loop3A_303 : vector<16xf32>
        %parallel_loop3A_305 = arith.mulf %parallel_loop3A_298, %parallel_loop3A_304 : vector<16xf32>
        %parallel_loop3A_306 = arith.constant 3 : i32
        %parallel_loop3A_307 = arith.index_cast %parallel_loop3A_306 : i32 to index
        %parallel_loop3A_308 = arith.index_cast %parallel_loop3A_288 : i32 to index
        %parallel_loop3A_309 = tpu.vector_load %arg11[%parallel_loop3A_307, %parallel_loop3A_308] {strides = array<i32>} : memref<8x1792xf32, #tpu.memory_space<vmem>>, vector<1x16xf32>,
        %parallel_loop3A_310 = vector.shape_cast %parallel_loop3A_309 : vector<1x16xf32> to vector<16xf32>
        %parallel_loop3A_311 = arith.addf %parallel_loop3A_305, %parallel_loop3A_310 : vector<16xf32>
        %parallel_loop3A_312 = arith.mulf %parallel_loop3A_293, %parallel_loop3A_311 : vector<16xf32>
        %parallel_loop3A_313 = arith.constant 3 : i32
        %parallel_loop3A_314 = arith.index_cast %parallel_loop3A_313 : i32 to index
        %parallel_loop3A_315 = arith.index_cast %parallel_loop3A_288 : i32 to index
        %parallel_loop3A_316 = tpu.vector_load %arg9[%parallel_loop3A_314, %parallel_loop3A_315] {strides = array<i32>} : memref<8x1792xf32, #tpu.memory_space<vmem>>, vector<1x16xf32>,
        %parallel_loop3A_317 = vector.shape_cast %parallel_loop3A_316 : vector<1x16xf32> to vector<16xf32>
        %parallel_loop3A_318 = vector.shape_cast %parallel_loop3A_312 : vector<16xf32> to vector<1x16xf32>
        tpu.vector_store %arg9[%parallel_loop3A_314, %parallel_loop3A_315], %parallel_loop3A_318 {strides = array<i32>} : memref<8x1792xf32, #tpu.memory_space<vmem>>, vector<1x16xf32>,
      } {sc.loop_unroll_factor = 8 : i64, sc.parallel_access}
      %parallel_loop3A_127 = arith.constant 0 : i32
      %parallel_loop3A_128 = arith.constant 1792 : i32
      %parallel_loop3A_129 = arith.constant 16 : i32
      scf.for %parallel_loop3A_288 = %parallel_loop3A_127 to %parallel_loop3A_128 step %parallel_loop3A_129  : i32 {
        %parallel_loop3A_289 = arith.constant 4 : i32
        %parallel_loop3A_290 = arith.index_cast %parallel_loop3A_289 : i32 to index
        %parallel_loop3A_291 = arith.index_cast %parallel_loop3A_288 : i32 to index
        %parallel_loop3A_292 = tpu.vector_load %arg9[%parallel_loop3A_290, %parallel_loop3A_291] {strides = array<i32>} : memref<8x1792xf32, #tpu.memory_space<vmem>>, vector<1x16xf32>,
        %parallel_loop3A_293 = vector.shape_cast %parallel_loop3A_292 : vector<1x16xf32> to vector<16xf32>
        %parallel_loop3A_294 = arith.constant 4 : i32
        %parallel_loop3A_295 = arith.index_cast %parallel_loop3A_294 : i32 to index
        %parallel_loop3A_296 = arith.index_cast %parallel_loop3A_288 : i32 to index
        %parallel_loop3A_297 = tpu.vector_load %arg10[%parallel_loop3A_295, %parallel_loop3A_296] {strides = array<i32>} : memref<8x1792xf32, #tpu.memory_space<vmem>>, vector<1x16xf32>,
        %parallel_loop3A_298 = vector.shape_cast %parallel_loop3A_297 : vector<1x16xf32> to vector<16xf32>
        %parallel_loop3A_299 = arith.constant 4 : i32
        %parallel_loop3A_300 = arith.index_cast %parallel_loop3A_299 : i32 to index
        %parallel_loop3A_301 = arith.index_cast %parallel_loop3A_288 : i32 to index
        %parallel_loop3A_302 = tpu.vector_load %arg12[%parallel_loop3A_300, %parallel_loop3A_301] {strides = array<i32>} : memref<8x1792xf32, #tpu.memory_space<vmem>>, vector<1x16xf32>,
        %parallel_loop3A_303 = vector.shape_cast %parallel_loop3A_302 : vector<1x16xf32> to vector<16xf32>
        %parallel_loop3A_304 = math.exp %parallel_loop3A_303 : vector<16xf32>
        %parallel_loop3A_305 = arith.mulf %parallel_loop3A_298, %parallel_loop3A_304 : vector<16xf32>
        %parallel_loop3A_306 = arith.constant 4 : i32
        %parallel_loop3A_307 = arith.index_cast %parallel_loop3A_306 : i32 to index
        %parallel_loop3A_308 = arith.index_cast %parallel_loop3A_288 : i32 to index
        %parallel_loop3A_309 = tpu.vector_load %arg11[%parallel_loop3A_307, %parallel_loop3A_308] {strides = array<i32>} : memref<8x1792xf32, #tpu.memory_space<vmem>>, vector<1x16xf32>,
        %parallel_loop3A_310 = vector.shape_cast %parallel_loop3A_309 : vector<1x16xf32> to vector<16xf32>
        %parallel_loop3A_311 = arith.addf %parallel_loop3A_305, %parallel_loop3A_310 : vector<16xf32>
        %parallel_loop3A_312 = arith.mulf %parallel_loop3A_293, %parallel_loop3A_311 : vector<16xf32>
        %parallel_loop3A_313 = arith.constant 4 : i32
        %parallel_loop3A_314 = arith.index_cast %parallel_loop3A_313 : i32 to index
        %parallel_loop3A_315 = arith.index_cast %parallel_loop3A_288 : i32 to index
        %parallel_loop3A_316 = tpu.vector_load %arg9[%parallel_loop3A_314, %parallel_loop3A_315] {strides = array<i32>} : memref<8x1792xf32, #tpu.memory_space<vmem>>, vector<1x16xf32>,
        %parallel_loop3A_317 = vector.shape_cast %parallel_loop3A_316 : vector<1x16xf32> to vector<16xf32>
        %parallel_loop3A_318 = vector.shape_cast %parallel_loop3A_312 : vector<16xf32> to vector<1x16xf32>
        tpu.vector_store %arg9[%parallel_loop3A_314, %parallel_loop3A_315], %parallel_loop3A_318 {strides = array<i32>} : memref<8x1792xf32, #tpu.memory_space<vmem>>, vector<1x16xf32>,
      } {sc.loop_unroll_factor = 8 : i64, sc.parallel_access}
      %parallel_loop3A_130 = arith.constant 0 : i32
      %parallel_loop3A_131 = arith.constant 1792 : i32
      %parallel_loop3A_132 = arith.constant 16 : i32
      scf.for %parallel_loop3A_288 = %parallel_loop3A_130 to %parallel_loop3A_131 step %parallel_loop3A_132  : i32 {
        %parallel_loop3A_289 = arith.constant 5 : i32
        %parallel_loop3A_290 = arith.index_cast %parallel_loop3A_289 : i32 to index
        %parallel_loop3A_291 = arith.index_cast %parallel_loop3A_288 : i32 to index
        %parallel_loop3A_292 = tpu.vector_load %arg9[%parallel_loop3A_290, %parallel_loop3A_291] {strides = array<i32>} : memref<8x1792xf32, #tpu.memory_space<vmem>>, vector<1x16xf32>,
        %parallel_loop3A_293 = vector.shape_cast %parallel_loop3A_292 : vector<1x16xf32> to vector<16xf32>
        %parallel_loop3A_294 = arith.constant 5 : i32
        %parallel_loop3A_295 = arith.index_cast %parallel_loop3A_294 : i32 to index
        %parallel_loop3A_296 = arith.index_cast %parallel_loop3A_288 : i32 to index
        %parallel_loop3A_297 = tpu.vector_load %arg10[%parallel_loop3A_295, %parallel_loop3A_296] {strides = array<i32>} : memref<8x1792xf32, #tpu.memory_space<vmem>>, vector<1x16xf32>,
        %parallel_loop3A_298 = vector.shape_cast %parallel_loop3A_297 : vector<1x16xf32> to vector<16xf32>
        %parallel_loop3A_299 = arith.constant 5 : i32
        %parallel_loop3A_300 = arith.index_cast %parallel_loop3A_299 : i32 to index
        %parallel_loop3A_301 = arith.index_cast %parallel_loop3A_288 : i32 to index
        %parallel_loop3A_302 = tpu.vector_load %arg12[%parallel_loop3A_300, %parallel_loop3A_301] {strides = array<i32>} : memref<8x1792xf32, #tpu.memory_space<vmem>>, vector<1x16xf32>,
        %parallel_loop3A_303 = vector.shape_cast %parallel_loop3A_302 : vector<1x16xf32> to vector<16xf32>
        %parallel_loop3A_304 = math.exp %parallel_loop3A_303 : vector<16xf32>
        %parallel_loop3A_305 = arith.mulf %parallel_loop3A_298, %parallel_loop3A_304 : vector<16xf32>
        %parallel_loop3A_306 = arith.constant 5 : i32
        %parallel_loop3A_307 = arith.index_cast %parallel_loop3A_306 : i32 to index
        %parallel_loop3A_308 = arith.index_cast %parallel_loop3A_288 : i32 to index
        %parallel_loop3A_309 = tpu.vector_load %arg11[%parallel_loop3A_307, %parallel_loop3A_308] {strides = array<i32>} : memref<8x1792xf32, #tpu.memory_space<vmem>>, vector<1x16xf32>,
        %parallel_loop3A_310 = vector.shape_cast %parallel_loop3A_309 : vector<1x16xf32> to vector<16xf32>
        %parallel_loop3A_311 = arith.addf %parallel_loop3A_305, %parallel_loop3A_310 : vector<16xf32>
        %parallel_loop3A_312 = arith.mulf %parallel_loop3A_293, %parallel_loop3A_311 : vector<16xf32>
        %parallel_loop3A_313 = arith.constant 5 : i32
        %parallel_loop3A_314 = arith.index_cast %parallel_loop3A_313 : i32 to index
        %parallel_loop3A_315 = arith.index_cast %parallel_loop3A_288 : i32 to index
        %parallel_loop3A_316 = tpu.vector_load %arg9[%parallel_loop3A_314, %parallel_loop3A_315] {strides = array<i32>} : memref<8x1792xf32, #tpu.memory_space<vmem>>, vector<1x16xf32>,
        %parallel_loop3A_317 = vector.shape_cast %parallel_loop3A_316 : vector<1x16xf32> to vector<16xf32>
        %parallel_loop3A_318 = vector.shape_cast %parallel_loop3A_312 : vector<16xf32> to vector<1x16xf32>
        tpu.vector_store %arg9[%parallel_loop3A_314, %parallel_loop3A_315], %parallel_loop3A_318 {strides = array<i32>} : memref<8x1792xf32, #tpu.memory_space<vmem>>, vector<1x16xf32>,
      } {sc.loop_unroll_factor = 8 : i64, sc.parallel_access}
      %parallel_loop3A_133 = arith.constant 0 : i32
      %parallel_loop3A_134 = arith.constant 1792 : i32
      %parallel_loop3A_135 = arith.constant 16 : i32
      scf.for %parallel_loop3A_288 = %parallel_loop3A_133 to %parallel_loop3A_134 step %parallel_loop3A_135  : i32 {
        %parallel_loop3A_289 = arith.constant 6 : i32
        %parallel_loop3A_290 = arith.index_cast %parallel_loop3A_289 : i32 to index
        %parallel_loop3A_291 = arith.index_cast %parallel_loop3A_288 : i32 to index
        %parallel_loop3A_292 = tpu.vector_load %arg9[%parallel_loop3A_290, %parallel_loop3A_291] {strides = array<i32>} : memref<8x1792xf32, #tpu.memory_space<vmem>>, vector<1x16xf32>,
        %parallel_loop3A_293 = vector.shape_cast %parallel_loop3A_292 : vector<1x16xf32> to vector<16xf32>
        %parallel_loop3A_294 = arith.constant 6 : i32
        %parallel_loop3A_295 = arith.index_cast %parallel_loop3A_294 : i32 to index
        %parallel_loop3A_296 = arith.index_cast %parallel_loop3A_288 : i32 to index
        %parallel_loop3A_297 = tpu.vector_load %arg10[%parallel_loop3A_295, %parallel_loop3A_296] {strides = array<i32>} : memref<8x1792xf32, #tpu.memory_space<vmem>>, vector<1x16xf32>,
        %parallel_loop3A_298 = vector.shape_cast %parallel_loop3A_297 : vector<1x16xf32> to vector<16xf32>
        %parallel_loop3A_299 = arith.constant 6 : i32
        %parallel_loop3A_300 = arith.index_cast %parallel_loop3A_299 : i32 to index
        %parallel_loop3A_301 = arith.index_cast %parallel_loop3A_288 : i32 to index
        %parallel_loop3A_302 = tpu.vector_load %arg12[%parallel_loop3A_300, %parallel_loop3A_301] {strides = array<i32>} : memref<8x1792xf32, #tpu.memory_space<vmem>>, vector<1x16xf32>,
        %parallel_loop3A_303 = vector.shape_cast %parallel_loop3A_302 : vector<1x16xf32> to vector<16xf32>
        %parallel_loop3A_304 = math.exp %parallel_loop3A_303 : vector<16xf32>
        %parallel_loop3A_305 = arith.mulf %parallel_loop3A_298, %parallel_loop3A_304 : vector<16xf32>
        %parallel_loop3A_306 = arith.constant 6 : i32
        %parallel_loop3A_307 = arith.index_cast %parallel_loop3A_306 : i32 to index
        %parallel_loop3A_308 = arith.index_cast %parallel_loop3A_288 : i32 to index
        %parallel_loop3A_309 = tpu.vector_load %arg11[%parallel_loop3A_307, %parallel_loop3A_308] {strides = array<i32>} : memref<8x1792xf32, #tpu.memory_space<vmem>>, vector<1x16xf32>,
        %parallel_loop3A_310 = vector.shape_cast %parallel_loop3A_309 : vector<1x16xf32> to vector<16xf32>
        %parallel_loop3A_311 = arith.addf %parallel_loop3A_305, %parallel_loop3A_310 : vector<16xf32>
        %parallel_loop3A_312 = arith.mulf %parallel_loop3A_293, %parallel_loop3A_311 : vector<16xf32>
        %parallel_loop3A_313 = arith.constant 6 : i32
        %parallel_loop3A_314 = arith.index_cast %parallel_loop3A_313 : i32 to index
        %parallel_loop3A_315 = arith.index_cast %parallel_loop3A_288 : i32 to index
        %parallel_loop3A_316 = tpu.vector_load %arg9[%parallel_loop3A_314, %parallel_loop3A_315] {strides = array<i32>} : memref<8x1792xf32, #tpu.memory_space<vmem>>, vector<1x16xf32>,
        %parallel_loop3A_317 = vector.shape_cast %parallel_loop3A_316 : vector<1x16xf32> to vector<16xf32>
        %parallel_loop3A_318 = vector.shape_cast %parallel_loop3A_312 : vector<16xf32> to vector<1x16xf32>
        tpu.vector_store %arg9[%parallel_loop3A_314, %parallel_loop3A_315], %parallel_loop3A_318 {strides = array<i32>} : memref<8x1792xf32, #tpu.memory_space<vmem>>, vector<1x16xf32>,
      } {sc.loop_unroll_factor = 8 : i64, sc.parallel_access}
      %parallel_loop3A_136 = arith.constant 0 : i32
      %parallel_loop3A_137 = arith.constant 1792 : i32
      %parallel_loop3A_138 = arith.constant 16 : i32
      scf.for %parallel_loop3A_288 = %parallel_loop3A_136 to %parallel_loop3A_137 step %parallel_loop3A_138  : i32 {
        %parallel_loop3A_289 = arith.constant 7 : i32
        %parallel_loop3A_290 = arith.index_cast %parallel_loop3A_289 : i32 to index
        %parallel_loop3A_291 = arith.index_cast %parallel_loop3A_288 : i32 to index
        %parallel_loop3A_292 = tpu.vector_load %arg9[%parallel_loop3A_290, %parallel_loop3A_291] {strides = array<i32>} : memref<8x1792xf32, #tpu.memory_space<vmem>>, vector<1x16xf32>,
        %parallel_loop3A_293 = vector.shape_cast %parallel_loop3A_292 : vector<1x16xf32> to vector<16xf32>
        %parallel_loop3A_294 = arith.constant 7 : i32
        %parallel_loop3A_295 = arith.index_cast %parallel_loop3A_294 : i32 to index
        %parallel_loop3A_296 = arith.index_cast %parallel_loop3A_288 : i32 to index
        %parallel_loop3A_297 = tpu.vector_load %arg10[%parallel_loop3A_295, %parallel_loop3A_296] {strides = array<i32>} : memref<8x1792xf32, #tpu.memory_space<vmem>>, vector<1x16xf32>,
        %parallel_loop3A_298 = vector.shape_cast %parallel_loop3A_297 : vector<1x16xf32> to vector<16xf32>
        %parallel_loop3A_299 = arith.constant 7 : i32
        %parallel_loop3A_300 = arith.index_cast %parallel_loop3A_299 : i32 to index
        %parallel_loop3A_301 = arith.index_cast %parallel_loop3A_288 : i32 to index
        %parallel_loop3A_302 = tpu.vector_load %arg12[%parallel_loop3A_300, %parallel_loop3A_301] {strides = array<i32>} : memref<8x1792xf32, #tpu.memory_space<vmem>>, vector<1x16xf32>,
        %parallel_loop3A_303 = vector.shape_cast %parallel_loop3A_302 : vector<1x16xf32> to vector<16xf32>
        %parallel_loop3A_304 = math.exp %parallel_loop3A_303 : vector<16xf32>
        %parallel_loop3A_305 = arith.mulf %parallel_loop3A_298, %parallel_loop3A_304 : vector<16xf32>
        %parallel_loop3A_306 = arith.constant 7 : i32
        %parallel_loop3A_307 = arith.index_cast %parallel_loop3A_306 : i32 to index
        %parallel_loop3A_308 = arith.index_cast %parallel_loop3A_288 : i32 to index
        %parallel_loop3A_309 = tpu.vector_load %arg11[%parallel_loop3A_307, %parallel_loop3A_308] {strides = array<i32>} : memref<8x1792xf32, #tpu.memory_space<vmem>>, vector<1x16xf32>,
        %parallel_loop3A_310 = vector.shape_cast %parallel_loop3A_309 : vector<1x16xf32> to vector<16xf32>
        %parallel_loop3A_311 = arith.addf %parallel_loop3A_305, %parallel_loop3A_310 : vector<16xf32>
        %parallel_loop3A_312 = arith.mulf %parallel_loop3A_293, %parallel_loop3A_311 : vector<16xf32>
        %parallel_loop3A_313 = arith.constant 7 : i32
        %parallel_loop3A_314 = arith.index_cast %parallel_loop3A_313 : i32 to index
        %parallel_loop3A_315 = arith.index_cast %parallel_loop3A_288 : i32 to index
        %parallel_loop3A_316 = tpu.vector_load %arg9[%parallel_loop3A_314, %parallel_loop3A_315] {strides = array<i32>} : memref<8x1792xf32, #tpu.memory_space<vmem>>, vector<1x16xf32>,
        %parallel_loop3A_317 = vector.shape_cast %parallel_loop3A_316 : vector<1x16xf32> to vector<16xf32>
        %parallel_loop3A_318 = vector.shape_cast %parallel_loop3A_312 : vector<16xf32> to vector<1x16xf32>
        tpu.vector_store %arg9[%parallel_loop3A_314, %parallel_loop3A_315], %parallel_loop3A_318 {strides = array<i32>} : memref<8x1792xf32, #tpu.memory_space<vmem>>, vector<1x16xf32>,
      } {sc.loop_unroll_factor = 8 : i64, sc.parallel_access}
      %jit3A_139 = arith.constant 21 : i32
      %div3A_140 = arith.divsi %mul3A_40, %jit3A_139 : i32
      %sign3A_141 = arith.constant 0 : i32
      %sign3A_142 = arith.cmpi sgt, %mul3A_40, %sign3A_141 : i32
      %sign3A_143 = arith.extui %sign3A_142 : i1 to i32
      %sign3A_144 = arith.constant 0 : i32
      %sign3A_145 = arith.cmpi slt, %mul3A_40, %sign3A_144 : i32
      %sign3A_146 = arith.extui %sign3A_145 : i1 to i32
      %sign3A_147 = arith.subi %sign3A_143, %sign3A_146 : i32
      %sign3A_148 = arith.constant 0 : i32
      %sign3A_149 = arith.cmpi sgt, %jit3A_139, %sign3A_148 : i32
      %sign3A_150 = arith.extui %sign3A_149 : i1 to i32
      %sign3A_151 = arith.constant 0 : i32
      %sign3A_152 = arith.cmpi slt, %jit3A_139, %sign3A_151 : i32
      %sign3A_153 = arith.extui %sign3A_152 : i1 to i32
      %sign3A_154 = arith.subi %sign3A_150, %sign3A_153 : i32
      %ne3A_155 = arith.cmpi ne, %sign3A_147, %sign3A_154 : i32
      %rem3A_156 = arith.remsi %mul3A_40, %jit3A_139 : i32
      %ne3A_157 = arith.constant 0 : i32
      %ne3A_158 = arith.cmpi ne, %rem3A_156, %ne3A_157 : i32
      %and3A_159 = arith.andi %ne3A_155, %ne3A_158 : i1
      %sub3A_160 = arith.constant 1 : i32
      %sub3A_161 = arith.subi %div3A_140, %sub3A_160 : i32
      %select_n3A_162 = arith.select %and3A_159, %sub3A_161, %div3A_140 : i32
      %jit3A_163 = arith.constant 21 : i32
      %eq3A_164 = arith.constant 0 : i32
      %eq3A_165 = arith.cmpi eq, %jit3A_163, %eq3A_164 : i32
      %jit3A_166 = arith.constant 1 : i32
      %select_n3A_167 = arith.select %eq3A_165, %jit3A_166, %jit3A_163 : i32
      %rem3A_168 = arith.remsi %mul3A_40, %select_n3A_167 : i32
      %ne3A_169 = arith.constant 0 : i32
      %ne3A_170 = arith.cmpi ne, %rem3A_168, %ne3A_169 : i32
      %lt3A_171 = arith.constant 0 : i32
      %lt3A_172 = arith.cmpi slt, %rem3A_168, %lt3A_171 : i32
      %lt3A_173 = arith.constant 0 : i32
      %lt3A_174 = arith.cmpi slt, %select_n3A_167, %lt3A_173 : i32
      %ne3A_175 = arith.xori %lt3A_172, %lt3A_174 : i1
      %and3A_176 = arith.andi %ne3A_175, %ne3A_170 : i1
      %add3A_177 = arith.addi %rem3A_168, %select_n3A_167 : i32
      %select_n3A_178 = arith.select %and3A_176, %add3A_177, %rem3A_168 : i32
      %mul3A_179 = arith.constant 1792 : i32
      %mul3A_180 = arith.muli %select_n3A_178, %mul3A_179 : i32
      %mul3A_181 = arith.constant 8 : i32
      %mul3A_182 = arith.muli %select_n3A_162, %mul3A_181 : i32
      %add3A_183 = arith.addi %mul3A_2, %mul3A_182 : i32
      %dma_start3A_184 = tpu.memref_slice %arg7[%add3A_183, %mul3A_180] : memref<1024x37632xf32, #tpu.memory_space<hbm>> -> memref<8x1792xf32, #tpu.memory_space<hbm>>
      %dma_start3A_185 = tpu.memref_slice %arg7[%add3A_183, %mul3A_180] : memref<1024x37632xf32, #tpu.memory_space<hbm>> -> memref<8x1792xf32, #tpu.memory_space<hbm>>
      tpu.enqueue_dma source(%arg9 : memref<8x1792xf32, #tpu.memory_space<vmem>>) target(%dma_start3A_185 : memref<8x1792xf32, #tpu.memory_space<hbm>>) target_semaphore(%arg19 : memref<!tpu.dma_semaphore, #tpu.memory_space<semaphore_mem>>)
      %lt3A_186 = arith.constant 41 : i32
      %lt3A_187 = arith.cmpi slt, %scan3A_38, %lt3A_186 : i32
      %convert_element_type3A_188 = arith.extui %lt3A_187 : i1 to i32
      %cond3A_189 = arith.constant 0 : i32
      %cond3A_190 = arith.cmpi ne, %convert_element_type3A_188, %cond3A_189 : i32
      scf.if %cond3A_190 {
        %dma_wait3A_288 = arith.constant 0 : i32
        %dma_wait3A_289 = arith.constant 0 : i32
        %dma_wait3A_290 = tpu.memref_slice %arg7[%dma_wait3A_288, %dma_wait3A_289] : memref<1024x37632xf32, #tpu.memory_space<hbm>> -> memref<8x1792xf32, #tpu.memory_space<hbm>>
        %dma_wait3A_291 = arith.constant 0 : i32
        %dma_wait3A_292 = arith.constant 0 : i32
        %dma_wait3A_293 = tpu.memref_slice %arg7[%dma_wait3A_291, %dma_wait3A_292] : memref<1024x37632xf32, #tpu.memory_space<hbm>> -> memref<8x1792xf32, #tpu.memory_space<hbm>>
        tpu.wait_dma2 semaphore(%arg19 : memref<!tpu.dma_semaphore, #tpu.memory_space<semaphore_mem>>) src(%arg9 : memref<8x1792xf32, #tpu.memory_space<vmem>>) dst(%dma_wait3A_293 : memref<8x1792xf32, #tpu.memory_space<hbm>>)
        %add3A_294 = arith.constant 2 : i32
        %add3A_295 = arith.addi %mul3A_40, %add3A_294 : i32
        %jit3A_296 = arith.constant 21 : i32
        %div3A_297 = arith.divsi %add3A_295, %jit3A_296 : i32
        %sign3A_298 = arith.constant 0 : i32
        %sign3A_299 = arith.cmpi sgt, %add3A_295, %sign3A_298 : i32
        %sign3A_300 = arith.extui %sign3A_299 : i1 to i32
        %sign3A_301 = arith.constant 0 : i32
        %sign3A_302 = arith.cmpi slt, %add3A_295, %sign3A_301 : i32
        %sign3A_303 = arith.extui %sign3A_302 : i1 to i32
        %sign3A_304 = arith.subi %sign3A_300, %sign3A_303 : i32
        %sign3A_305 = arith.constant 0 : i32
        %sign3A_306 = arith.cmpi sgt, %jit3A_296, %sign3A_305 : i32
        %sign3A_307 = arith.extui %sign3A_306 : i1 to i32
        %sign3A_308 = arith.constant 0 : i32
        %sign3A_309 = arith.cmpi slt, %jit3A_296, %sign3A_308 : i32
        %sign3A_310 = arith.extui %sign3A_309 : i1 to i32
        %sign3A_311 = arith.subi %sign3A_307, %sign3A_310 : i32
        %ne3A_312 = arith.cmpi ne, %sign3A_304, %sign3A_311 : i32
        %rem3A_313 = arith.remsi %add3A_295, %jit3A_296 : i32
        %ne3A_314 = arith.constant 0 : i32
        %ne3A_315 = arith.cmpi ne, %rem3A_313, %ne3A_314 : i32
        %and3A_316 = arith.andi %ne3A_312, %ne3A_315 : i1
        %sub3A_317 = arith.constant 1 : i32
        %sub3A_318 = arith.subi %div3A_297, %sub3A_317 : i32
        %select_n3A_319 = arith.select %and3A_316, %sub3A_318, %div3A_297 : i32
        %jit3A_320 = arith.constant 21 : i32
        %eq3A_321 = arith.constant 0 : i32
        %eq3A_322 = arith.cmpi eq, %jit3A_320, %eq3A_321 : i32
        %jit3A_323 = arith.constant 1 : i32
        %select_n3A_324 = arith.select %eq3A_322, %jit3A_323, %jit3A_320 : i32
        %rem3A_325 = arith.remsi %add3A_295, %select_n3A_324 : i32
        %ne3A_326 = arith.constant 0 : i32
        %ne3A_327 = arith.cmpi ne, %rem3A_325, %ne3A_326 : i32
        %lt3A_328 = arith.constant 0 : i32
        %lt3A_329 = arith.cmpi slt, %rem3A_325, %lt3A_328 : i32
        %lt3A_330 = arith.constant 0 : i32
        %lt3A_331 = arith.cmpi slt, %select_n3A_324, %lt3A_330 : i32
        %ne3A_332 = arith.xori %lt3A_329, %lt3A_331 : i1
        %and3A_333 = arith.andi %ne3A_332, %ne3A_327 : i1
        %add3A_334 = arith.addi %rem3A_325, %select_n3A_324 : i32
        %select_n3A_335 = arith.select %and3A_333, %add3A_334, %rem3A_325 : i32
        %mul3A_336 = arith.constant 1792 : i32
        %mul3A_337 = arith.muli %select_n3A_335, %mul3A_336 : i32
        %mul3A_338 = arith.constant 8 : i32
        %mul3A_339 = arith.muli %select_n3A_319, %mul3A_338 : i32
        %add3A_340 = arith.addi %mul3A_2, %mul3A_339 : i32
        %mul3A_341 = arith.constant 8 : i32
        %mul3A_342 = arith.muli %select_n3A_319, %mul3A_341 : i32
        %dma_start3A_343 = tpu.memref_slice %arg2[%add3A_340, %mul3A_337] : memref<1024x37632xf32, #tpu.memory_space<hbm>> -> memref<8x1792xf32, #tpu.memory_space<hbm>>
        %dma_start3A_344 = tpu.memref_slice %arg2[%add3A_340, %mul3A_337] : memref<1024x37632xf32, #tpu.memory_space<hbm>> -> memref<8x1792xf32, #tpu.memory_space<hbm>>
        tpu.enqueue_dma source(%dma_start3A_344 : memref<8x1792xf32, #tpu.memory_space<hbm>>) target(%arg9 : memref<8x1792xf32, #tpu.memory_space<vmem>>) target_semaphore(%arg17 : memref<!tpu.dma_semaphore, #tpu.memory_space<semaphore_mem>>)
        %dma_start3A_345 = tpu.memref_slice %arg3[%add3A_340, %mul3A_337] : memref<1024x37632xf32, #tpu.memory_space<hbm>> -> memref<8x1792xf32, #tpu.memory_space<hbm>>
        %dma_start3A_346 = tpu.memref_slice %arg3[%add3A_340, %mul3A_337] : memref<1024x37632xf32, #tpu.memory_space<hbm>> -> memref<8x1792xf32, #tpu.memory_space<hbm>>
        tpu.enqueue_dma source(%dma_start3A_346 : memref<8x1792xf32, #tpu.memory_space<hbm>>) target(%arg10 : memref<8x1792xf32, #tpu.memory_space<vmem>>) target_semaphore(%arg17 : memref<!tpu.dma_semaphore, #tpu.memory_space<semaphore_mem>>)
        %dma_start3A_347 = tpu.memref_slice %arg8[%mul3A_342] : memref<32xi32, #tpu.memory_space<vmem>> -> memref<8xi32, #tpu.memory_space<vmem>>
        %dma_start3A_348 = arith.constant 0 : i32
        %dma_start3A_349 = tpu.memref_slice %arg4[%dma_start3A_348, %mul3A_337] : memref<1000x37632xf32, #tpu.memory_space<hbm>> -> memref<1000x1792xf32, #tpu.memory_space<hbm>>
        tpu.enqueue_indirect_dma source(%dma_start3A_349 : memref<1000x1792xf32, #tpu.memory_space<hbm>>) target(%arg11 : memref<8x1792xf32, #tpu.memory_space<vmem>>) offsets(%dma_start3A_347 : memref<8xi32, #tpu.memory_space<vmem>>) semaphore(%arg17 : memref<!tpu.dma_semaphore, #tpu.memory_space<semaphore_mem>>)
        %dma_start3A_350 = tpu.memref_slice %arg8[%mul3A_342] : memref<32xi32, #tpu.memory_space<vmem>> -> memref<8xi32, #tpu.memory_space<vmem>>
        %dma_start3A_351 = arith.constant 0 : i32
        %dma_start3A_352 = tpu.memref_slice %arg5[%dma_start3A_351, %mul3A_337] : memref<1000x37632xf32, #tpu.memory_space<hbm>> -> memref<1000x1792xf32, #tpu.memory_space<hbm>>
        tpu.enqueue_indirect_dma source(%dma_start3A_352 : memref<1000x1792xf32, #tpu.memory_space<hbm>>) target(%arg12 : memref<8x1792xf32, #tpu.memory_space<vmem>>) offsets(%dma_start3A_350 : memref<8xi32, #tpu.memory_space<vmem>>) semaphore(%arg17 : memref<!tpu.dma_semaphore, #tpu.memory_space<semaphore_mem>>)
      } else {
      }
      %dma_wait3A_191 = arith.constant 0 : i32
      %dma_wait3A_192 = arith.constant 0 : i32
      %dma_wait3A_193 = tpu.memref_slice %arg2[%dma_wait3A_191, %dma_wait3A_192] : memref<1024x37632xf32, #tpu.memory_space<hbm>> -> memref<8x1792xf32, #tpu.memory_space<hbm>>
      %dma_wait3A_194 = arith.constant 0 : i32
      %dma_wait3A_195 = arith.constant 0 : i32
      %dma_wait3A_196 = tpu.memref_slice %arg2[%dma_wait3A_194, %dma_wait3A_195] : memref<1024x37632xf32, #tpu.memory_space<hbm>> -> memref<8x1792xf32, #tpu.memory_space<hbm>>
      tpu.wait_dma2 semaphore(%arg18 : memref<!tpu.dma_semaphore, #tpu.memory_space<semaphore_mem>>) src(%dma_wait3A_196 : memref<8x1792xf32, #tpu.memory_space<hbm>>) dst(%arg13 : memref<8x1792xf32, #tpu.memory_space<vmem>>)
      %dma_wait3A_197 = arith.constant 0 : i32
      %dma_wait3A_198 = arith.constant 0 : i32
      %dma_wait3A_199 = tpu.memref_slice %arg2[%dma_wait3A_197, %dma_wait3A_198] : memref<1024x37632xf32, #tpu.memory_space<hbm>> -> memref<8x1792xf32, #tpu.memory_space<hbm>>
      %dma_wait3A_200 = arith.constant 0 : i32
      %dma_wait3A_201 = arith.constant 0 : i32
      %dma_wait3A_202 = tpu.memref_slice %arg2[%dma_wait3A_200, %dma_wait3A_201] : memref<1024x37632xf32, #tpu.memory_space<hbm>> -> memref<8x1792xf32, #tpu.memory_space<hbm>>
      tpu.wait_dma2 semaphore(%arg18 : memref<!tpu.dma_semaphore, #tpu.memory_space<semaphore_mem>>) src(%dma_wait3A_202 : memref<8x1792xf32, #tpu.memory_space<hbm>>) dst(%arg14 : memref<8x1792xf32, #tpu.memory_space<vmem>>)
      %dma_wait3A_203 = arith.constant 0 : i32
      %dma_wait3A_204 = arith.constant 0 : i32
      %dma_wait3A_205 = tpu.memref_slice %arg2[%dma_wait3A_203, %dma_wait3A_204] : memref<1024x37632xf32, #tpu.memory_space<hbm>> -> memref<8x1792xf32, #tpu.memory_space<hbm>>
      %dma_wait3A_206 = arith.constant 0 : i32
      %dma_wait3A_207 = arith.constant 0 : i32
      %dma_wait3A_208 = tpu.memref_slice %arg2[%dma_wait3A_206, %dma_wait3A_207] : memref<1024x37632xf32, #tpu.memory_space<hbm>> -> memref<8x1792xf32, #tpu.memory_space<hbm>>
      tpu.wait_dma2 semaphore(%arg18 : memref<!tpu.dma_semaphore, #tpu.memory_space<semaphore_mem>>) src(%dma_wait3A_208 : memref<8x1792xf32, #tpu.memory_space<hbm>>) dst(%arg15 : memref<8x1792xf32, #tpu.memory_space<vmem>>)
      %dma_wait3A_209 = arith.constant 0 : i32
      %dma_wait3A_210 = arith.constant 0 : i32
      %dma_wait3A_211 = tpu.memref_slice %arg2[%dma_wait3A_209, %dma_wait3A_210] : memref<1024x37632xf32, #tpu.memory_space<hbm>> -> memref<8x1792xf32, #tpu.memory_space<hbm>>
      %dma_wait3A_212 = arith.constant 0 : i32
      %dma_wait3A_213 = arith.constant 0 : i32
      %dma_wait3A_214 = tpu.memref_slice %arg2[%dma_wait3A_212, %dma_wait3A_213] : memref<1024x37632xf32, #tpu.memory_space<hbm>> -> memref<8x1792xf32, #tpu.memory_space<hbm>>
      tpu.wait_dma2 semaphore(%arg18 : memref<!tpu.dma_semaphore, #tpu.memory_space<semaphore_mem>>) src(%dma_wait3A_214 : memref<8x1792xf32, #tpu.memory_space<hbm>>) dst(%arg16 : memref<8x1792xf32, #tpu.memory_space<vmem>>)
      %parallel_loop3A_215 = arith.constant 0 : i32
      %parallel_loop3A_216 = arith.constant 1792 : i32
      %parallel_loop3A_217 = arith.constant 16 : i32
      scf.for %parallel_loop3A_288 = %parallel_loop3A_215 to %parallel_loop3A_216 step %parallel_loop3A_217  : i32 {
        %parallel_loop3A_289 = arith.constant 0 : i32
        %parallel_loop3A_290 = arith.index_cast %parallel_loop3A_289 : i32 to index
        %parallel_loop3A_291 = arith.index_cast %parallel_loop3A_288 : i32 to index
        %parallel_loop3A_292 = tpu.vector_load %arg13[%parallel_loop3A_290, %parallel_loop3A_291] {strides = array<i32>} : memref<8x1792xf32, #tpu.memory_space<vmem>>, vector<1x16xf32>,
        %parallel_loop3A_293 = vector.shape_cast %parallel_loop3A_292 : vector<1x16xf32> to vector<16xf32>
        %parallel_loop3A_294 = arith.constant 0 : i32
        %parallel_loop3A_295 = arith.index_cast %parallel_loop3A_294 : i32 to index
        %parallel_loop3A_296 = arith.index_cast %parallel_loop3A_288 : i32 to index
        %parallel_loop3A_297 = tpu.vector_load %arg14[%parallel_loop3A_295, %parallel_loop3A_296] {strides = array<i32>} : memref<8x1792xf32, #tpu.memory_space<vmem>>, vector<1x16xf32>,
        %parallel_loop3A_298 = vector.shape_cast %parallel_loop3A_297 : vector<1x16xf32> to vector<16xf32>
        %parallel_loop3A_299 = arith.constant 0 : i32
        %parallel_loop3A_300 = arith.index_cast %parallel_loop3A_299 : i32 to index
        %parallel_loop3A_301 = arith.index_cast %parallel_loop3A_288 : i32 to index
        %parallel_loop3A_302 = tpu.vector_load %arg16[%parallel_loop3A_300, %parallel_loop3A_301] {strides = array<i32>} : memref<8x1792xf32, #tpu.memory_space<vmem>>, vector<1x16xf32>,
        %parallel_loop3A_303 = vector.shape_cast %parallel_loop3A_302 : vector<1x16xf32> to vector<16xf32>
        %parallel_loop3A_304 = math.exp %parallel_loop3A_303 : vector<16xf32>
        %parallel_loop3A_305 = arith.mulf %parallel_loop3A_298, %parallel_loop3A_304 : vector<16xf32>
        %parallel_loop3A_306 = arith.constant 0 : i32
        %parallel_loop3A_307 = arith.index_cast %parallel_loop3A_306 : i32 to index
        %parallel_loop3A_308 = arith.index_cast %parallel_loop3A_288 : i32 to index
        %parallel_loop3A_309 = tpu.vector_load %arg15[%parallel_loop3A_307, %parallel_loop3A_308] {strides = array<i32>} : memref<8x1792xf32, #tpu.memory_space<vmem>>, vector<1x16xf32>,
        %parallel_loop3A_310 = vector.shape_cast %parallel_loop3A_309 : vector<1x16xf32> to vector<16xf32>
        %parallel_loop3A_311 = arith.addf %parallel_loop3A_305, %parallel_loop3A_310 : vector<16xf32>
        %parallel_loop3A_312 = arith.mulf %parallel_loop3A_293, %parallel_loop3A_311 : vector<16xf32>
        %parallel_loop3A_313 = arith.constant 0 : i32
        %parallel_loop3A_314 = arith.index_cast %parallel_loop3A_313 : i32 to index
        %parallel_loop3A_315 = arith.index_cast %parallel_loop3A_288 : i32 to index
        %parallel_loop3A_316 = tpu.vector_load %arg13[%parallel_loop3A_314, %parallel_loop3A_315] {strides = array<i32>} : memref<8x1792xf32, #tpu.memory_space<vmem>>, vector<1x16xf32>,
        %parallel_loop3A_317 = vector.shape_cast %parallel_loop3A_316 : vector<1x16xf32> to vector<16xf32>
        %parallel_loop3A_318 = vector.shape_cast %parallel_loop3A_312 : vector<16xf32> to vector<1x16xf32>
        tpu.vector_store %arg13[%parallel_loop3A_314, %parallel_loop3A_315], %parallel_loop3A_318 {strides = array<i32>} : memref<8x1792xf32, #tpu.memory_space<vmem>>, vector<1x16xf32>,
      } {sc.loop_unroll_factor = 8 : i64, sc.parallel_access}
      %parallel_loop3A_218 = arith.constant 0 : i32
      %parallel_loop3A_219 = arith.constant 1792 : i32
      %parallel_loop3A_220 = arith.constant 16 : i32
      scf.for %parallel_loop3A_288 = %parallel_loop3A_218 to %parallel_loop3A_219 step %parallel_loop3A_220  : i32 {
        %parallel_loop3A_289 = arith.constant 1 : i32
        %parallel_loop3A_290 = arith.index_cast %parallel_loop3A_289 : i32 to index
        %parallel_loop3A_291 = arith.index_cast %parallel_loop3A_288 : i32 to index
        %parallel_loop3A_292 = tpu.vector_load %arg13[%parallel_loop3A_290, %parallel_loop3A_291] {strides = array<i32>} : memref<8x1792xf32, #tpu.memory_space<vmem>>, vector<1x16xf32>,
        %parallel_loop3A_293 = vector.shape_cast %parallel_loop3A_292 : vector<1x16xf32> to vector<16xf32>
        %parallel_loop3A_294 = arith.constant 1 : i32
        %parallel_loop3A_295 = arith.index_cast %parallel_loop3A_294 : i32 to index
        %parallel_loop3A_296 = arith.index_cast %parallel_loop3A_288 : i32 to index
        %parallel_loop3A_297 = tpu.vector_load %arg14[%parallel_loop3A_295, %parallel_loop3A_296] {strides = array<i32>} : memref<8x1792xf32, #tpu.memory_space<vmem>>, vector<1x16xf32>,
        %parallel_loop3A_298 = vector.shape_cast %parallel_loop3A_297 : vector<1x16xf32> to vector<16xf32>
        %parallel_loop3A_299 = arith.constant 1 : i32
        %parallel_loop3A_300 = arith.index_cast %parallel_loop3A_299 : i32 to index
        %parallel_loop3A_301 = arith.index_cast %parallel_loop3A_288 : i32 to index
        %parallel_loop3A_302 = tpu.vector_load %arg16[%parallel_loop3A_300, %parallel_loop3A_301] {strides = array<i32>} : memref<8x1792xf32, #tpu.memory_space<vmem>>, vector<1x16xf32>,
        %parallel_loop3A_303 = vector.shape_cast %parallel_loop3A_302 : vector<1x16xf32> to vector<16xf32>
        %parallel_loop3A_304 = math.exp %parallel_loop3A_303 : vector<16xf32>
        %parallel_loop3A_305 = arith.mulf %parallel_loop3A_298, %parallel_loop3A_304 : vector<16xf32>
        %parallel_loop3A_306 = arith.constant 1 : i32
        %parallel_loop3A_307 = arith.index_cast %parallel_loop3A_306 : i32 to index
        %parallel_loop3A_308 = arith.index_cast %parallel_loop3A_288 : i32 to index
        %parallel_loop3A_309 = tpu.vector_load %arg15[%parallel_loop3A_307, %parallel_loop3A_308] {strides = array<i32>} : memref<8x1792xf32, #tpu.memory_space<vmem>>, vector<1x16xf32>,
        %parallel_loop3A_310 = vector.shape_cast %parallel_loop3A_309 : vector<1x16xf32> to vector<16xf32>
        %parallel_loop3A_311 = arith.addf %parallel_loop3A_305, %parallel_loop3A_310 : vector<16xf32>
        %parallel_loop3A_312 = arith.mulf %parallel_loop3A_293, %parallel_loop3A_311 : vector<16xf32>
        %parallel_loop3A_313 = arith.constant 1 : i32
        %parallel_loop3A_314 = arith.index_cast %parallel_loop3A_313 : i32 to index
        %parallel_loop3A_315 = arith.index_cast %parallel_loop3A_288 : i32 to index
        %parallel_loop3A_316 = tpu.vector_load %arg13[%parallel_loop3A_314, %parallel_loop3A_315] {strides = array<i32>} : memref<8x1792xf32, #tpu.memory_space<vmem>>, vector<1x16xf32>,
        %parallel_loop3A_317 = vector.shape_cast %parallel_loop3A_316 : vector<1x16xf32> to vector<16xf32>
        %parallel_loop3A_318 = vector.shape_cast %parallel_loop3A_312 : vector<16xf32> to vector<1x16xf32>
        tpu.vector_store %arg13[%parallel_loop3A_314, %parallel_loop3A_315], %parallel_loop3A_318 {strides = array<i32>} : memref<8x1792xf32, #tpu.memory_space<vmem>>, vector<1x16xf32>,
      } {sc.loop_unroll_factor = 8 : i64, sc.parallel_access}
      %parallel_loop3A_221 = arith.constant 0 : i32
      %parallel_loop3A_222 = arith.constant 1792 : i32
      %parallel_loop3A_223 = arith.constant 16 : i32
      scf.for %parallel_loop3A_288 = %parallel_loop3A_221 to %parallel_loop3A_222 step %parallel_loop3A_223  : i32 {
        %parallel_loop3A_289 = arith.constant 2 : i32
        %parallel_loop3A_290 = arith.index_cast %parallel_loop3A_289 : i32 to index
        %parallel_loop3A_291 = arith.index_cast %parallel_loop3A_288 : i32 to index
        %parallel_loop3A_292 = tpu.vector_load %arg13[%parallel_loop3A_290, %parallel_loop3A_291] {strides = array<i32>} : memref<8x1792xf32, #tpu.memory_space<vmem>>, vector<1x16xf32>,
        %parallel_loop3A_293 = vector.shape_cast %parallel_loop3A_292 : vector<1x16xf32> to vector<16xf32>
        %parallel_loop3A_294 = arith.constant 2 : i32
        %parallel_loop3A_295 = arith.index_cast %parallel_loop3A_294 : i32 to index
        %parallel_loop3A_296 = arith.index_cast %parallel_loop3A_288 : i32 to index
        %parallel_loop3A_297 = tpu.vector_load %arg14[%parallel_loop3A_295, %parallel_loop3A_296] {strides = array<i32>} : memref<8x1792xf32, #tpu.memory_space<vmem>>, vector<1x16xf32>,
        %parallel_loop3A_298 = vector.shape_cast %parallel_loop3A_297 : vector<1x16xf32> to vector<16xf32>
        %parallel_loop3A_299 = arith.constant 2 : i32
        %parallel_loop3A_300 = arith.index_cast %parallel_loop3A_299 : i32 to index
        %parallel_loop3A_301 = arith.index_cast %parallel_loop3A_288 : i32 to index
        %parallel_loop3A_302 = tpu.vector_load %arg16[%parallel_loop3A_300, %parallel_loop3A_301] {strides = array<i32>} : memref<8x1792xf32, #tpu.memory_space<vmem>>, vector<1x16xf32>,
        %parallel_loop3A_303 = vector.shape_cast %parallel_loop3A_302 : vector<1x16xf32> to vector<16xf32>
        %parallel_loop3A_304 = math.exp %parallel_loop3A_303 : vector<16xf32>
        %parallel_loop3A_305 = arith.mulf %parallel_loop3A_298, %parallel_loop3A_304 : vector<16xf32>
        %parallel_loop3A_306 = arith.constant 2 : i32
        %parallel_loop3A_307 = arith.index_cast %parallel_loop3A_306 : i32 to index
        %parallel_loop3A_308 = arith.index_cast %parallel_loop3A_288 : i32 to index
        %parallel_loop3A_309 = tpu.vector_load %arg15[%parallel_loop3A_307, %parallel_loop3A_308] {strides = array<i32>} : memref<8x1792xf32, #tpu.memory_space<vmem>>, vector<1x16xf32>,
        %parallel_loop3A_310 = vector.shape_cast %parallel_loop3A_309 : vector<1x16xf32> to vector<16xf32>
        %parallel_loop3A_311 = arith.addf %parallel_loop3A_305, %parallel_loop3A_310 : vector<16xf32>
        %parallel_loop3A_312 = arith.mulf %parallel_loop3A_293, %parallel_loop3A_311 : vector<16xf32>
        %parallel_loop3A_313 = arith.constant 2 : i32
        %parallel_loop3A_314 = arith.index_cast %parallel_loop3A_313 : i32 to index
        %parallel_loop3A_315 = arith.index_cast %parallel_loop3A_288 : i32 to index
        %parallel_loop3A_316 = tpu.vector_load %arg13[%parallel_loop3A_314, %parallel_loop3A_315] {strides = array<i32>} : memref<8x1792xf32, #tpu.memory_space<vmem>>, vector<1x16xf32>,
        %parallel_loop3A_317 = vector.shape_cast %parallel_loop3A_316 : vector<1x16xf32> to vector<16xf32>
        %parallel_loop3A_318 = vector.shape_cast %parallel_loop3A_312 : vector<16xf32> to vector<1x16xf32>
        tpu.vector_store %arg13[%parallel_loop3A_314, %parallel_loop3A_315], %parallel_loop3A_318 {strides = array<i32>} : memref<8x1792xf32, #tpu.memory_space<vmem>>, vector<1x16xf32>,
      } {sc.loop_unroll_factor = 8 : i64, sc.parallel_access}
      %parallel_loop3A_224 = arith.constant 0 : i32
      %parallel_loop3A_225 = arith.constant 1792 : i32
      %parallel_loop3A_226 = arith.constant 16 : i32
      scf.for %parallel_loop3A_288 = %parallel_loop3A_224 to %parallel_loop3A_225 step %parallel_loop3A_226  : i32 {
        %parallel_loop3A_289 = arith.constant 3 : i32
        %parallel_loop3A_290 = arith.index_cast %parallel_loop3A_289 : i32 to index
        %parallel_loop3A_291 = arith.index_cast %parallel_loop3A_288 : i32 to index
        %parallel_loop3A_292 = tpu.vector_load %arg13[%parallel_loop3A_290, %parallel_loop3A_291] {strides = array<i32>} : memref<8x1792xf32, #tpu.memory_space<vmem>>, vector<1x16xf32>,
        %parallel_loop3A_293 = vector.shape_cast %parallel_loop3A_292 : vector<1x16xf32> to vector<16xf32>
        %parallel_loop3A_294 = arith.constant 3 : i32
        %parallel_loop3A_295 = arith.index_cast %parallel_loop3A_294 : i32 to index
        %parallel_loop3A_296 = arith.index_cast %parallel_loop3A_288 : i32 to index
        %parallel_loop3A_297 = tpu.vector_load %arg14[%parallel_loop3A_295, %parallel_loop3A_296] {strides = array<i32>} : memref<8x1792xf32, #tpu.memory_space<vmem>>, vector<1x16xf32>,
        %parallel_loop3A_298 = vector.shape_cast %parallel_loop3A_297 : vector<1x16xf32> to vector<16xf32>
        %parallel_loop3A_299 = arith.constant 3 : i32
        %parallel_loop3A_300 = arith.index_cast %parallel_loop3A_299 : i32 to index
        %parallel_loop3A_301 = arith.index_cast %parallel_loop3A_288 : i32 to index
        %parallel_loop3A_302 = tpu.vector_load %arg16[%parallel_loop3A_300, %parallel_loop3A_301] {strides = array<i32>} : memref<8x1792xf32, #tpu.memory_space<vmem>>, vector<1x16xf32>,
        %parallel_loop3A_303 = vector.shape_cast %parallel_loop3A_302 : vector<1x16xf32> to vector<16xf32>
        %parallel_loop3A_304 = math.exp %parallel_loop3A_303 : vector<16xf32>
        %parallel_loop3A_305 = arith.mulf %parallel_loop3A_298, %parallel_loop3A_304 : vector<16xf32>
        %parallel_loop3A_306 = arith.constant 3 : i32
        %parallel_loop3A_307 = arith.index_cast %parallel_loop3A_306 : i32 to index
        %parallel_loop3A_308 = arith.index_cast %parallel_loop3A_288 : i32 to index
        %parallel_loop3A_309 = tpu.vector_load %arg15[%parallel_loop3A_307, %parallel_loop3A_308] {strides = array<i32>} : memref<8x1792xf32, #tpu.memory_space<vmem>>, vector<1x16xf32>,
        %parallel_loop3A_310 = vector.shape_cast %parallel_loop3A_309 : vector<1x16xf32> to vector<16xf32>
        %parallel_loop3A_311 = arith.addf %parallel_loop3A_305, %parallel_loop3A_310 : vector<16xf32>
        %parallel_loop3A_312 = arith.mulf %parallel_loop3A_293, %parallel_loop3A_311 : vector<16xf32>
        %parallel_loop3A_313 = arith.constant 3 : i32
        %parallel_loop3A_314 = arith.index_cast %parallel_loop3A_313 : i32 to index
        %parallel_loop3A_315 = arith.index_cast %parallel_loop3A_288 : i32 to index
        %parallel_loop3A_316 = tpu.vector_load %arg13[%parallel_loop3A_314, %parallel_loop3A_315] {strides = array<i32>} : memref<8x1792xf32, #tpu.memory_space<vmem>>, vector<1x16xf32>,
        %parallel_loop3A_317 = vector.shape_cast %parallel_loop3A_316 : vector<1x16xf32> to vector<16xf32>
        %parallel_loop3A_318 = vector.shape_cast %parallel_loop3A_312 : vector<16xf32> to vector<1x16xf32>
        tpu.vector_store %arg13[%parallel_loop3A_314, %parallel_loop3A_315], %parallel_loop3A_318 {strides = array<i32>} : memref<8x1792xf32, #tpu.memory_space<vmem>>, vector<1x16xf32>,
      } {sc.loop_unroll_factor = 8 : i64, sc.parallel_access}
      %parallel_loop3A_227 = arith.constant 0 : i32
      %parallel_loop3A_228 = arith.constant 1792 : i32
      %parallel_loop3A_229 = arith.constant 16 : i32
      scf.for %parallel_loop3A_288 = %parallel_loop3A_227 to %parallel_loop3A_228 step %parallel_loop3A_229  : i32 {
        %parallel_loop3A_289 = arith.constant 4 : i32
        %parallel_loop3A_290 = arith.index_cast %parallel_loop3A_289 : i32 to index
        %parallel_loop3A_291 = arith.index_cast %parallel_loop3A_288 : i32 to index
        %parallel_loop3A_292 = tpu.vector_load %arg13[%parallel_loop3A_290, %parallel_loop3A_291] {strides = array<i32>} : memref<8x1792xf32, #tpu.memory_space<vmem>>, vector<1x16xf32>,
        %parallel_loop3A_293 = vector.shape_cast %parallel_loop3A_292 : vector<1x16xf32> to vector<16xf32>
        %parallel_loop3A_294 = arith.constant 4 : i32
        %parallel_loop3A_295 = arith.index_cast %parallel_loop3A_294 : i32 to index
        %parallel_loop3A_296 = arith.index_cast %parallel_loop3A_288 : i32 to index
        %parallel_loop3A_297 = tpu.vector_load %arg14[%parallel_loop3A_295, %parallel_loop3A_296] {strides = array<i32>} : memref<8x1792xf32, #tpu.memory_space<vmem>>, vector<1x16xf32>,
        %parallel_loop3A_298 = vector.shape_cast %parallel_loop3A_297 : vector<1x16xf32> to vector<16xf32>
        %parallel_loop3A_299 = arith.constant 4 : i32
        %parallel_loop3A_300 = arith.index_cast %parallel_loop3A_299 : i32 to index
        %parallel_loop3A_301 = arith.index_cast %parallel_loop3A_288 : i32 to index
        %parallel_loop3A_302 = tpu.vector_load %arg16[%parallel_loop3A_300, %parallel_loop3A_301] {strides = array<i32>} : memref<8x1792xf32, #tpu.memory_space<vmem>>, vector<1x16xf32>,
        %parallel_loop3A_303 = vector.shape_cast %parallel_loop3A_302 : vector<1x16xf32> to vector<16xf32>
        %parallel_loop3A_304 = math.exp %parallel_loop3A_303 : vector<16xf32>
        %parallel_loop3A_305 = arith.mulf %parallel_loop3A_298, %parallel_loop3A_304 : vector<16xf32>
        %parallel_loop3A_306 = arith.constant 4 : i32
        %parallel_loop3A_307 = arith.index_cast %parallel_loop3A_306 : i32 to index
        %parallel_loop3A_308 = arith.index_cast %parallel_loop3A_288 : i32 to index
        %parallel_loop3A_309 = tpu.vector_load %arg15[%parallel_loop3A_307, %parallel_loop3A_308] {strides = array<i32>} : memref<8x1792xf32, #tpu.memory_space<vmem>>, vector<1x16xf32>,
        %parallel_loop3A_310 = vector.shape_cast %parallel_loop3A_309 : vector<1x16xf32> to vector<16xf32>
        %parallel_loop3A_311 = arith.addf %parallel_loop3A_305, %parallel_loop3A_310 : vector<16xf32>
        %parallel_loop3A_312 = arith.mulf %parallel_loop3A_293, %parallel_loop3A_311 : vector<16xf32>
        %parallel_loop3A_313 = arith.constant 4 : i32
        %parallel_loop3A_314 = arith.index_cast %parallel_loop3A_313 : i32 to index
        %parallel_loop3A_315 = arith.index_cast %parallel_loop3A_288 : i32 to index
        %parallel_loop3A_316 = tpu.vector_load %arg13[%parallel_loop3A_314, %parallel_loop3A_315] {strides = array<i32>} : memref<8x1792xf32, #tpu.memory_space<vmem>>, vector<1x16xf32>,
        %parallel_loop3A_317 = vector.shape_cast %parallel_loop3A_316 : vector<1x16xf32> to vector<16xf32>
        %parallel_loop3A_318 = vector.shape_cast %parallel_loop3A_312 : vector<16xf32> to vector<1x16xf32>
        tpu.vector_store %arg13[%parallel_loop3A_314, %parallel_loop3A_315], %parallel_loop3A_318 {strides = array<i32>} : memref<8x1792xf32, #tpu.memory_space<vmem>>, vector<1x16xf32>,
      } {sc.loop_unroll_factor = 8 : i64, sc.parallel_access}
      %parallel_loop3A_230 = arith.constant 0 : i32
      %parallel_loop3A_231 = arith.constant 1792 : i32
      %parallel_loop3A_232 = arith.constant 16 : i32
      scf.for %parallel_loop3A_288 = %parallel_loop3A_230 to %parallel_loop3A_231 step %parallel_loop3A_232  : i32 {
        %parallel_loop3A_289 = arith.constant 5 : i32
        %parallel_loop3A_290 = arith.index_cast %parallel_loop3A_289 : i32 to index
        %parallel_loop3A_291 = arith.index_cast %parallel_loop3A_288 : i32 to index
        %parallel_loop3A_292 = tpu.vector_load %arg13[%parallel_loop3A_290, %parallel_loop3A_291] {strides = array<i32>} : memref<8x1792xf32, #tpu.memory_space<vmem>>, vector<1x16xf32>,
        %parallel_loop3A_293 = vector.shape_cast %parallel_loop3A_292 : vector<1x16xf32> to vector<16xf32>
        %parallel_loop3A_294 = arith.constant 5 : i32
        %parallel_loop3A_295 = arith.index_cast %parallel_loop3A_294 : i32 to index
        %parallel_loop3A_296 = arith.index_cast %parallel_loop3A_288 : i32 to index
        %parallel_loop3A_297 = tpu.vector_load %arg14[%parallel_loop3A_295, %parallel_loop3A_296] {strides = array<i32>} : memref<8x1792xf32, #tpu.memory_space<vmem>>, vector<1x16xf32>,
        %parallel_loop3A_298 = vector.shape_cast %parallel_loop3A_297 : vector<1x16xf32> to vector<16xf32>
        %parallel_loop3A_299 = arith.constant 5 : i32
        %parallel_loop3A_300 = arith.index_cast %parallel_loop3A_299 : i32 to index
        %parallel_loop3A_301 = arith.index_cast %parallel_loop3A_288 : i32 to index
        %parallel_loop3A_302 = tpu.vector_load %arg16[%parallel_loop3A_300, %parallel_loop3A_301] {strides = array<i32>} : memref<8x1792xf32, #tpu.memory_space<vmem>>, vector<1x16xf32>,
        %parallel_loop3A_303 = vector.shape_cast %parallel_loop3A_302 : vector<1x16xf32> to vector<16xf32>
        %parallel_loop3A_304 = math.exp %parallel_loop3A_303 : vector<16xf32>
        %parallel_loop3A_305 = arith.mulf %parallel_loop3A_298, %parallel_loop3A_304 : vector<16xf32>
        %parallel_loop3A_306 = arith.constant 5 : i32
        %parallel_loop3A_307 = arith.index_cast %parallel_loop3A_306 : i32 to index
        %parallel_loop3A_308 = arith.index_cast %parallel_loop3A_288 : i32 to index
        %parallel_loop3A_309 = tpu.vector_load %arg15[%parallel_loop3A_307, %parallel_loop3A_308] {strides = array<i32>} : memref<8x1792xf32, #tpu.memory_space<vmem>>, vector<1x16xf32>,
        %parallel_loop3A_310 = vector.shape_cast %parallel_loop3A_309 : vector<1x16xf32> to vector<16xf32>
        %parallel_loop3A_311 = arith.addf %parallel_loop3A_305, %parallel_loop3A_310 : vector<16xf32>
        %parallel_loop3A_312 = arith.mulf %parallel_loop3A_293, %parallel_loop3A_311 : vector<16xf32>
        %parallel_loop3A_313 = arith.constant 5 : i32
        %parallel_loop3A_314 = arith.index_cast %parallel_loop3A_313 : i32 to index
        %parallel_loop3A_315 = arith.index_cast %parallel_loop3A_288 : i32 to index
        %parallel_loop3A_316 = tpu.vector_load %arg13[%parallel_loop3A_314, %parallel_loop3A_315] {strides = array<i32>} : memref<8x1792xf32, #tpu.memory_space<vmem>>, vector<1x16xf32>,
        %parallel_loop3A_317 = vector.shape_cast %parallel_loop3A_316 : vector<1x16xf32> to vector<16xf32>
        %parallel_loop3A_318 = vector.shape_cast %parallel_loop3A_312 : vector<16xf32> to vector<1x16xf32>
        tpu.vector_store %arg13[%parallel_loop3A_314, %parallel_loop3A_315], %parallel_loop3A_318 {strides = array<i32>} : memref<8x1792xf32, #tpu.memory_space<vmem>>, vector<1x16xf32>,
      } {sc.loop_unroll_factor = 8 : i64, sc.parallel_access}
      %parallel_loop3A_233 = arith.constant 0 : i32
      %parallel_loop3A_234 = arith.constant 1792 : i32
      %parallel_loop3A_235 = arith.constant 16 : i32
      scf.for %parallel_loop3A_288 = %parallel_loop3A_233 to %parallel_loop3A_234 step %parallel_loop3A_235  : i32 {
        %parallel_loop3A_289 = arith.constant 6 : i32
        %parallel_loop3A_290 = arith.index_cast %parallel_loop3A_289 : i32 to index
        %parallel_loop3A_291 = arith.index_cast %parallel_loop3A_288 : i32 to index
        %parallel_loop3A_292 = tpu.vector_load %arg13[%parallel_loop3A_290, %parallel_loop3A_291] {strides = array<i32>} : memref<8x1792xf32, #tpu.memory_space<vmem>>, vector<1x16xf32>,
        %parallel_loop3A_293 = vector.shape_cast %parallel_loop3A_292 : vector<1x16xf32> to vector<16xf32>
        %parallel_loop3A_294 = arith.constant 6 : i32
        %parallel_loop3A_295 = arith.index_cast %parallel_loop3A_294 : i32 to index
        %parallel_loop3A_296 = arith.index_cast %parallel_loop3A_288 : i32 to index
        %parallel_loop3A_297 = tpu.vector_load %arg14[%parallel_loop3A_295, %parallel_loop3A_296] {strides = array<i32>} : memref<8x1792xf32, #tpu.memory_space<vmem>>, vector<1x16xf32>,
        %parallel_loop3A_298 = vector.shape_cast %parallel_loop3A_297 : vector<1x16xf32> to vector<16xf32>
        %parallel_loop3A_299 = arith.constant 6 : i32
        %parallel_loop3A_300 = arith.index_cast %parallel_loop3A_299 : i32 to index
        %parallel_loop3A_301 = arith.index_cast %parallel_loop3A_288 : i32 to index
        %parallel_loop3A_302 = tpu.vector_load %arg16[%parallel_loop3A_300, %parallel_loop3A_301] {strides = array<i32>} : memref<8x1792xf32, #tpu.memory_space<vmem>>, vector<1x16xf32>,
        %parallel_loop3A_303 = vector.shape_cast %parallel_loop3A_302 : vector<1x16xf32> to vector<16xf32>
        %parallel_loop3A_304 = math.exp %parallel_loop3A_303 : vector<16xf32>
        %parallel_loop3A_305 = arith.mulf %parallel_loop3A_298, %parallel_loop3A_304 : vector<16xf32>
        %parallel_loop3A_306 = arith.constant 6 : i32
        %parallel_loop3A_307 = arith.index_cast %parallel_loop3A_306 : i32 to index
        %parallel_loop3A_308 = arith.index_cast %parallel_loop3A_288 : i32 to index
        %parallel_loop3A_309 = tpu.vector_load %arg15[%parallel_loop3A_307, %parallel_loop3A_308] {strides = array<i32>} : memref<8x1792xf32, #tpu.memory_space<vmem>>, vector<1x16xf32>,
        %parallel_loop3A_310 = vector.shape_cast %parallel_loop3A_309 : vector<1x16xf32> to vector<16xf32>
        %parallel_loop3A_311 = arith.addf %parallel_loop3A_305, %parallel_loop3A_310 : vector<16xf32>
        %parallel_loop3A_312 = arith.mulf %parallel_loop3A_293, %parallel_loop3A_311 : vector<16xf32>
        %parallel_loop3A_313 = arith.constant 6 : i32
        %parallel_loop3A_314 = arith.index_cast %parallel_loop3A_313 : i32 to index
        %parallel_loop3A_315 = arith.index_cast %parallel_loop3A_288 : i32 to index
        %parallel_loop3A_316 = tpu.vector_load %arg13[%parallel_loop3A_314, %parallel_loop3A_315] {strides = array<i32>} : memref<8x1792xf32, #tpu.memory_space<vmem>>, vector<1x16xf32>,
        %parallel_loop3A_317 = vector.shape_cast %parallel_loop3A_316 : vector<1x16xf32> to vector<16xf32>
        %parallel_loop3A_318 = vector.shape_cast %parallel_loop3A_312 : vector<16xf32> to vector<1x16xf32>
        tpu.vector_store %arg13[%parallel_loop3A_314, %parallel_loop3A_315], %parallel_loop3A_318 {strides = array<i32>} : memref<8x1792xf32, #tpu.memory_space<vmem>>, vector<1x16xf32>,
      } {sc.loop_unroll_factor = 8 : i64, sc.parallel_access}
      %parallel_loop3A_236 = arith.constant 0 : i32
      %parallel_loop3A_237 = arith.constant 1792 : i32
      %parallel_loop3A_238 = arith.constant 16 : i32
      scf.for %parallel_loop3A_288 = %parallel_loop3A_236 to %parallel_loop3A_237 step %parallel_loop3A_238  : i32 {
        %parallel_loop3A_289 = arith.constant 7 : i32
        %parallel_loop3A_290 = arith.index_cast %parallel_loop3A_289 : i32 to index
        %parallel_loop3A_291 = arith.index_cast %parallel_loop3A_288 : i32 to index
        %parallel_loop3A_292 = tpu.vector_load %arg13[%parallel_loop3A_290, %parallel_loop3A_291] {strides = array<i32>} : memref<8x1792xf32, #tpu.memory_space<vmem>>, vector<1x16xf32>,
        %parallel_loop3A_293 = vector.shape_cast %parallel_loop3A_292 : vector<1x16xf32> to vector<16xf32>
        %parallel_loop3A_294 = arith.constant 7 : i32
        %parallel_loop3A_295 = arith.index_cast %parallel_loop3A_294 : i32 to index
        %parallel_loop3A_296 = arith.index_cast %parallel_loop3A_288 : i32 to index
        %parallel_loop3A_297 = tpu.vector_load %arg14[%parallel_loop3A_295, %parallel_loop3A_296] {strides = array<i32>} : memref<8x1792xf32, #tpu.memory_space<vmem>>, vector<1x16xf32>,
        %parallel_loop3A_298 = vector.shape_cast %parallel_loop3A_297 : vector<1x16xf32> to vector<16xf32>
        %parallel_loop3A_299 = arith.constant 7 : i32
        %parallel_loop3A_300 = arith.index_cast %parallel_loop3A_299 : i32 to index
        %parallel_loop3A_301 = arith.index_cast %parallel_loop3A_288 : i32 to index
        %parallel_loop3A_302 = tpu.vector_load %arg16[%parallel_loop3A_300, %parallel_loop3A_301] {strides = array<i32>} : memref<8x1792xf32, #tpu.memory_space<vmem>>, vector<1x16xf32>,
        %parallel_loop3A_303 = vector.shape_cast %parallel_loop3A_302 : vector<1x16xf32> to vector<16xf32>
        %parallel_loop3A_304 = math.exp %parallel_loop3A_303 : vector<16xf32>
        %parallel_loop3A_305 = arith.mulf %parallel_loop3A_298, %parallel_loop3A_304 : vector<16xf32>
        %parallel_loop3A_306 = arith.constant 7 : i32
        %parallel_loop3A_307 = arith.index_cast %parallel_loop3A_306 : i32 to index
        %parallel_loop3A_308 = arith.index_cast %parallel_loop3A_288 : i32 to index
        %parallel_loop3A_309 = tpu.vector_load %arg15[%parallel_loop3A_307, %parallel_loop3A_308] {strides = array<i32>} : memref<8x1792xf32, #tpu.memory_space<vmem>>, vector<1x16xf32>,
        %parallel_loop3A_310 = vector.shape_cast %parallel_loop3A_309 : vector<1x16xf32> to vector<16xf32>
        %parallel_loop3A_311 = arith.addf %parallel_loop3A_305, %parallel_loop3A_310 : vector<16xf32>
        %parallel_loop3A_312 = arith.mulf %parallel_loop3A_293, %parallel_loop3A_311 : vector<16xf32>
        %parallel_loop3A_313 = arith.constant 7 : i32
        %parallel_loop3A_314 = arith.index_cast %parallel_loop3A_313 : i32 to index
        %parallel_loop3A_315 = arith.index_cast %parallel_loop3A_288 : i32 to index
        %parallel_loop3A_316 = tpu.vector_load %arg13[%parallel_loop3A_314, %parallel_loop3A_315] {strides = array<i32>} : memref<8x1792xf32, #tpu.memory_space<vmem>>, vector<1x16xf32>,
        %parallel_loop3A_317 = vector.shape_cast %parallel_loop3A_316 : vector<1x16xf32> to vector<16xf32>
        %parallel_loop3A_318 = vector.shape_cast %parallel_loop3A_312 : vector<16xf32> to vector<1x16xf32>
        tpu.vector_store %arg13[%parallel_loop3A_314, %parallel_loop3A_315], %parallel_loop3A_318 {strides = array<i32>} : memref<8x1792xf32, #tpu.memory_space<vmem>>, vector<1x16xf32>,
      } {sc.loop_unroll_factor = 8 : i64, sc.parallel_access}
      %add3A_239 = arith.constant 1 : i32
      %add3A_240 = arith.addi %mul3A_40, %add3A_239 : i32
      %jit3A_241 = arith.constant 21 : i32
      %div3A_242 = arith.divsi %add3A_240, %jit3A_241 : i32
      %sign3A_243 = arith.constant 0 : i32
      %sign3A_244 = arith.cmpi sgt, %add3A_240, %sign3A_243 : i32
      %sign3A_245 = arith.extui %sign3A_244 : i1 to i32
      %sign3A_246 = arith.constant 0 : i32
      %sign3A_247 = arith.cmpi slt, %add3A_240, %sign3A_246 : i32
      %sign3A_248 = arith.extui %sign3A_247 : i1 to i32
      %sign3A_249 = arith.subi %sign3A_245, %sign3A_248 : i32
      %sign3A_250 = arith.constant 0 : i32
      %sign3A_251 = arith.cmpi sgt, %jit3A_241, %sign3A_250 : i32
      %sign3A_252 = arith.extui %sign3A_251 : i1 to i32
      %sign3A_253 = arith.constant 0 : i32
      %sign3A_254 = arith.cmpi slt, %jit3A_241, %sign3A_253 : i32
      %sign3A_255 = arith.extui %sign3A_254 : i1 to i32
      %sign3A_256 = arith.subi %sign3A_252, %sign3A_255 : i32
      %ne3A_257 = arith.cmpi ne, %sign3A_249, %sign3A_256 : i32
      %rem3A_258 = arith.remsi %add3A_240, %jit3A_241 : i32
      %ne3A_259 = arith.constant 0 : i32
      %ne3A_260 = arith.cmpi ne, %rem3A_258, %ne3A_259 : i32
      %and3A_261 = arith.andi %ne3A_257, %ne3A_260 : i1
      %sub3A_262 = arith.constant 1 : i32
      %sub3A_263 = arith.subi %div3A_242, %sub3A_262 : i32
      %select_n3A_264 = arith.select %and3A_261, %sub3A_263, %div3A_242 : i32
      %jit3A_265 = arith.constant 21 : i32
      %eq3A_266 = arith.constant 0 : i32
      %eq3A_267 = arith.cmpi eq, %jit3A_265, %eq3A_266 : i32
      %jit3A_268 = arith.constant 1 : i32
      %select_n3A_269 = arith.select %eq3A_267, %jit3A_268, %jit3A_265 : i32
      %rem3A_270 = arith.remsi %add3A_240, %select_n3A_269 : i32
      %ne3A_271 = arith.constant 0 : i32
      %ne3A_272 = arith.cmpi ne, %rem3A_270, %ne3A_271 : i32
      %lt3A_273 = arith.constant 0 : i32
      %lt3A_274 = arith.cmpi slt, %rem3A_270, %lt3A_273 : i32
      %lt3A_275 = arith.constant 0 : i32
      %lt3A_276 = arith.cmpi slt, %select_n3A_269, %lt3A_275 : i32
      %ne3A_277 = arith.xori %lt3A_274, %lt3A_276 : i1
      %and3A_278 = arith.andi %ne3A_277, %ne3A_272 : i1
      %add3A_279 = arith.addi %rem3A_270, %select_n3A_269 : i32
      %select_n3A_280 = arith.select %and3A_278, %add3A_279, %rem3A_270 : i32
      %mul3A_281 = arith.constant 1792 : i32
      %mul3A_282 = arith.muli %select_n3A_280, %mul3A_281 : i32
      %mul3A_283 = arith.constant 8 : i32
      %mul3A_284 = arith.muli %select_n3A_264, %mul3A_283 : i32
      %add3A_285 = arith.addi %mul3A_2, %mul3A_284 : i32
      %dma_start3A_286 = tpu.memref_slice %arg7[%add3A_285, %mul3A_282] : memref<1024x37632xf32, #tpu.memory_space<hbm>> -> memref<8x1792xf32, #tpu.memory_space<hbm>>
      %dma_start3A_287 = tpu.memref_slice %arg7[%add3A_285, %mul3A_282] : memref<1024x37632xf32, #tpu.memory_space<hbm>> -> memref<8x1792xf32, #tpu.memory_space<hbm>>
      tpu.enqueue_dma source(%arg13 : memref<8x1792xf32, #tpu.memory_space<vmem>>) target(%dma_start3A_287 : memref<8x1792xf32, #tpu.memory_space<hbm>>) target_semaphore(%arg20 : memref<!tpu.dma_semaphore, #tpu.memory_space<semaphore_mem>>)
    }
    %scan3A_26 = arith.constant 42 : i32
    %dma_wait3A = arith.constant 0 : i32
    %dma_wait3A_27 = arith.constant 0 : i32
    %dma_wait3A_28 = tpu.memref_slice %arg7[%dma_wait3A, %dma_wait3A_27] : memref<1024x37632xf32, #tpu.memory_space<hbm>> -> memref<8x1792xf32, #tpu.memory_space<hbm>>
    %dma_wait3A_29 = arith.constant 0 : i32
    %dma_wait3A_30 = arith.constant 0 : i32
    %dma_wait3A_31 = tpu.memref_slice %arg7[%dma_wait3A_29, %dma_wait3A_30] : memref<1024x37632xf32, #tpu.memory_space<hbm>> -> memref<8x1792xf32, #tpu.memory_space<hbm>>
    tpu.wait_dma2 semaphore(%arg19 : memref<!tpu.dma_semaphore, #tpu.memory_space<semaphore_mem>>) src(%arg9 : memref<8x1792xf32, #tpu.memory_space<vmem>>) dst(%dma_wait3A_31 : memref<8x1792xf32, #tpu.memory_space<hbm>>)
    %dma_wait3A_32 = arith.constant 0 : i32
    %dma_wait3A_33 = arith.constant 0 : i32
    %dma_wait3A_34 = tpu.memref_slice %arg7[%dma_wait3A_32, %dma_wait3A_33] : memref<1024x37632xf32, #tpu.memory_space<hbm>> -> memref<8x1792xf32, #tpu.memory_space<hbm>>
    %dma_wait3A_35 = arith.constant 0 : i32
    %dma_wait3A_36 = arith.constant 0 : i32
    %dma_wait3A_37 = tpu.memref_slice %arg7[%dma_wait3A_35, %dma_wait3A_36] : memref<1024x37632xf32, #tpu.memory_space<hbm>> -> memref<8x1792xf32, #tpu.memory_space<hbm>>
    tpu.wait_dma2 semaphore(%arg20 : memref<!tpu.dma_semaphore, #tpu.memory_space<semaphore_mem>>) src(%arg13 : memref<8x1792xf32, #tpu.memory_space<vmem>>) dst(%dma_wait3A_37 : memref<8x1792xf32, #tpu.memory_space<hbm>>)
    return
  }
}

</mosaic_0001>

<sc_bundles>
// kernel: kernel.3.cloned.1.call-start
scs
__scs_entry_jumppad:
0x0: {  	(pc) =	sbr.rel $0x88, $3  }
0x1: {  	(tag) =	ssettag $0x0;
	lr =	simm.s32 $0x1  }
0x2: {  	[smem:$0x3F9C] =	sst lr;
	_ =	strace $0xD0000000  }
0x3: {  	_ = 	snop  }
0x4: {  	_ = 	snop  }
0x5: {  	_ = 	snop  }
0x6: {  	_ = 	snop  }
0x7: {  	_ = 	snop  }
__scs_overlays_trampoline_lowered:
0x8: {  	[smem:$0x3FAB] =	sst s0  }
0x9: {  	[smem:$0x3FAC] =	sst s1  }
0xa: {  	[smem:$0x3FAD] =	sst s2  }
0xb: {  	[smem:$0x3FAE] =	sst s3  }
0xc: {  	[smem:$0x3FAF] =	sst s4  }
0xd: {  	[smem:$0x3FB0] =	sst s5  }
0xe: {  	[smem:$0x3FB1] =	sst s6  }
0xf: {  	[smem:$0x3FB2] =	sst s7  }
0x10: {  	[smem:$0x3FB3] =	sst s8  }
0x11: {  	[smem:$0x3FB4] =	sst s9;
	s0 =	simm.s32 @!p0 $0x0  }
0x12: {  	s1 =	sld [smem:$0x3F9A];
	s0 =	simm.s32 @p0 $0x1  }
0x13: {  	[smem:$0x3FB5] =	sst s0;
	s0 =	simm.s32 @!p1 $0x0  }
0x14: {  	s2 =	sld [smem:$0x3F99];
	s0 =	simm.s32 @p1 $0x1  }
0x15: {  	[smem:$0x3FB6] =	sst s0;
	s0 =	simm.s32 @!p2 $0x0  }
0x16: {  	s3 =	sld [smem:$0x3FDB];
	s0 =	simm.s32 @p2 $0x1  }
0x17: {  	s4 =	simm.s32 $0x1BF5;
	[smem:$0x3FB8] =	sst s0  }
0x18: {  	s0 =	sld [smem:$0x3F9B];
	_ =	swait.ge [sflag:s4], $0x0  }
0x19: {  	s7 =	sld [smem:$0x3F9C]  }
0x1a: {  	s8 =	sadd.s32 $0xFFFFE003, lr  }
0x1b: {  	s9 =	sadd.s32 $0xFFFFFEF7, lr;
	s5 =	simm.s32 $0xFFFFFFFF;
	p2 =	slt.u32 s8, $0xFFFFF086  }
0x1c: {  	p1 =	slt.u32 s9, $0xF7A;
	s5 =	simm.s32 @!p2 $0x0  }
0x1d: {  	s5 =	simm.s32 @p1 $0x1;
	p0 =	seq.s32 s7, s2  }
0x1e: {  	s7 =	smul.u32 @!p0 $0xF7A, s2;
	p2 =	seq.s32 @!p0 s5, $0x0  }
0x1f: {  	s9 =	smul.u32 $0xF7A, s1;
	s8 =	simm.s32 @!p0 $0x1BF5;
	p2 =	por !p2, p0  }
0x20: {  	[sflag:s8] =	ssyncset.s32 @!p0 $0xFFFFF086;
	s6 =	sadd.s32 @!p0 s3, s7;
	s7 =	simm.s32 @!p0 $0x108  }
0x21: {  	s3 =	sadd.s32 s3, s9;
	s6 =	sadd.s32 @!p0 $0x88, s6;
	s7 =	simm.s32 @p2 $0x1082  }
0x22: {  	[simem:s7], [sflag:s8] =	dma.local @!p0 [hbm:s6], $0xF7A  }
0x23: {  	s9 =	sor.u32 $0xD0000000, s2;
	s6 =	simm.s32 $0x108;
	_ =	swait.ge @!p0 [sflag:s8], $0x0  }
0x24: {  	s3 =	sadd.s32 $0x88, s3;
	s6 =	simm.s32 @!p1 $0x1082;
	[sflag:s4] =	ssyncset.s32 $0xFFFFF086  }
0x25: {  	[simem:s6], [sflag:s4] =	dma.local [hbm:s3], $0xF7A  }
0x26: {  	[smem:$0x3F9C] =	sst s1;
	(tag) =	ssettag s2;
	_ =	strace s9  }
0x27: {  	s1 =	sld [smem:$0x3FAC]  }
0x28: {  	s2 =	sld [smem:$0x3FAD]  }
0x29: {  	s4 =	sld [smem:$0x3FAF]  }
0x2a: {  	p0 =	seq.s32 s5, $0x0;
	s5 =	sld [smem:$0x3FB0]  }
0x2b: {  	s6 =	sld [smem:$0x3FB1]  }
0x2c: {  	s7 =	sld [smem:$0x3FB2]  }
0x2d: {  	s3 =	simm.s32 $0x108;
	s8 =	sld [smem:$0x3FB3]  }
0x2e: {  	s3 =	simm.s32 @!p0 $0x1082;
	s9 =	sld [smem:$0x3FB4]  }
0x2f: {  	lr =	sadd.s32 s0, s3;
	s0 =	sld [smem:$0x3FAB]  }
0x30: {  	s3 =	sld [smem:$0x3FAE]  }
0x31: {  	[smem:$0x3FB7] =	sst s10  }
0x32: {  	s10 =	sld [smem:$0x3FB5];
	_ =	sdelay $0x3  }
0x33: {  	p0 =	seq.s32 s10, $0x1;
	s10 =	sld [smem:$0x3FB7];
	_ =	sdelay $0x3  }
0x34: {  	[smem:$0x3FB7] =	sst s10  }
0x35: {  	s10 =	sld [smem:$0x3FB6];
	_ =	sdelay $0x3  }
0x36: {  	p1 =	seq.s32 s10, $0x1;
	s10 =	sld [smem:$0x3FB7];
	_ =	sdelay $0x3  }
0x37: {  	[smem:$0x3FB7] =	sst s10  }
0x38: {  	s10 =	sld [smem:$0x3FB8]  }
0x39: {  	_ = 	snop;
	(pc) =	sbr.ind lr, $3  }
0x3a: {  	_ = 	snop  }
0x3b: {  	_ = 	snop  }
0x3c: {  	p2 =	seq.s32 s10, $0x1;
	s10 =	sld [smem:$0x3FB7]  }
0x3d: {  	_ =	shalt  }
0x3e: {  	_ =	shalt  }
0x3f: {  	_ =	shalt  }
0x40: {  	_ =	shalt  }
0x41: {  	_ =	shalt  }
0x42: {  	_ =	shalt  }
0x43: {  	_ =	shalt  }
0x44: {  	_ =	shalt  }
0x45: {  	_ =	shalt  }
0x46: {  	_ =	shalt  }
0x47: {  	_ =	shalt  }
0x48: {  	_ =	shalt  }
0x49: {  	_ =	shalt  }
0x4a: {  	_ =	shalt  }
0x4b: {  	_ =	shalt  }
0x4c: {  	_ =	shalt  }
0x4d: {  	_ =	shalt  }
0x4e: {  	_ =	shalt  }
0x4f: {  	_ =	shalt  }
0x50: {  	_ =	shalt  }
0x51: {  	_ =	shalt  }
0x52: {  	_ =	shalt  }
0x53: {  	_ =	shalt  }
0x54: {  	_ =	shalt  }
0x55: {  	_ =	shalt  }
0x56: {  	_ =	shalt  }
0x57: {  	_ =	shalt  }
0x58: {  	_ =	shalt  }
0x59: {  	_ =	shalt  }
0x5a: {  	_ =	shalt  }
0x5b: {  	_ =	shalt  }
0x5c: {  	_ =	shalt  }
0x5d: {  	_ =	shalt  }
0x5e: {  	_ =	shalt  }
0x5f: {  	_ =	shalt  }
0x60: {  	_ =	shalt  }
0x61: {  	_ =	shalt  }
0x62: {  	_ =	shalt  }
0x63: {  	_ =	shalt  }
0x64: {  	_ =	shalt  }
0x65: {  	_ =	shalt  }
0x66: {  	_ =	shalt  }
0x67: {  	_ =	shalt  }
0x68: {  	_ =	shalt  }
0x69: {  	_ =	shalt  }
0x6a: {  	_ =	shalt  }
0x6b: {  	_ =	shalt  }
0x6c: {  	_ =	shalt  }
0x6d: {  	_ =	shalt  }
0x6e: {  	_ =	shalt  }
0x6f: {  	_ =	shalt  }
0x70: {  	_ =	shalt  }
0x71: {  	_ =	shalt  }
0x72: {  	_ =	shalt  }
0x73: {  	_ =	shalt  }
0x74: {  	_ =	shalt  }
0x75: {  	_ =	shalt  }
0x76: {  	_ =	shalt  }
0x77: {  	_ =	shalt  }
0x78: {  	_ =	shalt  }
0x79: {  	_ =	shalt  }
0x7a: {  	_ =	shalt  }
0x7b: {  	_ =	shalt  }
0x7c: {  	_ =	shalt  }
0x7d: {  	_ =	shalt  }
0x7e: {  	_ =	shalt  }
0x7f: {  	_ =	shalt  }
0x80: {  	_ =	shalt  }
0x81: {  	_ =	shalt  }
0x82: {  	_ =	shalt  }
0x83: {  	_ =	shalt  }
0x84: {  	_ =	shalt  }
0x85: {  	_ =	shalt  }
0x86: {  	_ =	shalt  }
0x87: {  	_ =	shalt  }
.Lfunc_end0:
.L_simem_size_0:
called_computation.1_lowered:
.L_overlay_start_0:
0x88: {  	s2 =	sld [smem:$0x3FD9]  }
0x89: {  	s3 =	sld [smem:$0x3FFE];
	_ =	sdelay $0x1  }
0x8a: {  	s1 =	srdreg.scid  }
0x8b: {  	s0 =	sand.u32 $0x1, s1  }
0x8c: {  	s17 =	sshll.u32 s0, $0xA;
	s2 =	sadd.s32 s3, s2  }
0x8d: {  	s2 =	sadd.s32 s2, s17  }
0x8e: {  	[smem:$0x3FC3] =	sst s2  }
0x8f: {  	_ = 	snop  }
0x90: {  	s2 =	sld [smem:$0x3FC6]  }
0x91: {  	s18 =	sld [smem:$0x3FC5]  }
0x92: {  	s4 =	sld [smem:$0x3FD0];
	(tm) =	ssettm $0x1  }
0x93: {  	s5 =	sld [smem:$0x3FFB];
	_ =	sdelay $0x3  }
0x94: {  	_ =	strace s5  }
0x95: {  	s5 =	sld [smem:$0x3FFC];
	_ =	sdelay $0x3  }
0x96: {  	_ =	strace s5  }
0x97: {  	s5 =	sld [smem:$0x3FFD];
	_ =	sdelay $0x3  }
0x98: {  	_ =	strace s5  }
0x99: {  	_ =	strace $0x8FFFFFFF  }
0x9a: {  	s19 =	sld [smem:$0x3FDB];
	_ =	sdelay $0x1  }
0x9b: {  	s6 =	simm.s32 $_scs_section_size  }
0x9c: {  	s7 =	simm.s32 $_size__tile_overlayer_lowered;
	s8 =	simm.s32 $_tile_overlayer_lowered  }
0x9d: {  	s22 =	simm.s32 $0x1BFF;
	s21 =	sshll.u32 s8, $0x1;
	s5 =	sadd.s32 s6, s19  }
0x9e: {  	s9 =	simm.s32 $0x0;
	s20 =	sshll.u32 s7, $0x1;
	s7 =	sadd.s32 s21, s5  }
0x9f: {  	[timem:s9], [sflag:s22] =	dma.local [hbm:s7], s20  }
0xa0: {  	_ =	swait.ge [sflag:s22], s20  }
0xa1: {  	s6 =	ssub.s32 $0x0, s20;
	[sflag:s22] =	ssyncset.done $0x0  }
0xa2: {  	[sflag:s22] =	ssyncadd.s32 s6;
	_ =	sdelay $0x1  }
0xa3: {  	s23 =	simm.s32 $0x1B8B  }
0xa4: {  	_ =	swait.ge [sflag:s23], $0x1  }
0xa5: {  	[sflag:s23] =	ssyncset.done $0x0  }
0xa6: {  	s25 =	simm.s32 $0x1B8E;
	s24 =	sld [smem:$0x3FFE];
	[sflag:s23] =	ssyncadd.s32 $0xFFFFFFFF  }
0xa7: {  	s26 =	simm.s32 $execute0_lowered;
	[smem:$0x3FD2] =	sst s25  }
0xa8: {  	s7 =	sshll.u32 s26, $0x1;
	_ =	strace $0x80000046;
	[dreg:$0x1] =	wrdreg $0xFFFFFFFF  }
0xa9: {  	s28 =	simm.s32 $_size_execute0_lowered;
	s5 =	sadd.s32 s5, s7;
	[dreg:$0x0] =	wrdreg $0x0  }
0xaa: {  	s7 =	sshll.u32 s28, $0x1;
	[dreg:$0x2] =	wrdreg s5  }
0xab: {  	[dreg:$0x3] =	wrdreg s7  }
0xac: {  	[dreg:$0x4] =	wrdreg $0xC0  }
0xad: {  	_ =	task [dreg:s9], $0x5FFFF  }
0xae: {  	[dreg:$0x1] =	wrdreg $0xFFFFFFFF  }
0xaf: {  	[dreg:$0x0] =	wrdreg $0x60  }
0xb0: {  	[dreg:$0x2] =	wrdreg s24  }
0xb1: {  	[dreg:$0x3] =	wrdreg s4  }
0xb2: {  	[dreg:$0x4] =	wrdreg s2  }
0xb3: {  	[dreg:$0x5] =	wrdreg s18  }
0xb4: {  	[dreg:$0x6] =	wrdreg $0x9  }
0xb5: {  	_ =	task.clear_ibuf [dreg:s9], $0x7FFFF;
	_ =	strace $0x90000046  }
0xb6: {  	s29 =	simm.s32 $0x9;
	_ =	strace $0x80000048  }
0xb7: {  	_ =	swait.ge [sflag:s29], $0x1  }
0xb8: {  	[sflag:s29] =	ssyncadd.s32 $0xFFFFFFFF  }
0xb9: {  	_ =	strace $0x90000048  }
0xba: {  	_ =	sfence  }
0xbb: {  	s30 =	sld [smem:$0x0];
	_ =	sdelay $0x2  }
0xbc: {  	s31 =	sshll.u32 s1, $0xD;
	s1 =	sshrl.u32 s1, $0x2  }
0xbd: {  	s3 =	sand.u32 $0x4000, s31;
	s1 =	sadd.s32 s1, s30  }
0xbe: {  	s0 =	sor.u32 s3, s0;
	s1 =	sshll.u32 s1, $0x11  }
0xbf: {  	s0 =	sor.u32 s1, s0  }
0xc0: {  	s0 =	sadd.s32 $0x8F2B, s0  }
0xc1: {  	[sflag:s0] =	ssyncadd.remote.s32 $0x1  }
0xc2: {  	_ =	sfence.sel $0xFFFF  }
0xc3: {  	[dreg:$0x0] =	wrdreg $0xFFFFFFFF;
	(pc) =	sbr.abs _section_cstart, $3  }
0xc4: {  	[dreg:$0x1] =	wrdreg $0xFFFFFFFF  }
0xc5: {  	_ =	task.clear_ibuf [dreg:s9], $0x2FFFF;
	_ =	strace $0x9FFFFFFF  }
0xc6: {  	(tm) =	ssettm $0x7FFFFFFF  }
0xc7: {  	_ =	shalt  }
tec
execute0_lowered:
.L_overlay_start_1:
0x0: {  	(tag) =	ssettag $0x1  }
0x1: {  	s0 =	rddreg [dreg:$0x0]  }
0x2: {  	s1 =	rddreg [dreg:$0x1]  }
0x3: {  	s2 =	rddreg [dreg:$0x2]  }
0x4: {  	s4 =	rddreg [dreg:$0x3];
	s5 =	simm.s32 $0x0  }
0x5: {  	[smem:$0x7FF] =	sst s5;
	s17 =	sadd.s32 $0x100, s2  }
0x6: {  	s18 =	sadd.s32 $0x200, s2;
	_ =	strace $0x80000047;
	[dreg:$0x8] =	wrdreg s17  }
0x7: {  	s3 =	srdreg.scid;
	s19 =	sadd.s32 $0x300, s2;
	[dreg:$0x9] =	wrdreg s18  }
0x8: {  	s6 =	stileid.u32;
	s20 =	sadd.s32 $0x400, s2;
	[dreg:$0xa] =	wrdreg s19  }
0x9: {  	s30 =	simm.s32 $0x19080;
	s21 =	sadd.s32 $0x500, s2;
	[dreg:$0xb] =	wrdreg s20  }
0xa: {  	s31 =	simm.s32 $0x19880;
	s22 =	sadd.s32 $0x600, s2;
	[dreg:$0xc] =	wrdreg s21  }
0xb: {  	s12 =	simm.s32 $0x2;
	s23 =	sadd.s32 $0x100, s4;
	[dreg:$0xd] =	wrdreg s22  }
0xc: {  	s3 =	sand.u32 $0x1, s3;
	s24 =	sadd.s32 $0x200, s4;
	[dreg:$0xe] =	wrdreg s23  }
0xd: {  	s6 =	sshll.u32 s6, $0x3;
	s25 =	sadd.s32 $0x300, s4;
	[dreg:$0xf] =	wrdreg s24  }
0xe: {  	s8 =	sadd.s32 $0x498C00, s0;
	s26 =	sadd.s32 $0x400, s4;
	[dreg:$0x10] =	wrdreg s25  }
0xf: {  	s28 =	sadd.s32 $0x500, s4;
	s29 =	sadd.s32 $0x600, s4;
	[dreg:$0x11] =	wrdreg s26  }
0x10: {  	s7 =	sshll.u32 s3, $0x2;
	s3 =	ssub.s32 $0x2, s3;
	[dreg:$0x12] =	wrdreg s28  }
0x11: {  	[dreg:$0x13] =	wrdreg s29;
	s26 =	simm.s32 $0x80;
	s18 =	simm.s32 $0xE080  }
0x12: {  	s6 =	sor.u32 s7, s6;
	s7 =	sadd.s32 $0xC00, s0;
	s9 =	sshrl.u32 s3, $0x1  }
0x13: {  	s10 =	smul.u32 $0x9300, s6;
	s11 =	sadd.s32 s6, s0;
	s13 =	ssub.s32 s3, s9  }
0x14: {  	s3 =	simm.s32 $0x1A880;
	s9 =	simm.s32 $0x1B080;
	s14 =	sadd.s32 $0xA00, s11  }
0x15: {  	s0 =	smax.u32 s13, $0x1;
	s11 =	simm.s32 $0x1;
	[dreg:$0x5] =	wrdreg s14  }
0x16: {  	v0 =	vlaneseq.u32;
	s13 =	simm.s32 $0x3;
	s15 =	sadd.s32 s7, s10;
	[dreg:$0x14] =	wrdreg s0  }
0x17: {  	v1 =	vshrl.u32 v0, $0x3;
	s16 =	sadd.s32 s1, s10;
	s0 =	simm.s32 $0x1A080;
	[dreg:$0x6] =	wrdreg s15  }
0x18: {  	vm0 =	vmmov $0xffff;
	v0 =	vand.u32 $0x7, v0;
	v1 =	vmul.u32 $0x8, v1;
	s10 =	simm.s32 $0x1B880;
	[dreg:$0x7] =	wrdreg s16;
	s16 =	simm.s32 $0x0  }
.LBB2_1:
0x19: {  	[dreg:$0x15] =	wrdreg s16  }
0x1a: {  	s14 =	rddreg [dreg:$0x5];
	s22 =	simm.s32 $0x5  }
0x1b: {  	[tilespmem:s5], [sflag:$0x5] =	stream.linear.gather [hbm4b:s14+s5], $0x20, $0x38;
	[tilespmem:$0x1C080] =	vst v63  }
0x1c: {  	_ =	swait.ge [sflag:s22], $0x20  }
0x1d: {  	[sflag:s22] =	ssyncset.done $0x0  }
0x1e: {  	s23 =	rddreg [dreg:$0x6];
	[sflag:s22] =	ssyncadd.s32 $0xFFFFFFE0  }
0x1f: {  	[tilespmem:s26], [sflag:$0x1] =	stream.linear.gather [hbm4b:s23+s5], $0x3800, $0x38;
	[tilespmem:$0x1C080] =	vst v63  }
0x20: {  	s15 =	simm.s32 $0x3880;
	s24 =	rddreg [dreg:$0x7]  }
0x21: {  	[tilespmem:s15], [sflag:$0x1] =	stream.linear.gather [hbm4b:s24+s5], $0x3800, $0x38;
	[tilespmem:$0x1C080] =	vst v63  }
0x22: {  	v2 =	vld.msk [tilespmem:$0x0], $0xff;
	_ =	sdelay $0x4  }
0x23: {  	v3 =	vshrl.u32 v2, $0x3  }
0x24: {  	v3 =	vmul.u32 $0x930, v3  }
0x25: {  	v2 =	vand.u32 $0x7, v2  }
0x26: {  	v2 =	vor.u32 v2, v3  }
0x27: {  	v2 =	vperm.xlane v2, v0;
	_ =	sdelay $0x1  }
0x28: {  	v2 =	vadd.s32 v1, v2;
	_ =	sdelay $0x3  }
0x29: {  	s25 =	simm.s32 $0x7080  }
0x2a: {  	[tilespmem:s25], [sflag:$0x1] =	stream.indirect_vreg.gather [hbm4b:s2+s5], $0x80, v2, vm0, $0xb8;
	[tilespmem:$0x1C080] =	vst v63  }
0x2b: {  	s29 =	simm.s32 $0x7880;
	s28 =	rddreg [dreg:$0x8]  }
0x2c: {  	[tilespmem:s29], [sflag:$0x1] =	stream.indirect_vreg.gather [hbm4b:s28+s5], $0x80, v2, vm0, $0xb8;
	[tilespmem:$0x1C080] =	vst v63  }
0x2d: {  	s17 =	simm.s32 $0x8080;
	s16 =	rddreg [dreg:$0x9]  }
0x2e: {  	[tilespmem:s17], [sflag:$0x1] =	stream.indirect_vreg.gather [hbm4b:s16+s5], $0x80, v2, vm0, $0xb8;
	[tilespmem:$0x1C080] =	vst v63  }
0x2f: {  	s20 =	simm.s32 $0x8880;
	s19 =	rddreg [dreg:$0xa]  }
0x30: {  	[tilespmem:s20], [sflag:$0x1] =	stream.indirect_vreg.gather [hbm4b:s19+s5], $0x80, v2, vm0, $0xb8;
	[tilespmem:$0x1C080] =	vst v63  }
0x31: {  	s21 =	rddreg [dreg:$0xb];
	s22 =	simm.s32 $0x9080  }
0x32: {  	[tilespmem:s22], [sflag:$0x1] =	stream.indirect_vreg.gather [hbm4b:s21+s5], $0x80, v2, vm0, $0xb8;
	[tilespmem:$0x1C080] =	vst v63  }
0x33: {  	s23 =	rddreg [dreg:$0xc];
	s24 =	simm.s32 $0x9880  }
0x34: {  	[tilespmem:s24], [sflag:$0x1] =	stream.indirect_vreg.gather [hbm4b:s23+s5], $0x80, v2, vm0, $0xb8;
	[tilespmem:$0x1C080] =	vst v63  }
0x35: {  	s25 =	rddreg [dreg:$0xd];
	s28 =	simm.s32 $0xA080  }
0x36: {  	[tilespmem:s28], [sflag:$0x1] =	stream.indirect_vreg.gather [hbm4b:s25+s5], $0x80, v2, vm0, $0xb8;
	[tilespmem:$0x1C080] =	vst v63  }
0x37: {  	v2 =	vld.msk [tilespmem:$0x0], $0xff;
	_ =	sdelay $0x4  }
0x38: {  	v3 =	vshrl.u32 v2, $0x3  }
0x39: {  	v3 =	vmul.u32 $0x930, v3  }
0x3a: {  	v2 =	vand.u32 $0x7, v2  }
0x3b: {  	v2 =	vor.u32 v2, v3  }
0x3c: {  	v2 =	vperm.xlane v2, v0;
	_ =	sdelay $0x1  }
0x3d: {  	v2 =	vadd.s32 v1, v2;
	_ =	sdelay $0x3  }
0x3e: {  	s29 =	simm.s32 $0xA880  }
0x3f: {  	[tilespmem:s29], [sflag:$0x1] =	stream.indirect_vreg.gather [hbm4b:s4+s5], $0x80, v2, vm0, $0xb8;
	[tilespmem:$0x1C080] =	vst v63  }
0x40: {  	s15 =	rddreg [dreg:$0xe];
	s16 =	simm.s32 $0xB080  }
0x41: {  	[tilespmem:s16], [sflag:$0x1] =	stream.indirect_vreg.gather [hbm4b:s15+s5], $0x80, v2, vm0, $0xb8;
	[tilespmem:$0x1C080] =	vst v63  }
0x42: {  	s17 =	rddreg [dreg:$0xf];
	s19 =	simm.s32 $0xB880  }
0x43: {  	[tilespmem:s19], [sflag:$0x1] =	stream.indirect_vreg.gather [hbm4b:s17+s5], $0x80, v2, vm0, $0xb8;
	[tilespmem:$0x1C080] =	vst v63  }
0x44: {  	s20 =	rddreg [dreg:$0x10];
	s21 =	simm.s32 $0xC080  }
0x45: {  	[tilespmem:s21], [sflag:$0x1] =	stream.indirect_vreg.gather [hbm4b:s20+s5], $0x80, v2, vm0, $0xb8;
	[tilespmem:$0x1C080] =	vst v63  }
0x46: {  	s22 =	rddreg [dreg:$0x11];
	s23 =	simm.s32 $0xC880  }
0x47: {  	[tilespmem:s23], [sflag:$0x1] =	stream.indirect_vreg.gather [hbm4b:s22+s5], $0x80, v2, vm0, $0xb8;
	[tilespmem:$0x1C080] =	vst v63  }
0x48: {  	s24 =	rddreg [dreg:$0x12];
	s25 =	simm.s32 $0xD080  }
0x49: {  	[tilespmem:s25], [sflag:$0x1] =	stream.indirect_vreg.gather [hbm4b:s24+s5], $0x80, v2, vm0, $0xb8;
	[tilespmem:$0x1C080] =	vst v63  }
0x4a: {  	s14 =	simm.s32 $0x0;
	s28 =	rddreg [dreg:$0x13];
	s29 =	simm.s32 $0xD880  }
0x4b: {  	[tilespmem:s29], [sflag:$0x1] =	stream.indirect_vreg.gather [hbm4b:s28+s5], $0x80, v2, vm0, $0xb8;
	[tilespmem:$0x1C080] =	vst v63  }
.LBB2_2:
0x4c: {  	s16 =	sshll.u32 s14, $0x1  }
0x4d: {  	s15 =	sor.u32 $0x1, s16  }
0x4e: {  	s17 =	sand.u32 $0xFF, s15  }
0x4f: {  	s17 =	smul.u32 $0x87, s17;
	_ =	sdelay $0x1  }
0x50: {  	s17 =	sshrl.u32 s17, $0x8  }
0x51: {  	s19 =	ssub.s32 s15, s17  }
0x52: {  	s19 =	sand.u32 $0xFE, s19  }
0x53: {  	s19 =	sshrl.u32 s19, $0x1  }
0x54: {  	s17 =	sadd.s32 s17, s19  }
0x55: {  	s17 =	sand.u32 $0xF0, s17  }
0x56: {  	s17 =	sshrl.u32 s17, $0x4  }
0x57: {  	s21 =	smul.u32 $0x15, s17;
	_ =	sdelay $0x1  }
0x58: {  	s15 =	ssub.s32 s15, s21  }
0x59: {  	s15 =	sand.u32 $0xFF, s15  }
0x5a: {  	s23 =	sadd.s32 s17, s6;
	s22 =	smul.u32 $0x3800, s15  }
0x5b: {  	p0 =	seq.s32 s14, $0x0;
	s15 =	smul.u32 $0x49800, s23  }
0x5c: {  	s20 =	simm.s32 @!p0 $0x4  }
0x5d: {  	_ =	swait.ge @!p0 [sflag:s20], $0x3800;
	s15 =	sadd.s32 s22, s15  }
0x5e: {  	[sflag:s20] =	ssyncset.done @!p0 $0x0;
	s15 =	sshrl.u32 s15, $0x3  }
0x5f: {  	[sflag:s20] =	ssyncadd.s32 @!p0 $0xFFFFC800;
	s24 =	sadd.s32 s7, s15  }
0x60: {  	[tilespmem:s18], [sflag:$0x2] =	stream.linear.gather [hbm4b:s24+s5], $0x3800, $0x38;
	[tilespmem:$0x1C080] =	vst v63  }
0x61: {  	s17 =	sshll.u32 s17, $0x3;
	s21 =	simm.s32 $0x11880;
	s25 =	sadd.s32 s1, s15  }
0x62: {  	[tilespmem:s21], [sflag:$0x2] =	stream.linear.gather [hbm4b:s25+s5], $0x3800, $0x38;
	[tilespmem:$0x1C080] =	vst v63  }
0x63: {  	v2 =	vld.msk [tilespmem:s17+$0x0], $0xff;
	_ =	sdelay $0x4  }
0x64: {  	v3 =	vshrl.u32 v2, $0x3  }
0x65: {  	v3 =	vmul.u32 $0x930, v3  }
0x66: {  	v2 =	vand.u32 $0x7, v2  }
0x67: {  	v2 =	vor.u32 v2, v3  }
0x68: {  	v2 =	vperm.xlane v2, v0;
	_ =	sdelay $0x1  }
0x69: {  	v2 =	vadd.s32 v1, v2;
	_ =	sdelay $0x2  }
0x6a: {  	s19 =	sshrl.u32 s22, $0x3  }
0x6b: {  	s22 =	simm.s32 $0x15080;
	s20 =	sadd.s32 s2, s19  }
0x6c: {  	[tilespmem:s22], [sflag:$0x2] =	stream.indirect_vreg.gather [hbm4b:s20+s5], $0x80, v2, vm0, $0xb8;
	[tilespmem:$0x1C080] =	vst v63  }
0x6d: {  	s23 =	sadd.s32 $0x100, s20;
	s22 =	simm.s32 $0x15880  }
0x6e: {  	[tilespmem:s22], [sflag:$0x2] =	stream.indirect_vreg.gather [hbm4b:s23+s5], $0x80, v2, vm0, $0xb8;
	[tilespmem:$0x1C080] =	vst v63  }
0x6f: {  	s24 =	sadd.s32 $0x200, s20;
	s25 =	simm.s32 $0x16080  }
0x70: {  	[tilespmem:s25], [sflag:$0x2] =	stream.indirect_vreg.gather [hbm4b:s24+s5], $0x80, v2, vm0, $0xb8;
	[tilespmem:$0x1C080] =	vst v63  }
0x71: {  	s22 =	sadd.s32 $0x300, s20;
	s23 =	simm.s32 $0x16880  }
0x72: {  	[tilespmem:s23], [sflag:$0x2] =	stream.indirect_vreg.gather [hbm4b:s22+s5], $0x80, v2, vm0, $0xb8;
	[tilespmem:$0x1C080] =	vst v63  }
0x73: {  	s24 =	sadd.s32 $0x400, s20;
	s25 =	simm.s32 $0x17080  }
0x74: {  	[tilespmem:s25], [sflag:$0x2] =	stream.indirect_vreg.gather [hbm4b:s24+s5], $0x80, v2, vm0, $0xb8;
	[tilespmem:$0x1C080] =	vst v63  }
0x75: {  	s22 =	sadd.s32 $0x500, s20;
	s23 =	simm.s32 $0x17880  }
0x76: {  	[tilespmem:s23], [sflag:$0x2] =	stream.indirect_vreg.gather [hbm4b:s22+s5], $0x80, v2, vm0, $0xb8;
	[tilespmem:$0x1C080] =	vst v63  }
0x77: {  	s20 =	sadd.s32 $0x600, s20;
	s24 =	simm.s32 $0x18080  }
0x78: {  	[tilespmem:s24], [sflag:$0x2] =	stream.indirect_vreg.gather [hbm4b:s20+s5], $0x80, v2, vm0, $0xb8;
	[tilespmem:$0x1C080] =	vst v63  }
0x79: {  	v2 =	vld.msk [tilespmem:s17+$0x0], $0xff;
	_ =	sdelay $0x4  }
0x7a: {  	v3 =	vshrl.u32 v2, $0x3  }
0x7b: {  	v3 =	vmul.u32 $0x930, v3  }
0x7c: {  	v2 =	vand.u32 $0x7, v2  }
0x7d: {  	v2 =	vor.u32 v2, v3  }
0x7e: {  	v2 =	vperm.xlane v2, v0;
	_ =	sdelay $0x1  }
0x7f: {  	v2 =	vadd.s32 v1, v2;
	_ =	sdelay $0x3  }
0x80: {  	s25 =	simm.s32 $0x18880;
	s17 =	sadd.s32 s4, s19  }
0x81: {  	[tilespmem:s25], [sflag:$0x2] =	stream.indirect_vreg.gather [hbm4b:s17+s5], $0x80, v2, vm0, $0xb8;
	[tilespmem:$0x1C080] =	vst v63  }
0x82: {  	s20 =	sadd.s32 $0x100, s17  }
0x83: {  	[tilespmem:s30], [sflag:$0x2] =	stream.indirect_vreg.gather [hbm4b:s20+s5], $0x80, v2, vm0, $0xb8;
	[tilespmem:$0x1C080] =	vst v63  }
0x84: {  	s21 =	sadd.s32 $0x200, s17  }
0x85: {  	[tilespmem:s31], [sflag:$0x2] =	stream.indirect_vreg.gather [hbm4b:s21+s5], $0x80, v2, vm0, $0xb8;
	[tilespmem:$0x1C080] =	vst v63  }
0x86: {  	s22 =	sadd.s32 $0x300, s17  }
0x87: {  	[tilespmem:s0], [sflag:$0x2] =	stream.indirect_vreg.gather [hbm4b:s22+s5], $0x80, v2, vm0, $0xb8;
	[tilespmem:$0x1C080] =	vst v63  }
0x88: {  	s23 =	sadd.s32 $0x400, s17  }
0x89: {  	[tilespmem:s3], [sflag:$0x2] =	stream.indirect_vreg.gather [hbm4b:s23+s5], $0x80, v2, vm0, $0xb8;
	[tilespmem:$0x1C080] =	vst v63  }
0x8a: {  	s24 =	sadd.s32 $0x500, s17  }
0x8b: {  	[tilespmem:s9], [sflag:$0x2] =	stream.indirect_vreg.gather [hbm4b:s24+s5], $0x80, v2, vm0, $0xb8;
	[tilespmem:$0x1C080] =	vst v63  }
0x8c: {  	s17 =	sadd.s32 $0x600, s17  }
0x8d: {  	[tilespmem:s10], [sflag:$0x2] =	stream.indirect_vreg.gather [hbm4b:s17+s5], $0x80, v2, vm0, $0xb8;
	[tilespmem:$0x1C080] =	vst v63  }
0x8e: {  	_ =	swait.ge [sflag:s11], $0x3800  }
0x8f: {  	[sflag:s11] =	ssyncset.done $0x0  }
0x90: {  	[sflag:s11] =	ssyncadd.s32 $0xFFFFC800  }
0x91: {  	_ =	swait.ge [sflag:s11], $0x3800  }
0x92: {  	[sflag:s11] =	ssyncset.done $0x0  }
0x93: {  	[sflag:s11] =	ssyncadd.s32 $0xFFFFC800  }
0x94: {  	_ =	swait.ge [sflag:s11], $0x3800  }
0x95: {  	[sflag:s11] =	ssyncset.done $0x0  }
0x96: {  	[sflag:s11] =	ssyncadd.s32 $0xFFFFC800  }
0x97: {  	_ =	swait.ge [sflag:s11], $0x3800  }
0x98: {  	[sflag:s11] =	ssyncset.done $0x0  }
0x99: {  	s25 =	simm.s32 $0xA8C0;
	[sflag:s11] =	ssyncadd.s32 $0xFFFFC800  }
0x9a: {  	v2 =	vld [tilespmem:s25+$0x30]  }
0x9b: {  	v3 =	vld [tilespmem:s25+$0xFFFFFFC0]  }
0x9c: {  	v4 =	vld [tilespmem:s25+$0xFFFFFFD0]  }
0x9d: {  	v5 =	vld [tilespmem:s25+$0xFFFFFFE0]  }
0x9e: {  	v6 =	vld [tilespmem:s25+$0xFFFFFFF0]  }
0x9f: {  	v7 =	vld [tilespmem:s25+$0x0]  }
0xa0: {  	v8 =	vld [tilespmem:s25+$0x10];
	v2 =	vmul.f32 $1.442695020e+00, v2  }
0xa1: {  	s20 =	simm.s32 $0x38C0;
	v9 =	vld [tilespmem:s25+$0x20]  }
0xa2: {  	v10 =	vld [tilespmem:s20+$0x30];
	(erf) = vpow2.f32 v2  }
0xa3: {  	s19 =	simm.s32 $0xC0;
	v11 =	vld [tilespmem:s20+$0xFFFFFFC0];
	v3 =	vmul.f32 $1.442695020e+00, v3  }
0xa4: {  	v12 =	vld [tilespmem:s19+$0x30];
	v4 =	vmul.f32 $1.442695020e+00, v4  }
0xa5: {  	s22 =	simm.s32 $0x70C0;
	v13 =	vld [tilespmem:s20+$0x20];
	v5 =	vmul.f32 $1.442695020e+00, v5;
	(erf) = vpow2.f32 v3  }
0xa6: {  	v14 =	vld [tilespmem:s22+$0xFFFFFFD0];
	v6 =	vmul.f32 $1.442695020e+00, v6;
	(erf) = vpow2.f32 v4  }
0xa7: {  	v15 =	vld [tilespmem:s22+$0xFFFFFFE0];
	v4 =	vmul.f32 $1.442695020e+00, v7;
	(erf) = vpow2.f32 v5  }
0xa8: {  	v17 =	vld [tilespmem:s22+$0xFFFFFFF0];
	v7 =	vmul.f32 $1.442695020e+00, v8;
	(erf) = vpow2.f32 v6  }
0xa9: {  	v2 =	vld [tilespmem:s22+$0x30];
	v8 =	vmul.f32 $1.442695020e+00, v9;
	(erf) = vpow2.f32 v4  }
0xaa: {  	v3 =	vld [tilespmem:s20+$0xFFFFFFD0];
	(erf) = vpow2.f32 v7  }
0xab: {  	v9 =	vld [tilespmem:s20+$0x0];
	(erf) = vpow2.f32 v8;
	v4 =	vpop (erf)  }
0xac: {  	v5 =	vld [tilespmem:s20+$0xFFFFFFE0];
	v4 =	vmul.f32 v4, v10  }
0xad: {  	v6 =	vld [tilespmem:s20+$0xFFFFFFF0]  }
0xae: {  	v8 =	vld [tilespmem:s22+$0xFFFFFFC0];
	v10 =	vpop (erf);
	v2 =	vadd.f32 v4, v2  }
0xaf: {  	v7 =	vld [tilespmem:s20+$0x10];
	v16 =	vpop (erf)  }
0xb0: {  	v19 =	vld [tilespmem:s22+$0x0];
	v18 =	vpop (erf);
	v3 =	vmul.f32 v16, v3  }
0xb1: {  	v10 =	vmul.f32 v10, v11;
	v4 =	vld [tilespmem:s22+$0x10];
	v11 =	vpop (erf)  }
0xb2: {  	v62 =	vmul.f32 v2, v12;
	v12 =	vmul.f32 v18, v5;
	v5 =	vld [tilespmem:s22+$0x20];
	v2 =	vpop (erf)  }
0xb3: {  	s29 =	simm.s32 $0xACC0;
	v11 =	vmul.f32 v11, v6;
	v63 =	vmul.f32 v2, v9;
	v6 =	vpop (erf);
	v2 =	vadd.f32 v10, v8;
	v8 =	vld [tilespmem:s19+$0xFFFFFFD0]  }
0xb4: {  	s28 =	simm.s32 $0xC0;
	s21 =	simm.s32 $0x7170;
	s23 =	simm.s32 $0x3970;
	v9 =	vadd.f32 v3, v14;
	v10 =	vadd.f32 v12, v15;
	v12 =	vld [tilespmem:s19+$0xFFFFFFE0];
	v6 =	vmul.f32 v6, v7;
	v3 =	vpop (erf)  }
0xb5: {  	s24 =	simm.s32 $0xA970;
	s17 =	simm.s32 $0x170;
	s25 =	simm.s32 $0x0;
	[tilespmem:s19+$0x30] =	vst v62;
	v11 =	vadd.f32 v11, v17;
	v7 =	vmul.f32 v3, v13;
	v13 =	vld [tilespmem:s19+$0xFFFFFFF0];
	v3 =	vadd.f32 v63, v19  }
.LBB2_3:
0xb6: {  	v14 =	vld [tilespmem:s29+$0x30];
	s25 =	sadd.s32 $0x80, s25;
	v4 =	vadd.f32 v6, v4  }
0xb7: {  	v6 =	vld [tilespmem:s29+$0xFFFFFFC0];
	p0 =	slt.u32 s25, $0x680;
	v5 =	vadd.f32 v7, v5  }
0xb8: {  	v7 =	vld [tilespmem:s29+$0xFFFFFFD0];
	v8 =	vmul.f32 v9, v8  }
0xb9: {  	v9 =	vld [tilespmem:s29+$0xFFFFFFE0];
	v10 =	vmul.f32 v10, v12  }
0xba: {  	v12 =	vld [tilespmem:s29+$0xFFFFFFF0];
	[tilespmem:s19+$0xFFFFFFD0] =	vst v8;
	v8 =	vmul.f32 v11, v13  }
0xbb: {  	v11 =	vld [tilespmem:s29+$0x0];
	v13 =	vmul.f32 $1.442695020e+00, v14;
	[tilespmem:s19+$0xFFFFFFE0] =	vst v10  }
0xbc: {  	v6 =	vmul.f32 $1.442695020e+00, v6;
	v10 =	vld [tilespmem:s29+$0x10];
	[tilespmem:s19+$0xFFFFFFF0] =	vst v8  }
0xbd: {  	v7 =	vmul.f32 $1.442695020e+00, v7;
	v8 =	vld [tilespmem:s29+$0x20];
	(erf) = vpow2.f32 v13  }
0xbe: {  	v9 =	vmul.f32 $1.442695020e+00, v9;
	(erf) = vpow2.f32 v6;
	v6 =	vld [tilespmem:s19+$0x0]  }
0xbf: {  	v12 =	vmul.f32 $1.442695020e+00, v12;
	(erf) = vpow2.f32 v7;
	v7 =	vld [tilespmem:s19+$0x10]  }
0xc0: {  	v11 =	vmul.f32 $1.442695020e+00, v11;
	(erf) = vpow2.f32 v9;
	v9 =	vld [tilespmem:s19+$0x20]  }
0xc1: {  	s20 =	sadd.s32 $0x400, s20;
	v10 =	vmul.f32 $1.442695020e+00, v10;
	(erf) = vpow2.f32 v12;
	v12 =	vld [tilespmem:s19+$0xFFFFFFC0]  }
0xc2: {  	v8 =	vmul.f32 $1.442695020e+00, v8;
	v13 =	vld [tilespmem:s20+$0x30];
	(erf) = vpow2.f32 v11  }
0xc3: {  	s22 =	sadd.s32 $0x400, s22;
	v11 =	vld [tilespmem:s20+$0xFFFFFFC0];
	(erf) = vpow2.f32 v10;
	v3 =	vmul.f32 v3, v6  }
0xc4: {  	v6 =	vld [tilespmem:s22+$0x30];
	(erf) = vpow2.f32 v8;
	v4 =	vmul.f32 v4, v7  }
0xc5: {  	s19 =	sadd.s32 $0x400, s19;
	v7 =	vld [tilespmem:s20+$0xFFFFFFD0];
	[tilespmem:s28+$0x0] =	vst v3;
	v3 =	vmul.f32 v5, v9  }
0xc6: {  	v5 =	vld [tilespmem:s19+$0x30];
	v8 =	vpop (erf);
	v2 =	vmul.f32 v2, v12;
	[tilespmem:s28+$0x10] =	vst v4  }
0xc7: {  	v4 =	vld [tilespmem:s20+$0xFFFFFFE0];
	v12 =	vmul.f32 v8, v13;
	v9 =	vpop (erf);
	[tilespmem:s28+$0x20] =	vst v3  }
0xc8: {  	v3 =	vmul.f32 v9, v11;
	v9 =	vld [tilespmem:s20+$0xFFFFFFF0];
	v10 =	vpop (erf);
	[tilespmem:s28+$0xFFFFFFC0] =	vst v2;
	s28 =	smov.u32 s19  }
0xc9: {  	v2 =	vld [tilespmem:s20+$0x0];
	v13 =	vadd.f32 v12, v6;
	v8 =	vpop (erf)  }
0xca: {  	v10 =	vmul.f32 v10, v7;
	v7 =	vld [tilespmem:s20+$0x10];
	v11 =	vpop (erf)  }
0xcb: {  	v12 =	vld [tilespmem:s20+$0x20];
	v15 =	vmul.f32 v13, v5;
	v6 =	vpop (erf)  }
0xcc: {  	v13 =	vld [tilespmem:s22+$0xFFFFFFC0];
	v14 =	vmul.f32 v8, v4;
	v4 =	vpop (erf)  }
0xcd: {  	v8 =	vld [tilespmem:s22+$0xFFFFFFD0];
	v11 =	vmul.f32 v11, v9;
	[tilespmem:s19+$0x30] =	vst v15;
	v5 =	vpop (erf)  }
0xce: {  	v15 =	vld [tilespmem:s22+$0xFFFFFFE0];
	v16 =	vmul.f32 v6, v2  }
0xcf: {  	v17 =	vld [tilespmem:s22+$0xFFFFFFF0];
	v6 =	vmul.f32 v4, v7  }
0xd0: {  	v18 =	vld [tilespmem:s22+$0x0];
	v7 =	vmul.f32 v5, v12  }
.Ltmp0:
0xd1: {  	v2 =	vadd.f32 v3, v13;
	v4 =	vld [tilespmem:s22+$0x10];
	(pc) =	sbr.rel @p0 .LBB2_3-.Ltmp0, $4  }
0xd2: {  	v9 =	vadd.f32 v10, v8;
	v5 =	vld [tilespmem:s22+$0x20]  }
0xd3: {  	v8 =	vld [tilespmem:s19+$0xFFFFFFD0];
	v10 =	vadd.f32 v14, v15  }
0xd4: {  	v12 =	vld [tilespmem:s19+$0xFFFFFFE0];
	v11 =	vadd.f32 v11, v17  }
0xd5: {  	s29 =	sadd.s32 $0x400, s29;
	v13 =	vld [tilespmem:s19+$0xFFFFFFF0];
	v3 =	vadd.f32 v16, v18  }
0xd6: {  	v14 =	vld [tilespmem:s19+$0x0]  }
0xd7: {  	v15 =	vld [tilespmem:s19+$0x10]  }
0xd8: {  	v8 =	vmul.f32 v9, v8;
	v9 =	vld [tilespmem:s19+$0x20]  }
0xd9: {  	v10 =	vmul.f32 v10, v12;
	v12 =	vld [tilespmem:s19+$0xFFFFFFC0]  }
0xda: {  	v4 =	vadd.f32 v6, v4;
	[tilespmem:s19+$0xFFFFFFD0] =	vst v8;
	v6 =	vmul.f32 v11, v13  }
0xdb: {  	v5 =	vadd.f32 v7, v5;
	[tilespmem:s19+$0xFFFFFFE0] =	vst v10;
	v3 =	vmul.f32 v3, v14  }
0xdc: {  	v4 =	vmul.f32 v4, v15;
	[tilespmem:s19+$0xFFFFFFF0] =	vst v6  }
0xdd: {  	[tilespmem:s28+$0x0] =	vst v3;
	v3 =	vmul.f32 v5, v9  }
0xde: {  	[tilespmem:s28+$0x10] =	vst v4;
	v2 =	vmul.f32 v2, v12  }
0xdf: {  	[tilespmem:s28+$0x20] =	vst v3  }
0xe0: {  	[tilespmem:s28+$0xFFFFFFC0] =	vst v2  }
0xe1: {  	v2 =	vld [tilespmem:s24+$0x0]  }
0xe2: {  	v3 =	vld [tilespmem:s24+$0xFFFFFF90]  }
0xe3: {  	v4 =	vld [tilespmem:s24+$0xFFFFFFA0]  }
0xe4: {  	v5 =	vld [tilespmem:s24+$0xFFFFFFB0]  }
0xe5: {  	v6 =	vld [tilespmem:s24+$0xFFFFFFC0]  }
0xe6: {  	v7 =	vld [tilespmem:s24+$0xFFFFFFD0]  }
0xe7: {  	v8 =	vld [tilespmem:s24+$0xFFFFFFE0];
	v2 =	vmul.f32 $1.442695020e+00, v2  }
0xe8: {  	v9 =	vld [tilespmem:s24+$0xFFFFFFF0]  }
0xe9: {  	v10 =	vld [tilespmem:s23+$0x0];
	(erf) = vpow2.f32 v2  }
0xea: {  	v11 =	vld [tilespmem:s23+$0xFFFFFF90];
	v3 =	vmul.f32 $1.442695020e+00, v3  }
0xeb: {  	v12 =	vld [tilespmem:s17+$0x0];
	v4 =	vmul.f32 $1.442695020e+00, v4  }
0xec: {  	v13 =	vld [tilespmem:s23+$0xFFFFFFF0];
	v5 =	vmul.f32 $1.442695020e+00, v5;
	(erf) = vpow2.f32 v3  }
0xed: {  	v14 =	vld [tilespmem:s21+$0xFFFFFFA0];
	v6 =	vmul.f32 $1.442695020e+00, v6;
	(erf) = vpow2.f32 v4  }
0xee: {  	v15 =	vld [tilespmem:s21+$0xFFFFFFB0];
	v4 =	vmul.f32 $1.442695020e+00, v7;
	(erf) = vpow2.f32 v5  }
0xef: {  	v17 =	vld [tilespmem:s21+$0xFFFFFFC0];
	v7 =	vmul.f32 $1.442695020e+00, v8;
	(erf) = vpow2.f32 v6  }
0xf0: {  	v2 =	vld [tilespmem:s21+$0x0];
	v8 =	vmul.f32 $1.442695020e+00, v9;
	(erf) = vpow2.f32 v4  }
0xf1: {  	v3 =	vld [tilespmem:s23+$0xFFFFFFA0];
	(erf) = vpow2.f32 v7  }
0xf2: {  	v9 =	vld [tilespmem:s23+$0xFFFFFFD0];
	(erf) = vpow2.f32 v8;
	v4 =	vpop (erf)  }
0xf3: {  	v5 =	vld [tilespmem:s23+$0xFFFFFFB0];
	v4 =	vmul.f32 v4, v10  }
0xf4: {  	v6 =	vld [tilespmem:s23+$0xFFFFFFC0]  }
0xf5: {  	v8 =	vld [tilespmem:s21+$0xFFFFFF90];
	v10 =	vpop (erf);
	v2 =	vadd.f32 v4, v2  }
0xf6: {  	v7 =	vld [tilespmem:s23+$0xFFFFFFE0];
	v16 =	vpop (erf)  }
0xf7: {  	v19 =	vld [tilespmem:s21+$0xFFFFFFD0];
	v18 =	vpop (erf);
	v3 =	vmul.f32 v16, v3  }
0xf8: {  	v10 =	vmul.f32 v10, v11;
	v4 =	vld [tilespmem:s21+$0xFFFFFFE0];
	v11 =	vpop (erf)  }
0xf9: {  	v62 =	vmul.f32 v2, v12;
	v12 =	vmul.f32 v18, v5;
	v5 =	vld [tilespmem:s21+$0xFFFFFFF0];
	v2 =	vpop (erf)  }
0xfa: {  	s25 =	simm.s32 $0x0;
	v11 =	vmul.f32 v11, v6;
	v63 =	vmul.f32 v2, v9;
	v6 =	vpop (erf);
	v2 =	vadd.f32 v10, v8;
	v8 =	vld [tilespmem:s17+$0xFFFFFFA0]  }
0xfb: {  	s20 =	simm.s32 $0x39F0;
	s22 =	simm.s32 $0x71F0;
	s29 =	simm.s32 $0xAD70;
	v9 =	vadd.f32 v3, v14;
	v10 =	vadd.f32 v12, v15;
	v12 =	vld [tilespmem:s17+$0xFFFFFFB0];
	v6 =	vmul.f32 v6, v7;
	v3 =	vpop (erf)  }
0xfc: {  	s19 =	simm.s32 $0x1F0;
	s28 =	simm.s32 $0x170;
	s24 =	simm.s32 $0xA9F0;
	[tilespmem:s17+$0x0] =	vst v62;
	v11 =	vadd.f32 v11, v17;
	v7 =	vmul.f32 v3, v13;
	v13 =	vld [tilespmem:s17+$0xFFFFFFC0];
	v3 =	vadd.f32 v63, v19  }
.LBB2_5:
0xfd: {  	v14 =	vld [tilespmem:s29+$0x0];
	s25 =	sadd.s32 $0x80, s25;
	v4 =	vadd.f32 v6, v4  }
0xfe: {  	v6 =	vld [tilespmem:s29+$0xFFFFFF90];
	p0 =	slt.u32 s25, $0x680;
	v5 =	vadd.f32 v7, v5  }
0xff: {  	v7 =	vld [tilespmem:s29+$0xFFFFFFA0];
	v8 =	vmul.f32 v9, v8  }
0x100: {  	v9 =	vld [tilespmem:s29+$0xFFFFFFB0];
	v10 =	vmul.f32 v10, v12  }
0x101: {  	v12 =	vld [tilespmem:s29+$0xFFFFFFC0];
	[tilespmem:s17+$0xFFFFFFA0] =	vst v8;
	v8 =	vmul.f32 v11, v13  }
0x102: {  	v11 =	vld [tilespmem:s29+$0xFFFFFFD0];
	v13 =	vmul.f32 $1.442695020e+00, v14;
	[tilespmem:s17+$0xFFFFFFB0] =	vst v10  }
0x103: {  	v6 =	vmul.f32 $1.442695020e+00, v6;
	v10 =	vld [tilespmem:s29+$0xFFFFFFE0];
	[tilespmem:s17+$0xFFFFFFC0] =	vst v8  }
0x104: {  	v7 =	vmul.f32 $1.442695020e+00, v7;
	v8 =	vld [tilespmem:s29+$0xFFFFFFF0];
	(erf) = vpow2.f32 v13  }
0x105: {  	v9 =	vmul.f32 $1.442695020e+00, v9;
	(erf) = vpow2.f32 v6;
	v6 =	vld [tilespmem:s17+$0xFFFFFFD0]  }
0x106: {  	v12 =	vmul.f32 $1.442695020e+00, v12;
	(erf) = vpow2.f32 v7;
	v7 =	vld [tilespmem:s17+$0xFFFFFFE0]  }
0x107: {  	v11 =	vmul.f32 $1.442695020e+00, v11;
	(erf) = vpow2.f32 v9;
	v9 =	vld [tilespmem:s17+$0xFFFFFFF0]  }
0x108: {  	s23 =	sadd.s32 $0x400, s23;
	v10 =	vmul.f32 $1.442695020e+00, v10;
	(erf) = vpow2.f32 v12;
	v12 =	vld [tilespmem:s17+$0xFFFFFF90]  }
0x109: {  	v8 =	vmul.f32 $1.442695020e+00, v8;
	v13 =	vld [tilespmem:s23+$0x0];
	(erf) = vpow2.f32 v11  }
0x10a: {  	s21 =	sadd.s32 $0x400, s21;
	v11 =	vld [tilespmem:s23+$0xFFFFFF90];
	(erf) = vpow2.f32 v10;
	v3 =	vmul.f32 v3, v6  }
0x10b: {  	v6 =	vld [tilespmem:s21+$0x0];
	(erf) = vpow2.f32 v8;
	v4 =	vmul.f32 v4, v7  }
0x10c: {  	s17 =	sadd.s32 $0x400, s17;
	v7 =	vld [tilespmem:s23+$0xFFFFFFA0];
	[tilespmem:s28+$0xFFFFFFD0] =	vst v3;
	v3 =	vmul.f32 v5, v9  }
0x10d: {  	v5 =	vld [tilespmem:s17+$0x0];
	v8 =	vpop (erf);
	v2 =	vmul.f32 v2, v12;
	[tilespmem:s28+$0xFFFFFFE0] =	vst v4  }
0x10e: {  	v4 =	vld [tilespmem:s23+$0xFFFFFFB0];
	v12 =	vmul.f32 v8, v13;
	v9 =	vpop (erf);
	[tilespmem:s28+$0xFFFFFFF0] =	vst v3  }
0x10f: {  	v3 =	vmul.f32 v9, v11;
	v9 =	vld [tilespmem:s23+$0xFFFFFFC0];
	v10 =	vpop (erf);
	[tilespmem:s28+$0xFFFFFF90] =	vst v2;
	s28 =	smov.u32 s17  }
0x110: {  	v2 =	vld [tilespmem:s23+$0xFFFFFFD0];
	v13 =	vadd.f32 v12, v6;
	v8 =	vpop (erf)  }
0x111: {  	v10 =	vmul.f32 v10, v7;
	v7 =	vld [tilespmem:s23+$0xFFFFFFE0];
	v11 =	vpop (erf)  }
0x112: {  	v12 =	vld [tilespmem:s23+$0xFFFFFFF0];
	v15 =	vmul.f32 v13, v5;
	v6 =	vpop (erf)  }
0x113: {  	v13 =	vld [tilespmem:s21+$0xFFFFFF90];
	v14 =	vmul.f32 v8, v4;
	v4 =	vpop (erf)  }
0x114: {  	v8 =	vld [tilespmem:s21+$0xFFFFFFA0];
	v11 =	vmul.f32 v11, v9;
	[tilespmem:s17+$0x0] =	vst v15;
	v5 =	vpop (erf)  }
0x115: {  	v15 =	vld [tilespmem:s21+$0xFFFFFFB0];
	v16 =	vmul.f32 v6, v2  }
0x116: {  	v17 =	vld [tilespmem:s21+$0xFFFFFFC0];
	v6 =	vmul.f32 v4, v7  }
0x117: {  	v18 =	vld [tilespmem:s21+$0xFFFFFFD0];
	v7 =	vmul.f32 v5, v12  }
.Ltmp1:
0x118: {  	v2 =	vadd.f32 v3, v13;
	v4 =	vld [tilespmem:s21+$0xFFFFFFE0];
	(pc) =	sbr.rel @p0 .LBB2_5-.Ltmp1, $4  }
0x119: {  	v9 =	vadd.f32 v10, v8;
	v5 =	vld [tilespmem:s21+$0xFFFFFFF0]  }
0x11a: {  	v8 =	vld [tilespmem:s17+$0xFFFFFFA0];
	v10 =	vadd.f32 v14, v15  }
0x11b: {  	v12 =	vld [tilespmem:s17+$0xFFFFFFB0];
	v11 =	vadd.f32 v11, v17  }
0x11c: {  	s29 =	sadd.s32 $0x400, s29;
	v13 =	vld [tilespmem:s17+$0xFFFFFFC0];
	v3 =	vadd.f32 v16, v18  }
0x11d: {  	v14 =	vld [tilespmem:s17+$0xFFFFFFD0]  }
0x11e: {  	v15 =	vld [tilespmem:s17+$0xFFFFFFE0]  }
0x11f: {  	v8 =	vmul.f32 v9, v8;
	v9 =	vld [tilespmem:s17+$0xFFFFFFF0]  }
0x120: {  	v10 =	vmul.f32 v10, v12;
	v12 =	vld [tilespmem:s17+$0xFFFFFF90]  }
0x121: {  	v4 =	vadd.f32 v6, v4;
	[tilespmem:s17+$0xFFFFFFA0] =	vst v8;
	v6 =	vmul.f32 v11, v13  }
0x122: {  	v5 =	vadd.f32 v7, v5;
	[tilespmem:s17+$0xFFFFFFB0] =	vst v10;
	v3 =	vmul.f32 v3, v14  }
0x123: {  	v4 =	vmul.f32 v4, v15;
	[tilespmem:s17+$0xFFFFFFC0] =	vst v6  }
0x124: {  	[tilespmem:s28+$0xFFFFFFD0] =	vst v3;
	v3 =	vmul.f32 v5, v9  }
0x125: {  	[tilespmem:s28+$0xFFFFFFE0] =	vst v4;
	v2 =	vmul.f32 v2, v12  }
0x126: {  	[tilespmem:s28+$0xFFFFFFF0] =	vst v3  }
0x127: {  	[tilespmem:s28+$0xFFFFFF90] =	vst v2  }
0x128: {  	v2 =	vld [tilespmem:s24+$0x0]  }
0x129: {  	v3 =	vld [tilespmem:s24+$0xFFFFFF90]  }
0x12a: {  	v4 =	vld [tilespmem:s24+$0xFFFFFFA0]  }
0x12b: {  	v5 =	vld [tilespmem:s24+$0xFFFFFFB0]  }
0x12c: {  	v6 =	vld [tilespmem:s24+$0xFFFFFFC0]  }
0x12d: {  	v7 =	vld [tilespmem:s24+$0xFFFFFFD0]  }
0x12e: {  	v8 =	vld [tilespmem:s24+$0xFFFFFFE0];
	v2 =	vmul.f32 $1.442695020e+00, v2  }
0x12f: {  	v9 =	vld [tilespmem:s24+$0xFFFFFFF0]  }
0x130: {  	v10 =	vld [tilespmem:s20+$0x0];
	(erf) = vpow2.f32 v2  }
0x131: {  	v11 =	vld [tilespmem:s20+$0xFFFFFF90];
	v3 =	vmul.f32 $1.442695020e+00, v3  }
0x132: {  	v12 =	vld [tilespmem:s19+$0x0];
	v4 =	vmul.f32 $1.442695020e+00, v4  }
0x133: {  	v13 =	vld [tilespmem:s20+$0xFFFFFFF0];
	v5 =	vmul.f32 $1.442695020e+00, v5;
	(erf) = vpow2.f32 v3  }
0x134: {  	v14 =	vld [tilespmem:s22+$0xFFFFFFA0];
	v6 =	vmul.f32 $1.442695020e+00, v6;
	(erf) = vpow2.f32 v4  }
0x135: {  	v15 =	vld [tilespmem:s22+$0xFFFFFFB0];
	v4 =	vmul.f32 $1.442695020e+00, v7;
	(erf) = vpow2.f32 v5  }
0x136: {  	v17 =	vld [tilespmem:s22+$0xFFFFFFC0];
	v7 =	vmul.f32 $1.442695020e+00, v8;
	(erf) = vpow2.f32 v6  }
0x137: {  	v2 =	vld [tilespmem:s22+$0x0];
	v8 =	vmul.f32 $1.442695020e+00, v9;
	(erf) = vpow2.f32 v4  }
0x138: {  	v3 =	vld [tilespmem:s20+$0xFFFFFFA0];
	(erf) = vpow2.f32 v7  }
0x139: {  	v9 =	vld [tilespmem:s20+$0xFFFFFFD0];
	(erf) = vpow2.f32 v8;
	v4 =	vpop (erf)  }
0x13a: {  	v5 =	vld [tilespmem:s20+$0xFFFFFFB0];
	v4 =	vmul.f32 v4, v10  }
0x13b: {  	v6 =	vld [tilespmem:s20+$0xFFFFFFC0]  }
0x13c: {  	v8 =	vld [tilespmem:s22+$0xFFFFFF90];
	v10 =	vpop (erf);
	v2 =	vadd.f32 v4, v2  }
0x13d: {  	v7 =	vld [tilespmem:s20+$0xFFFFFFE0];
	v16 =	vpop (erf)  }
0x13e: {  	v19 =	vld [tilespmem:s22+$0xFFFFFFD0];
	v18 =	vpop (erf);
	v3 =	vmul.f32 v16, v3  }
0x13f: {  	v10 =	vmul.f32 v10, v11;
	v4 =	vld [tilespmem:s22+$0xFFFFFFE0];
	v11 =	vpop (erf)  }
0x140: {  	v62 =	vmul.f32 v2, v12;
	v12 =	vmul.f32 v18, v5;
	v5 =	vld [tilespmem:s22+$0xFFFFFFF0];
	v2 =	vpop (erf)  }
0x141: {  	s25 =	simm.s32 $0x0;
	v11 =	vmul.f32 v11, v6;
	v63 =	vmul.f32 v2, v9;
	v6 =	vpop (erf);
	v2 =	vadd.f32 v10, v8;
	v8 =	vld [tilespmem:s19+$0xFFFFFFA0]  }
0x142: {  	s21 =	simm.s32 $0x7270;
	s23 =	simm.s32 $0x3A70;
	s29 =	simm.s32 $0xADF0;
	v9 =	vadd.f32 v3, v14;
	v10 =	vadd.f32 v12, v15;
	v12 =	vld [tilespmem:s19+$0xFFFFFFB0];
	v6 =	vmul.f32 v6, v7;
	v3 =	vpop (erf)  }
0x143: {  	s17 =	simm.s32 $0x270;
	s28 =	simm.s32 $0x1F0;
	s24 =	simm.s32 $0xAA70;
	[tilespmem:s19+$0x0] =	vst v62;
	v11 =	vadd.f32 v11, v17;
	v7 =	vmul.f32 v3, v13;
	v13 =	vld [tilespmem:s19+$0xFFFFFFC0];
	v3 =	vadd.f32 v63, v19  }
.LBB2_7:
0x144: {  	v14 =	vld [tilespmem:s29+$0x0];
	s25 =	sadd.s32 $0x80, s25;
	v4 =	vadd.f32 v6, v4  }
0x145: {  	v6 =	vld [tilespmem:s29+$0xFFFFFF90];
	p0 =	slt.u32 s25, $0x680;
	v5 =	vadd.f32 v7, v5  }
0x146: {  	v7 =	vld [tilespmem:s29+$0xFFFFFFA0];
	v8 =	vmul.f32 v9, v8  }
0x147: {  	v9 =	vld [tilespmem:s29+$0xFFFFFFB0];
	v10 =	vmul.f32 v10, v12  }
0x148: {  	v12 =	vld [tilespmem:s29+$0xFFFFFFC0];
	[tilespmem:s19+$0xFFFFFFA0] =	vst v8;
	v8 =	vmul.f32 v11, v13  }
0x149: {  	v11 =	vld [tilespmem:s29+$0xFFFFFFD0];
	v13 =	vmul.f32 $1.442695020e+00, v14;
	[tilespmem:s19+$0xFFFFFFB0] =	vst v10  }
0x14a: {  	v6 =	vmul.f32 $1.442695020e+00, v6;
	v10 =	vld [tilespmem:s29+$0xFFFFFFE0];
	[tilespmem:s19+$0xFFFFFFC0] =	vst v8  }
0x14b: {  	v7 =	vmul.f32 $1.442695020e+00, v7;
	v8 =	vld [tilespmem:s29+$0xFFFFFFF0];
	(erf) = vpow2.f32 v13  }
0x14c: {  	v9 =	vmul.f32 $1.442695020e+00, v9;
	(erf) = vpow2.f32 v6;
	v6 =	vld [tilespmem:s19+$0xFFFFFFD0]  }
0x14d: {  	v12 =	vmul.f32 $1.442695020e+00, v12;
	(erf) = vpow2.f32 v7;
	v7 =	vld [tilespmem:s19+$0xFFFFFFE0]  }
0x14e: {  	v11 =	vmul.f32 $1.442695020e+00, v11;
	(erf) = vpow2.f32 v9;
	v9 =	vld [tilespmem:s19+$0xFFFFFFF0]  }
0x14f: {  	s20 =	sadd.s32 $0x400, s20;
	v10 =	vmul.f32 $1.442695020e+00, v10;
	(erf) = vpow2.f32 v12;
	v12 =	vld [tilespmem:s19+$0xFFFFFF90]  }
0x150: {  	v8 =	vmul.f32 $1.442695020e+00, v8;
	v13 =	vld [tilespmem:s20+$0x0];
	(erf) = vpow2.f32 v11  }
0x151: {  	s22 =	sadd.s32 $0x400, s22;
	v11 =	vld [tilespmem:s20+$0xFFFFFF90];
	(erf) = vpow2.f32 v10;
	v3 =	vmul.f32 v3, v6  }
0x152: {  	v6 =	vld [tilespmem:s22+$0x0];
	(erf) = vpow2.f32 v8;
	v4 =	vmul.f32 v4, v7  }
0x153: {  	s19 =	sadd.s32 $0x400, s19;
	v7 =	vld [tilespmem:s20+$0xFFFFFFA0];
	[tilespmem:s28+$0xFFFFFFD0] =	vst v3;
	v3 =	vmul.f32 v5, v9  }
0x154: {  	v5 =	vld [tilespmem:s19+$0x0];
	v8 =	vpop (erf);
	v2 =	vmul.f32 v2, v12;
	[tilespmem:s28+$0xFFFFFFE0] =	vst v4  }
0x155: {  	v4 =	vld [tilespmem:s20+$0xFFFFFFB0];
	v12 =	vmul.f32 v8, v13;
	v9 =	vpop (erf);
	[tilespmem:s28+$0xFFFFFFF0] =	vst v3  }
0x156: {  	v3 =	vmul.f32 v9, v11;
	v9 =	vld [tilespmem:s20+$0xFFFFFFC0];
	v10 =	vpop (erf);
	[tilespmem:s28+$0xFFFFFF90] =	vst v2;
	s28 =	smov.u32 s19  }
0x157: {  	v2 =	vld [tilespmem:s20+$0xFFFFFFD0];
	v13 =	vadd.f32 v12, v6;
	v8 =	vpop (erf)  }
0x158: {  	v10 =	vmul.f32 v10, v7;
	v7 =	vld [tilespmem:s20+$0xFFFFFFE0];
	v11 =	vpop (erf)  }
0x159: {  	v12 =	vld [tilespmem:s20+$0xFFFFFFF0];
	v15 =	vmul.f32 v13, v5;
	v6 =	vpop (erf)  }
0x15a: {  	v13 =	vld [tilespmem:s22+$0xFFFFFF90];
	v14 =	vmul.f32 v8, v4;
	v4 =	vpop (erf)  }
0x15b: {  	v8 =	vld [tilespmem:s22+$0xFFFFFFA0];
	v11 =	vmul.f32 v11, v9;
	[tilespmem:s19+$0x0] =	vst v15;
	v5 =	vpop (erf)  }
0x15c: {  	v15 =	vld [tilespmem:s22+$0xFFFFFFB0];
	v16 =	vmul.f32 v6, v2  }
0x15d: {  	v17 =	vld [tilespmem:s22+$0xFFFFFFC0];
	v6 =	vmul.f32 v4, v7  }
0x15e: {  	v18 =	vld [tilespmem:s22+$0xFFFFFFD0];
	v7 =	vmul.f32 v5, v12  }
.Ltmp2:
0x15f: {  	v2 =	vadd.f32 v3, v13;
	v4 =	vld [tilespmem:s22+$0xFFFFFFE0];
	(pc) =	sbr.rel @p0 .LBB2_7-.Ltmp2, $4  }
0x160: {  	v9 =	vadd.f32 v10, v8;
	v5 =	vld [tilespmem:s22+$0xFFFFFFF0]  }
0x161: {  	v8 =	vld [tilespmem:s19+$0xFFFFFFA0];
	v10 =	vadd.f32 v14, v15  }
0x162: {  	v12 =	vld [tilespmem:s19+$0xFFFFFFB0];
	v11 =	vadd.f32 v11, v17  }
0x163: {  	s29 =	sadd.s32 $0x400, s29;
	v13 =	vld [tilespmem:s19+$0xFFFFFFC0];
	v3 =	vadd.f32 v16, v18  }
0x164: {  	v14 =	vld [tilespmem:s19+$0xFFFFFFD0]  }
0x165: {  	v15 =	vld [tilespmem:s19+$0xFFFFFFE0]  }
0x166: {  	v8 =	vmul.f32 v9, v8;
	v9 =	vld [tilespmem:s19+$0xFFFFFFF0]  }
0x167: {  	v10 =	vmul.f32 v10, v12;
	v12 =	vld [tilespmem:s19+$0xFFFFFF90]  }
0x168: {  	v4 =	vadd.f32 v6, v4;
	[tilespmem:s19+$0xFFFFFFA0] =	vst v8;
	v6 =	vmul.f32 v11, v13  }
0x169: {  	v5 =	vadd.f32 v7, v5;
	[tilespmem:s19+$0xFFFFFFB0] =	vst v10;
	v3 =	vmul.f32 v3, v14  }
0x16a: {  	v4 =	vmul.f32 v4, v15;
	[tilespmem:s19+$0xFFFFFFC0] =	vst v6  }
0x16b: {  	[tilespmem:s28+$0xFFFFFFD0] =	vst v3;
	v3 =	vmul.f32 v5, v9  }
0x16c: {  	[tilespmem:s28+$0xFFFFFFE0] =	vst v4;
	v2 =	vmul.f32 v2, v12  }
0x16d: {  	[tilespmem:s28+$0xFFFFFFF0] =	vst v3  }
0x16e: {  	[tilespmem:s28+$0xFFFFFF90] =	vst v2  }
0x16f: {  	v2 =	vld [tilespmem:s24+$0x0]  }
0x170: {  	v3 =	vld [tilespmem:s24+$0xFFFFFF90]  }
0x171: {  	v4 =	vld [tilespmem:s24+$0xFFFFFFA0]  }
0x172: {  	v5 =	vld [tilespmem:s24+$0xFFFFFFB0]  }
0x173: {  	v6 =	vld [tilespmem:s24+$0xFFFFFFC0]  }
0x174: {  	v7 =	vld [tilespmem:s24+$0xFFFFFFD0]  }
0x175: {  	v8 =	vld [tilespmem:s24+$0xFFFFFFE0];
	v2 =	vmul.f32 $1.442695020e+00, v2  }
0x176: {  	v9 =	vld [tilespmem:s24+$0xFFFFFFF0]  }
0x177: {  	v10 =	vld [tilespmem:s23+$0x0];
	(erf) = vpow2.f32 v2  }
0x178: {  	v11 =	vld [tilespmem:s23+$0xFFFFFF90];
	v3 =	vmul.f32 $1.442695020e+00, v3  }
0x179: {  	v12 =	vld [tilespmem:s17+$0x0];
	v4 =	vmul.f32 $1.442695020e+00, v4  }
0x17a: {  	v13 =	vld [tilespmem:s23+$0xFFFFFFF0];
	v5 =	vmul.f32 $1.442695020e+00, v5;
	(erf) = vpow2.f32 v3  }
0x17b: {  	v14 =	vld [tilespmem:s21+$0xFFFFFFA0];
	v6 =	vmul.f32 $1.442695020e+00, v6;
	(erf) = vpow2.f32 v4  }
0x17c: {  	v15 =	vld [tilespmem:s21+$0xFFFFFFB0];
	v4 =	vmul.f32 $1.442695020e+00, v7;
	(erf) = vpow2.f32 v5  }
0x17d: {  	v17 =	vld [tilespmem:s21+$0xFFFFFFC0];
	v7 =	vmul.f32 $1.442695020e+00, v8;
	(erf) = vpow2.f32 v6  }
0x17e: {  	v2 =	vld [tilespmem:s21+$0x0];
	v8 =	vmul.f32 $1.442695020e+00, v9;
	(erf) = vpow2.f32 v4  }
0x17f: {  	v3 =	vld [tilespmem:s23+$0xFFFFFFA0];
	(erf) = vpow2.f32 v7  }
0x180: {  	v9 =	vld [tilespmem:s23+$0xFFFFFFD0];
	(erf) = vpow2.f32 v8;
	v4 =	vpop (erf)  }
0x181: {  	v5 =	vld [tilespmem:s23+$0xFFFFFFB0];
	v4 =	vmul.f32 v4, v10  }
0x182: {  	v6 =	vld [tilespmem:s23+$0xFFFFFFC0]  }
0x183: {  	v8 =	vld [tilespmem:s21+$0xFFFFFF90];
	v10 =	vpop (erf);
	v2 =	vadd.f32 v4, v2  }
0x184: {  	v7 =	vld [tilespmem:s23+$0xFFFFFFE0];
	v16 =	vpop (erf)  }
0x185: {  	v19 =	vld [tilespmem:s21+$0xFFFFFFD0];
	v18 =	vpop (erf);
	v3 =	vmul.f32 v16, v3  }
0x186: {  	v10 =	vmul.f32 v10, v11;
	v4 =	vld [tilespmem:s21+$0xFFFFFFE0];
	v11 =	vpop (erf)  }
0x187: {  	v62 =	vmul.f32 v2, v12;
	v12 =	vmul.f32 v18, v5;
	v5 =	vld [tilespmem:s21+$0xFFFFFFF0];
	v2 =	vpop (erf)  }
0x188: {  	s25 =	simm.s32 $0x0;
	v11 =	vmul.f32 v11, v6;
	v63 =	vmul.f32 v2, v9;
	v6 =	vpop (erf);
	v2 =	vadd.f32 v10, v8;
	v8 =	vld [tilespmem:s17+$0xFFFFFFA0]  }
0x189: {  	s20 =	simm.s32 $0x3AF0;
	s22 =	simm.s32 $0x72F0;
	s29 =	simm.s32 $0xAE70;
	v9 =	vadd.f32 v3, v14;
	v10 =	vadd.f32 v12, v15;
	v12 =	vld [tilespmem:s17+$0xFFFFFFB0];
	v6 =	vmul.f32 v6, v7;
	v3 =	vpop (erf)  }
0x18a: {  	s19 =	simm.s32 $0x2F0;
	s28 =	simm.s32 $0x270;
	s24 =	simm.s32 $0xAAF0;
	[tilespmem:s17+$0x0] =	vst v62;
	v11 =	vadd.f32 v11, v17;
	v7 =	vmul.f32 v3, v13;
	v13 =	vld [tilespmem:s17+$0xFFFFFFC0];
	v3 =	vadd.f32 v63, v19  }
.LBB2_9:
0x18b: {  	v14 =	vld [tilespmem:s29+$0x0];
	s25 =	sadd.s32 $0x80, s25;
	v4 =	vadd.f32 v6, v4  }
0x18c: {  	v6 =	vld [tilespmem:s29+$0xFFFFFF90];
	p0 =	slt.u32 s25, $0x680;
	v5 =	vadd.f32 v7, v5  }
0x18d: {  	v7 =	vld [tilespmem:s29+$0xFFFFFFA0];
	v8 =	vmul.f32 v9, v8  }
0x18e: {  	v9 =	vld [tilespmem:s29+$0xFFFFFFB0];
	v10 =	vmul.f32 v10, v12  }
0x18f: {  	v12 =	vld [tilespmem:s29+$0xFFFFFFC0];
	[tilespmem:s17+$0xFFFFFFA0] =	vst v8;
	v8 =	vmul.f32 v11, v13  }
0x190: {  	v11 =	vld [tilespmem:s29+$0xFFFFFFD0];
	v13 =	vmul.f32 $1.442695020e+00, v14;
	[tilespmem:s17+$0xFFFFFFB0] =	vst v10  }
0x191: {  	v6 =	vmul.f32 $1.442695020e+00, v6;
	v10 =	vld [tilespmem:s29+$0xFFFFFFE0];
	[tilespmem:s17+$0xFFFFFFC0] =	vst v8  }
0x192: {  	v7 =	vmul.f32 $1.442695020e+00, v7;
	v8 =	vld [tilespmem:s29+$0xFFFFFFF0];
	(erf) = vpow2.f32 v13  }
0x193: {  	v9 =	vmul.f32 $1.442695020e+00, v9;
	(erf) = vpow2.f32 v6;
	v6 =	vld [tilespmem:s17+$0xFFFFFFD0]  }
0x194: {  	v12 =	vmul.f32 $1.442695020e+00, v12;
	(erf) = vpow2.f32 v7;
	v7 =	vld [tilespmem:s17+$0xFFFFFFE0]  }
0x195: {  	v11 =	vmul.f32 $1.442695020e+00, v11;
	(erf) = vpow2.f32 v9;
	v9 =	vld [tilespmem:s17+$0xFFFFFFF0]  }
0x196: {  	s23 =	sadd.s32 $0x400, s23;
	v10 =	vmul.f32 $1.442695020e+00, v10;
	(erf) = vpow2.f32 v12;
	v12 =	vld [tilespmem:s17+$0xFFFFFF90]  }
0x197: {  	v8 =	vmul.f32 $1.442695020e+00, v8;
	v13 =	vld [tilespmem:s23+$0x0];
	(erf) = vpow2.f32 v11  }
0x198: {  	s21 =	sadd.s32 $0x400, s21;
	v11 =	vld [tilespmem:s23+$0xFFFFFF90];
	(erf) = vpow2.f32 v10;
	v3 =	vmul.f32 v3, v6  }
0x199: {  	v6 =	vld [tilespmem:s21+$0x0];
	(erf) = vpow2.f32 v8;
	v4 =	vmul.f32 v4, v7  }
0x19a: {  	s17 =	sadd.s32 $0x400, s17;
	v7 =	vld [tilespmem:s23+$0xFFFFFFA0];
	[tilespmem:s28+$0xFFFFFFD0] =	vst v3;
	v3 =	vmul.f32 v5, v9  }
0x19b: {  	v5 =	vld [tilespmem:s17+$0x0];
	v8 =	vpop (erf);
	v2 =	vmul.f32 v2, v12;
	[tilespmem:s28+$0xFFFFFFE0] =	vst v4  }
0x19c: {  	v4 =	vld [tilespmem:s23+$0xFFFFFFB0];
	v12 =	vmul.f32 v8, v13;
	v9 =	vpop (erf);
	[tilespmem:s28+$0xFFFFFFF0] =	vst v3  }
0x19d: {  	v3 =	vmul.f32 v9, v11;
	v9 =	vld [tilespmem:s23+$0xFFFFFFC0];
	v10 =	vpop (erf);
	[tilespmem:s28+$0xFFFFFF90] =	vst v2;
	s28 =	smov.u32 s17  }
0x19e: {  	v2 =	vld [tilespmem:s23+$0xFFFFFFD0];
	v13 =	vadd.f32 v12, v6;
	v8 =	vpop (erf)  }
0x19f: {  	v10 =	vmul.f32 v10, v7;
	v7 =	vld [tilespmem:s23+$0xFFFFFFE0];
	v11 =	vpop (erf)  }
0x1a0: {  	v12 =	vld [tilespmem:s23+$0xFFFFFFF0];
	v15 =	vmul.f32 v13, v5;
	v6 =	vpop (erf)  }
0x1a1: {  	v13 =	vld [tilespmem:s21+$0xFFFFFF90];
	v14 =	vmul.f32 v8, v4;
	v4 =	vpop (erf)  }
0x1a2: {  	v8 =	vld [tilespmem:s21+$0xFFFFFFA0];
	v11 =	vmul.f32 v11, v9;
	[tilespmem:s17+$0x0] =	vst v15;
	v5 =	vpop (erf)  }
0x1a3: {  	v15 =	vld [tilespmem:s21+$0xFFFFFFB0];
	v16 =	vmul.f32 v6, v2  }
0x1a4: {  	v17 =	vld [tilespmem:s21+$0xFFFFFFC0];
	v6 =	vmul.f32 v4, v7  }
0x1a5: {  	v18 =	vld [tilespmem:s21+$0xFFFFFFD0];
	v7 =	vmul.f32 v5, v12  }
.Ltmp3:
0x1a6: {  	v2 =	vadd.f32 v3, v13;
	v4 =	vld [tilespmem:s21+$0xFFFFFFE0];
	(pc) =	sbr.rel @p0 .LBB2_9-.Ltmp3, $4  }
0x1a7: {  	v9 =	vadd.f32 v10, v8;
	v5 =	vld [tilespmem:s21+$0xFFFFFFF0]  }
0x1a8: {  	v8 =	vld [tilespmem:s17+$0xFFFFFFA0];
	v10 =	vadd.f32 v14, v15  }
0x1a9: {  	v12 =	vld [tilespmem:s17+$0xFFFFFFB0];
	v11 =	vadd.f32 v11, v17  }
0x1aa: {  	s29 =	sadd.s32 $0x400, s29;
	v13 =	vld [tilespmem:s17+$0xFFFFFFC0];
	v3 =	vadd.f32 v16, v18  }
0x1ab: {  	v14 =	vld [tilespmem:s17+$0xFFFFFFD0]  }
0x1ac: {  	v15 =	vld [tilespmem:s17+$0xFFFFFFE0]  }
0x1ad: {  	v8 =	vmul.f32 v9, v8;
	v9 =	vld [tilespmem:s17+$0xFFFFFFF0]  }
0x1ae: {  	v10 =	vmul.f32 v10, v12;
	v12 =	vld [tilespmem:s17+$0xFFFFFF90]  }
0x1af: {  	v4 =	vadd.f32 v6, v4;
	[tilespmem:s17+$0xFFFFFFA0] =	vst v8;
	v6 =	vmul.f32 v11, v13  }
0x1b0: {  	v5 =	vadd.f32 v7, v5;
	[tilespmem:s17+$0xFFFFFFB0] =	vst v10;
	v3 =	vmul.f32 v3, v14  }
0x1b1: {  	v4 =	vmul.f32 v4, v15;
	[tilespmem:s17+$0xFFFFFFC0] =	vst v6  }
0x1b2: {  	[tilespmem:s28+$0xFFFFFFD0] =	vst v3;
	v3 =	vmul.f32 v5, v9  }
0x1b3: {  	[tilespmem:s28+$0xFFFFFFE0] =	vst v4;
	v2 =	vmul.f32 v2, v12  }
0x1b4: {  	[tilespmem:s28+$0xFFFFFFF0] =	vst v3  }
0x1b5: {  	[tilespmem:s28+$0xFFFFFF90] =	vst v2  }
0x1b6: {  	v2 =	vld [tilespmem:s24+$0x0]  }
0x1b7: {  	v3 =	vld [tilespmem:s24+$0xFFFFFF90]  }
0x1b8: {  	v4 =	vld [tilespmem:s24+$0xFFFFFFA0]  }
0x1b9: {  	v5 =	vld [tilespmem:s24+$0xFFFFFFB0]  }
0x1ba: {  	v6 =	vld [tilespmem:s24+$0xFFFFFFC0]  }
0x1bb: {  	v7 =	vld [tilespmem:s24+$0xFFFFFFD0]  }
0x1bc: {  	v8 =	vld [tilespmem:s24+$0xFFFFFFE0];
	v2 =	vmul.f32 $1.442695020e+00, v2  }
0x1bd: {  	v9 =	vld [tilespmem:s24+$0xFFFFFFF0]  }
0x1be: {  	v10 =	vld [tilespmem:s20+$0x0];
	(erf) = vpow2.f32 v2  }
0x1bf: {  	v11 =	vld [tilespmem:s20+$0xFFFFFF90];
	v3 =	vmul.f32 $1.442695020e+00, v3  }
0x1c0: {  	v12 =	vld [tilespmem:s19+$0x0];
	v4 =	vmul.f32 $1.442695020e+00, v4  }
0x1c1: {  	v13 =	vld [tilespmem:s20+$0xFFFFFFF0];
	v5 =	vmul.f32 $1.442695020e+00, v5;
	(erf) = vpow2.f32 v3  }
0x1c2: {  	v14 =	vld [tilespmem:s22+$0xFFFFFFA0];
	v6 =	vmul.f32 $1.442695020e+00, v6;
	(erf) = vpow2.f32 v4  }
0x1c3: {  	v15 =	vld [tilespmem:s22+$0xFFFFFFB0];
	v4 =	vmul.f32 $1.442695020e+00, v7;
	(erf) = vpow2.f32 v5  }
0x1c4: {  	v17 =	vld [tilespmem:s22+$0xFFFFFFC0];
	v7 =	vmul.f32 $1.442695020e+00, v8;
	(erf) = vpow2.f32 v6  }
0x1c5: {  	v2 =	vld [tilespmem:s22+$0x0];
	v8 =	vmul.f32 $1.442695020e+00, v9;
	(erf) = vpow2.f32 v4  }
0x1c6: {  	v3 =	vld [tilespmem:s20+$0xFFFFFFA0];
	(erf) = vpow2.f32 v7  }
0x1c7: {  	v9 =	vld [tilespmem:s20+$0xFFFFFFD0];
	(erf) = vpow2.f32 v8;
	v4 =	vpop (erf)  }
0x1c8: {  	v5 =	vld [tilespmem:s20+$0xFFFFFFB0];
	v4 =	vmul.f32 v4, v10  }
0x1c9: {  	v6 =	vld [tilespmem:s20+$0xFFFFFFC0]  }
0x1ca: {  	v8 =	vld [tilespmem:s22+$0xFFFFFF90];
	v10 =	vpop (erf);
	v2 =	vadd.f32 v4, v2  }
0x1cb: {  	v7 =	vld [tilespmem:s20+$0xFFFFFFE0];
	v16 =	vpop (erf)  }
0x1cc: {  	v19 =	vld [tilespmem:s22+$0xFFFFFFD0];
	v18 =	vpop (erf);
	v3 =	vmul.f32 v16, v3  }
0x1cd: {  	v10 =	vmul.f32 v10, v11;
	v4 =	vld [tilespmem:s22+$0xFFFFFFE0];
	v11 =	vpop (erf)  }
0x1ce: {  	v62 =	vmul.f32 v2, v12;
	v12 =	vmul.f32 v18, v5;
	v5 =	vld [tilespmem:s22+$0xFFFFFFF0];
	v2 =	vpop (erf)  }
0x1cf: {  	s25 =	simm.s32 $0x0;
	v11 =	vmul.f32 v11, v6;
	v63 =	vmul.f32 v2, v9;
	v6 =	vpop (erf);
	v2 =	vadd.f32 v10, v8;
	v8 =	vld [tilespmem:s19+$0xFFFFFFA0]  }
0x1d0: {  	s21 =	simm.s32 $0x7370;
	s23 =	simm.s32 $0x3B70;
	s29 =	simm.s32 $0xAEF0;
	v9 =	vadd.f32 v3, v14;
	v10 =	vadd.f32 v12, v15;
	v12 =	vld [tilespmem:s19+$0xFFFFFFB0];
	v6 =	vmul.f32 v6, v7;
	v3 =	vpop (erf)  }
0x1d1: {  	s17 =	simm.s32 $0x370;
	s28 =	simm.s32 $0x2F0;
	s24 =	simm.s32 $0xAB70;
	[tilespmem:s19+$0x0] =	vst v62;
	v11 =	vadd.f32 v11, v17;
	v7 =	vmul.f32 v3, v13;
	v13 =	vld [tilespmem:s19+$0xFFFFFFC0];
	v3 =	vadd.f32 v63, v19  }
.LBB2_11:
0x1d2: {  	v14 =	vld [tilespmem:s29+$0x0];
	s25 =	sadd.s32 $0x80, s25;
	v4 =	vadd.f32 v6, v4  }
0x1d3: {  	v6 =	vld [tilespmem:s29+$0xFFFFFF90];
	p0 =	slt.u32 s25, $0x680;
	v5 =	vadd.f32 v7, v5  }
0x1d4: {  	v7 =	vld [tilespmem:s29+$0xFFFFFFA0];
	v8 =	vmul.f32 v9, v8  }
0x1d5: {  	v9 =	vld [tilespmem:s29+$0xFFFFFFB0];
	v10 =	vmul.f32 v10, v12  }
0x1d6: {  	v12 =	vld [tilespmem:s29+$0xFFFFFFC0];
	[tilespmem:s19+$0xFFFFFFA0] =	vst v8;
	v8 =	vmul.f32 v11, v13  }
0x1d7: {  	v11 =	vld [tilespmem:s29+$0xFFFFFFD0];
	v13 =	vmul.f32 $1.442695020e+00, v14;
	[tilespmem:s19+$0xFFFFFFB0] =	vst v10  }
0x1d8: {  	v6 =	vmul.f32 $1.442695020e+00, v6;
	v10 =	vld [tilespmem:s29+$0xFFFFFFE0];
	[tilespmem:s19+$0xFFFFFFC0] =	vst v8  }
0x1d9: {  	v7 =	vmul.f32 $1.442695020e+00, v7;
	v8 =	vld [tilespmem:s29+$0xFFFFFFF0];
	(erf) = vpow2.f32 v13  }
0x1da: {  	v9 =	vmul.f32 $1.442695020e+00, v9;
	(erf) = vpow2.f32 v6;
	v6 =	vld [tilespmem:s19+$0xFFFFFFD0]  }
0x1db: {  	v12 =	vmul.f32 $1.442695020e+00, v12;
	(erf) = vpow2.f32 v7;
	v7 =	vld [tilespmem:s19+$0xFFFFFFE0]  }
0x1dc: {  	v11 =	vmul.f32 $1.442695020e+00, v11;
	(erf) = vpow2.f32 v9;
	v9 =	vld [tilespmem:s19+$0xFFFFFFF0]  }
0x1dd: {  	s20 =	sadd.s32 $0x400, s20;
	v10 =	vmul.f32 $1.442695020e+00, v10;
	(erf) = vpow2.f32 v12;
	v12 =	vld [tilespmem:s19+$0xFFFFFF90]  }
0x1de: {  	v8 =	vmul.f32 $1.442695020e+00, v8;
	v13 =	vld [tilespmem:s20+$0x0];
	(erf) = vpow2.f32 v11  }
0x1df: {  	s22 =	sadd.s32 $0x400, s22;
	v11 =	vld [tilespmem:s20+$0xFFFFFF90];
	(erf) = vpow2.f32 v10;
	v3 =	vmul.f32 v3, v6  }
0x1e0: {  	v6 =	vld [tilespmem:s22+$0x0];
	(erf) = vpow2.f32 v8;
	v4 =	vmul.f32 v4, v7  }
0x1e1: {  	s19 =	sadd.s32 $0x400, s19;
	v7 =	vld [tilespmem:s20+$0xFFFFFFA0];
	[tilespmem:s28+$0xFFFFFFD0] =	vst v3;
	v3 =	vmul.f32 v5, v9  }
0x1e2: {  	v5 =	vld [tilespmem:s19+$0x0];
	v8 =	vpop (erf);
	v2 =	vmul.f32 v2, v12;
	[tilespmem:s28+$0xFFFFFFE0] =	vst v4  }
0x1e3: {  	v4 =	vld [tilespmem:s20+$0xFFFFFFB0];
	v12 =	vmul.f32 v8, v13;
	v9 =	vpop (erf);
	[tilespmem:s28+$0xFFFFFFF0] =	vst v3  }
0x1e4: {  	v3 =	vmul.f32 v9, v11;
	v9 =	vld [tilespmem:s20+$0xFFFFFFC0];
	v10 =	vpop (erf);
	[tilespmem:s28+$0xFFFFFF90] =	vst v2;
	s28 =	smov.u32 s19  }
0x1e5: {  	v2 =	vld [tilespmem:s20+$0xFFFFFFD0];
	v13 =	vadd.f32 v12, v6;
	v8 =	vpop (erf)  }
0x1e6: {  	v10 =	vmul.f32 v10, v7;
	v7 =	vld [tilespmem:s20+$0xFFFFFFE0];
	v11 =	vpop (erf)  }
0x1e7: {  	v12 =	vld [tilespmem:s20+$0xFFFFFFF0];
	v15 =	vmul.f32 v13, v5;
	v6 =	vpop (erf)  }
0x1e8: {  	v13 =	vld [tilespmem:s22+$0xFFFFFF90];
	v14 =	vmul.f32 v8, v4;
	v4 =	vpop (erf)  }
0x1e9: {  	v8 =	vld [tilespmem:s22+$0xFFFFFFA0];
	v11 =	vmul.f32 v11, v9;
	[tilespmem:s19+$0x0] =	vst v15;
	v5 =	vpop (erf)  }
0x1ea: {  	v15 =	vld [tilespmem:s22+$0xFFFFFFB0];
	v16 =	vmul.f32 v6, v2  }
0x1eb: {  	v17 =	vld [tilespmem:s22+$0xFFFFFFC0];
	v6 =	vmul.f32 v4, v7  }
0x1ec: {  	v18 =	vld [tilespmem:s22+$0xFFFFFFD0];
	v7 =	vmul.f32 v5, v12  }
.Ltmp4:
0x1ed: {  	v2 =	vadd.f32 v3, v13;
	v4 =	vld [tilespmem:s22+$0xFFFFFFE0];
	(pc) =	sbr.rel @p0 .LBB2_11-.Ltmp4, $4  }
0x1ee: {  	v9 =	vadd.f32 v10, v8;
	v5 =	vld [tilespmem:s22+$0xFFFFFFF0]  }
0x1ef: {  	v8 =	vld [tilespmem:s19+$0xFFFFFFA0];
	v10 =	vadd.f32 v14, v15  }
0x1f0: {  	v12 =	vld [tilespmem:s19+$0xFFFFFFB0];
	v11 =	vadd.f32 v11, v17  }
0x1f1: {  	s29 =	sadd.s32 $0x400, s29;
	v13 =	vld [tilespmem:s19+$0xFFFFFFC0];
	v3 =	vadd.f32 v16, v18  }
0x1f2: {  	v14 =	vld [tilespmem:s19+$0xFFFFFFD0]  }
0x1f3: {  	v15 =	vld [tilespmem:s19+$0xFFFFFFE0]  }
0x1f4: {  	v8 =	vmul.f32 v9, v8;
	v9 =	vld [tilespmem:s19+$0xFFFFFFF0]  }
0x1f5: {  	v10 =	vmul.f32 v10, v12;
	v12 =	vld [tilespmem:s19+$0xFFFFFF90]  }
0x1f6: {  	v4 =	vadd.f32 v6, v4;
	[tilespmem:s19+$0xFFFFFFA0] =	vst v8;
	v6 =	vmul.f32 v11, v13  }
0x1f7: {  	v5 =	vadd.f32 v7, v5;
	[tilespmem:s19+$0xFFFFFFB0] =	vst v10;
	v3 =	vmul.f32 v3, v14  }
0x1f8: {  	v4 =	vmul.f32 v4, v15;
	[tilespmem:s19+$0xFFFFFFC0] =	vst v6  }
0x1f9: {  	[tilespmem:s28+$0xFFFFFFD0] =	vst v3;
	v3 =	vmul.f32 v5, v9  }
0x1fa: {  	[tilespmem:s28+$0xFFFFFFE0] =	vst v4;
	v2 =	vmul.f32 v2, v12  }
0x1fb: {  	[tilespmem:s28+$0xFFFFFFF0] =	vst v3  }
0x1fc: {  	[tilespmem:s28+$0xFFFFFF90] =	vst v2  }
0x1fd: {  	v2 =	vld [tilespmem:s24+$0x0]  }
0x1fe: {  	v3 =	vld [tilespmem:s24+$0xFFFFFF90]  }
0x1ff: {  	v4 =	vld [tilespmem:s24+$0xFFFFFFA0]  }
0x200: {  	v5 =	vld [tilespmem:s24+$0xFFFFFFB0]  }
0x201: {  	v6 =	vld [tilespmem:s24+$0xFFFFFFC0]  }
0x202: {  	v7 =	vld [tilespmem:s24+$0xFFFFFFD0]  }
0x203: {  	v8 =	vld [tilespmem:s24+$0xFFFFFFE0];
	v2 =	vmul.f32 $1.442695020e+00, v2  }
0x204: {  	v9 =	vld [tilespmem:s24+$0xFFFFFFF0]  }
0x205: {  	v10 =	vld [tilespmem:s23+$0x0];
	(erf) = vpow2.f32 v2  }
0x206: {  	v11 =	vld [tilespmem:s23+$0xFFFFFF90];
	v3 =	vmul.f32 $1.442695020e+00, v3  }
0x207: {  	v12 =	vld [tilespmem:s17+$0x0];
	v4 =	vmul.f32 $1.442695020e+00, v4  }
0x208: {  	v13 =	vld [tilespmem:s23+$0xFFFFFFF0];
	v5 =	vmul.f32 $1.442695020e+00, v5;
	(erf) = vpow2.f32 v3  }
0x209: {  	v14 =	vld [tilespmem:s21+$0xFFFFFFA0];
	v6 =	vmul.f32 $1.442695020e+00, v6;
	(erf) = vpow2.f32 v4  }
0x20a: {  	v15 =	vld [tilespmem:s21+$0xFFFFFFB0];
	v4 =	vmul.f32 $1.442695020e+00, v7;
	(erf) = vpow2.f32 v5  }
0x20b: {  	v17 =	vld [tilespmem:s21+$0xFFFFFFC0];
	v7 =	vmul.f32 $1.442695020e+00, v8;
	(erf) = vpow2.f32 v6  }
0x20c: {  	v2 =	vld [tilespmem:s21+$0x0];
	v8 =	vmul.f32 $1.442695020e+00, v9;
	(erf) = vpow2.f32 v4  }
0x20d: {  	v3 =	vld [tilespmem:s23+$0xFFFFFFA0];
	(erf) = vpow2.f32 v7  }
0x20e: {  	v9 =	vld [tilespmem:s23+$0xFFFFFFD0];
	(erf) = vpow2.f32 v8;
	v4 =	vpop (erf)  }
0x20f: {  	v5 =	vld [tilespmem:s23+$0xFFFFFFB0];
	v4 =	vmul.f32 v4, v10  }
0x210: {  	v6 =	vld [tilespmem:s23+$0xFFFFFFC0]  }
0x211: {  	v8 =	vld [tilespmem:s21+$0xFFFFFF90];
	v10 =	vpop (erf);
	v2 =	vadd.f32 v4, v2  }
0x212: {  	v7 =	vld [tilespmem:s23+$0xFFFFFFE0];
	v16 =	vpop (erf)  }
0x213: {  	v19 =	vld [tilespmem:s21+$0xFFFFFFD0];
	v18 =	vpop (erf);
	v3 =	vmul.f32 v16, v3  }
0x214: {  	v10 =	vmul.f32 v10, v11;
	v4 =	vld [tilespmem:s21+$0xFFFFFFE0];
	v11 =	vpop (erf)  }
0x215: {  	v62 =	vmul.f32 v2, v12;
	v12 =	vmul.f32 v18, v5;
	v5 =	vld [tilespmem:s21+$0xFFFFFFF0];
	v2 =	vpop (erf)  }
0x216: {  	s25 =	simm.s32 $0x0;
	v11 =	vmul.f32 v11, v6;
	v63 =	vmul.f32 v2, v9;
	v6 =	vpop (erf);
	v2 =	vadd.f32 v10, v8;
	v8 =	vld [tilespmem:s17+$0xFFFFFFA0]  }
0x217: {  	s20 =	simm.s32 $0x3BF0;
	s22 =	simm.s32 $0x73F0;
	s29 =	simm.s32 $0xAF70;
	v9 =	vadd.f32 v3, v14;
	v10 =	vadd.f32 v12, v15;
	v12 =	vld [tilespmem:s17+$0xFFFFFFB0];
	v6 =	vmul.f32 v6, v7;
	v3 =	vpop (erf)  }
0x218: {  	s19 =	simm.s32 $0x3F0;
	s28 =	simm.s32 $0x370;
	s24 =	simm.s32 $0xABF0;
	[tilespmem:s17+$0x0] =	vst v62;
	v11 =	vadd.f32 v11, v17;
	v7 =	vmul.f32 v3, v13;
	v13 =	vld [tilespmem:s17+$0xFFFFFFC0];
	v3 =	vadd.f32 v63, v19  }
.LBB2_13:
0x219: {  	v14 =	vld [tilespmem:s29+$0x0];
	s25 =	sadd.s32 $0x80, s25;
	v4 =	vadd.f32 v6, v4  }
0x21a: {  	v6 =	vld [tilespmem:s29+$0xFFFFFF90];
	p0 =	slt.u32 s25, $0x680;
	v5 =	vadd.f32 v7, v5  }
0x21b: {  	v7 =	vld [tilespmem:s29+$0xFFFFFFA0];
	v8 =	vmul.f32 v9, v8  }
0x21c: {  	v9 =	vld [tilespmem:s29+$0xFFFFFFB0];
	v10 =	vmul.f32 v10, v12  }
0x21d: {  	v12 =	vld [tilespmem:s29+$0xFFFFFFC0];
	[tilespmem:s17+$0xFFFFFFA0] =	vst v8;
	v8 =	vmul.f32 v11, v13  }
0x21e: {  	v11 =	vld [tilespmem:s29+$0xFFFFFFD0];
	v13 =	vmul.f32 $1.442695020e+00, v14;
	[tilespmem:s17+$0xFFFFFFB0] =	vst v10  }
0x21f: {  	v6 =	vmul.f32 $1.442695020e+00, v6;
	v10 =	vld [tilespmem:s29+$0xFFFFFFE0];
	[tilespmem:s17+$0xFFFFFFC0] =	vst v8  }
0x220: {  	v7 =	vmul.f32 $1.442695020e+00, v7;
	v8 =	vld [tilespmem:s29+$0xFFFFFFF0];
	(erf) = vpow2.f32 v13  }
0x221: {  	v9 =	vmul.f32 $1.442695020e+00, v9;
	(erf) = vpow2.f32 v6;
	v6 =	vld [tilespmem:s17+$0xFFFFFFD0]  }
0x222: {  	v12 =	vmul.f32 $1.442695020e+00, v12;
	(erf) = vpow2.f32 v7;
	v7 =	vld [tilespmem:s17+$0xFFFFFFE0]  }
0x223: {  	v11 =	vmul.f32 $1.442695020e+00, v11;
	(erf) = vpow2.f32 v9;
	v9 =	vld [tilespmem:s17+$0xFFFFFFF0]  }
0x224: {  	s23 =	sadd.s32 $0x400, s23;
	v10 =	vmul.f32 $1.442695020e+00, v10;
	(erf) = vpow2.f32 v12;
	v12 =	vld [tilespmem:s17+$0xFFFFFF90]  }
0x225: {  	v8 =	vmul.f32 $1.442695020e+00, v8;
	v13 =	vld [tilespmem:s23+$0x0];
	(erf) = vpow2.f32 v11  }
0x226: {  	s21 =	sadd.s32 $0x400, s21;
	v11 =	vld [tilespmem:s23+$0xFFFFFF90];
	(erf) = vpow2.f32 v10;
	v3 =	vmul.f32 v3, v6  }
0x227: {  	v6 =	vld [tilespmem:s21+$0x0];
	(erf) = vpow2.f32 v8;
	v4 =	vmul.f32 v4, v7  }
0x228: {  	s17 =	sadd.s32 $0x400, s17;
	v7 =	vld [tilespmem:s23+$0xFFFFFFA0];
	[tilespmem:s28+$0xFFFFFFD0] =	vst v3;
	v3 =	vmul.f32 v5, v9  }
0x229: {  	v5 =	vld [tilespmem:s17+$0x0];
	v8 =	vpop (erf);
	v2 =	vmul.f32 v2, v12;
	[tilespmem:s28+$0xFFFFFFE0] =	vst v4  }
0x22a: {  	v4 =	vld [tilespmem:s23+$0xFFFFFFB0];
	v12 =	vmul.f32 v8, v13;
	v9 =	vpop (erf);
	[tilespmem:s28+$0xFFFFFFF0] =	vst v3  }
0x22b: {  	v3 =	vmul.f32 v9, v11;
	v9 =	vld [tilespmem:s23+$0xFFFFFFC0];
	v10 =	vpop (erf);
	[tilespmem:s28+$0xFFFFFF90] =	vst v2;
	s28 =	smov.u32 s17  }
0x22c: {  	v2 =	vld [tilespmem:s23+$0xFFFFFFD0];
	v13 =	vadd.f32 v12, v6;
	v8 =	vpop (erf)  }
0x22d: {  	v10 =	vmul.f32 v10, v7;
	v7 =	vld [tilespmem:s23+$0xFFFFFFE0];
	v11 =	vpop (erf)  }
0x22e: {  	v12 =	vld [tilespmem:s23+$0xFFFFFFF0];
	v15 =	vmul.f32 v13, v5;
	v6 =	vpop (erf)  }
0x22f: {  	v13 =	vld [tilespmem:s21+$0xFFFFFF90];
	v14 =	vmul.f32 v8, v4;
	v4 =	vpop (erf)  }
0x230: {  	v8 =	vld [tilespmem:s21+$0xFFFFFFA0];
	v11 =	vmul.f32 v11, v9;
	[tilespmem:s17+$0x0] =	vst v15;
	v5 =	vpop (erf)  }
0x231: {  	v15 =	vld [tilespmem:s21+$0xFFFFFFB0];
	v16 =	vmul.f32 v6, v2  }
0x232: {  	v17 =	vld [tilespmem:s21+$0xFFFFFFC0];
	v6 =	vmul.f32 v4, v7  }
0x233: {  	v18 =	vld [tilespmem:s21+$0xFFFFFFD0];
	v7 =	vmul.f32 v5, v12  }
.Ltmp5:
0x234: {  	v2 =	vadd.f32 v3, v13;
	v4 =	vld [tilespmem:s21+$0xFFFFFFE0];
	(pc) =	sbr.rel @p0 .LBB2_13-.Ltmp5, $4  }
0x235: {  	v9 =	vadd.f32 v10, v8;
	v5 =	vld [tilespmem:s21+$0xFFFFFFF0]  }
0x236: {  	v8 =	vld [tilespmem:s17+$0xFFFFFFA0];
	v10 =	vadd.f32 v14, v15  }
0x237: {  	v12 =	vld [tilespmem:s17+$0xFFFFFFB0];
	v11 =	vadd.f32 v11, v17  }
0x238: {  	s29 =	sadd.s32 $0x400, s29;
	v13 =	vld [tilespmem:s17+$0xFFFFFFC0];
	v3 =	vadd.f32 v16, v18  }
0x239: {  	v14 =	vld [tilespmem:s17+$0xFFFFFFD0]  }
0x23a: {  	v15 =	vld [tilespmem:s17+$0xFFFFFFE0]  }
0x23b: {  	v8 =	vmul.f32 v9, v8;
	v9 =	vld [tilespmem:s17+$0xFFFFFFF0]  }
0x23c: {  	v10 =	vmul.f32 v10, v12;
	v12 =	vld [tilespmem:s17+$0xFFFFFF90]  }
0x23d: {  	v4 =	vadd.f32 v6, v4;
	[tilespmem:s17+$0xFFFFFFA0] =	vst v8;
	v6 =	vmul.f32 v11, v13  }
0x23e: {  	v5 =	vadd.f32 v7, v5;
	[tilespmem:s17+$0xFFFFFFB0] =	vst v10;
	v3 =	vmul.f32 v3, v14  }
0x23f: {  	v4 =	vmul.f32 v4, v15;
	[tilespmem:s17+$0xFFFFFFC0] =	vst v6  }
0x240: {  	[tilespmem:s28+$0xFFFFFFD0] =	vst v3;
	v3 =	vmul.f32 v5, v9  }
0x241: {  	[tilespmem:s28+$0xFFFFFFE0] =	vst v4;
	v2 =	vmul.f32 v2, v12  }
0x242: {  	[tilespmem:s28+$0xFFFFFFF0] =	vst v3  }
0x243: {  	[tilespmem:s28+$0xFFFFFF90] =	vst v2  }
0x244: {  	v2 =	vld [tilespmem:s24+$0x0]  }
0x245: {  	v3 =	vld [tilespmem:s24+$0xFFFFFF90]  }
0x246: {  	v4 =	vld [tilespmem:s24+$0xFFFFFFA0]  }
0x247: {  	v5 =	vld [tilespmem:s24+$0xFFFFFFB0]  }
0x248: {  	v6 =	vld [tilespmem:s24+$0xFFFFFFC0]  }
0x249: {  	v7 =	vld [tilespmem:s24+$0xFFFFFFD0]  }
0x24a: {  	v8 =	vld [tilespmem:s24+$0xFFFFFFE0];
	v2 =	vmul.f32 $1.442695020e+00, v2  }
0x24b: {  	v9 =	vld [tilespmem:s24+$0xFFFFFFF0]  }
0x24c: {  	v10 =	vld [tilespmem:s20+$0x0];
	(erf) = vpow2.f32 v2  }
0x24d: {  	v11 =	vld [tilespmem:s20+$0xFFFFFF90];
	v3 =	vmul.f32 $1.442695020e+00, v3  }
0x24e: {  	v12 =	vld [tilespmem:s19+$0x0];
	v4 =	vmul.f32 $1.442695020e+00, v4  }
0x24f: {  	v13 =	vld [tilespmem:s20+$0xFFFFFFF0];
	v5 =	vmul.f32 $1.442695020e+00, v5;
	(erf) = vpow2.f32 v3  }
0x250: {  	v14 =	vld [tilespmem:s22+$0xFFFFFFA0];
	v6 =	vmul.f32 $1.442695020e+00, v6;
	(erf) = vpow2.f32 v4  }
0x251: {  	v15 =	vld [tilespmem:s22+$0xFFFFFFB0];
	v4 =	vmul.f32 $1.442695020e+00, v7;
	(erf) = vpow2.f32 v5  }
0x252: {  	v17 =	vld [tilespmem:s22+$0xFFFFFFC0];
	v7 =	vmul.f32 $1.442695020e+00, v8;
	(erf) = vpow2.f32 v6  }
0x253: {  	v2 =	vld [tilespmem:s22+$0x0];
	v8 =	vmul.f32 $1.442695020e+00, v9;
	(erf) = vpow2.f32 v4  }
0x254: {  	v3 =	vld [tilespmem:s20+$0xFFFFFFA0];
	(erf) = vpow2.f32 v7  }
0x255: {  	v9 =	vld [tilespmem:s20+$0xFFFFFFD0];
	(erf) = vpow2.f32 v8;
	v4 =	vpop (erf)  }
0x256: {  	v5 =	vld [tilespmem:s20+$0xFFFFFFB0];
	v4 =	vmul.f32 v4, v10  }
0x257: {  	v6 =	vld [tilespmem:s20+$0xFFFFFFC0]  }
0x258: {  	v8 =	vld [tilespmem:s22+$0xFFFFFF90];
	v10 =	vpop (erf);
	v2 =	vadd.f32 v4, v2  }
0x259: {  	v7 =	vld [tilespmem:s20+$0xFFFFFFE0];
	v16 =	vpop (erf)  }
0x25a: {  	v19 =	vld [tilespmem:s22+$0xFFFFFFD0];
	v18 =	vpop (erf);
	v3 =	vmul.f32 v16, v3  }
0x25b: {  	v10 =	vmul.f32 v10, v11;
	v4 =	vld [tilespmem:s22+$0xFFFFFFE0];
	v11 =	vpop (erf)  }
0x25c: {  	v62 =	vmul.f32 v2, v12;
	v12 =	vmul.f32 v18, v5;
	v5 =	vld [tilespmem:s22+$0xFFFFFFF0];
	v2 =	vpop (erf)  }
0x25d: {  	s25 =	simm.s32 $0x0;
	v11 =	vmul.f32 v11, v6;
	v63 =	vmul.f32 v2, v9;
	v6 =	vpop (erf);
	v2 =	vadd.f32 v10, v8;
	v8 =	vld [tilespmem:s19+$0xFFFFFFA0]  }
0x25e: {  	s21 =	simm.s32 $0x7470;
	s23 =	simm.s32 $0x3C70;
	s29 =	simm.s32 $0xAFF0;
	v9 =	vadd.f32 v3, v14;
	v10 =	vadd.f32 v12, v15;
	v12 =	vld [tilespmem:s19+$0xFFFFFFB0];
	v6 =	vmul.f32 v6, v7;
	v3 =	vpop (erf)  }
0x25f: {  	s17 =	simm.s32 $0x470;
	s28 =	simm.s32 $0x3F0;
	s24 =	simm.s32 $0xAC70;
	[tilespmem:s19+$0x0] =	vst v62;
	v11 =	vadd.f32 v11, v17;
	v7 =	vmul.f32 v3, v13;
	v13 =	vld [tilespmem:s19+$0xFFFFFFC0];
	v3 =	vadd.f32 v63, v19  }
.LBB2_15:
0x260: {  	v14 =	vld [tilespmem:s29+$0x0];
	s25 =	sadd.s32 $0x80, s25;
	v4 =	vadd.f32 v6, v4  }
0x261: {  	v6 =	vld [tilespmem:s29+$0xFFFFFF90];
	p0 =	slt.u32 s25, $0x680;
	v5 =	vadd.f32 v7, v5  }
0x262: {  	v7 =	vld [tilespmem:s29+$0xFFFFFFA0];
	v8 =	vmul.f32 v9, v8  }
0x263: {  	v9 =	vld [tilespmem:s29+$0xFFFFFFB0];
	v10 =	vmul.f32 v10, v12  }
0x264: {  	v12 =	vld [tilespmem:s29+$0xFFFFFFC0];
	[tilespmem:s19+$0xFFFFFFA0] =	vst v8;
	v8 =	vmul.f32 v11, v13  }
0x265: {  	v11 =	vld [tilespmem:s29+$0xFFFFFFD0];
	v13 =	vmul.f32 $1.442695020e+00, v14;
	[tilespmem:s19+$0xFFFFFFB0] =	vst v10  }
0x266: {  	v6 =	vmul.f32 $1.442695020e+00, v6;
	v10 =	vld [tilespmem:s29+$0xFFFFFFE0];
	[tilespmem:s19+$0xFFFFFFC0] =	vst v8  }
0x267: {  	v7 =	vmul.f32 $1.442695020e+00, v7;
	v8 =	vld [tilespmem:s29+$0xFFFFFFF0];
	(erf) = vpow2.f32 v13  }
0x268: {  	v9 =	vmul.f32 $1.442695020e+00, v9;
	(erf) = vpow2.f32 v6;
	v6 =	vld [tilespmem:s19+$0xFFFFFFD0]  }
0x269: {  	v12 =	vmul.f32 $1.442695020e+00, v12;
	(erf) = vpow2.f32 v7;
	v7 =	vld [tilespmem:s19+$0xFFFFFFE0]  }
0x26a: {  	v11 =	vmul.f32 $1.442695020e+00, v11;
	(erf) = vpow2.f32 v9;
	v9 =	vld [tilespmem:s19+$0xFFFFFFF0]  }
0x26b: {  	s20 =	sadd.s32 $0x400, s20;
	v10 =	vmul.f32 $1.442695020e+00, v10;
	(erf) = vpow2.f32 v12;
	v12 =	vld [tilespmem:s19+$0xFFFFFF90]  }
0x26c: {  	v8 =	vmul.f32 $1.442695020e+00, v8;
	v13 =	vld [tilespmem:s20+$0x0];
	(erf) = vpow2.f32 v11  }
0x26d: {  	s22 =	sadd.s32 $0x400, s22;
	v11 =	vld [tilespmem:s20+$0xFFFFFF90];
	(erf) = vpow2.f32 v10;
	v3 =	vmul.f32 v3, v6  }
0x26e: {  	v6 =	vld [tilespmem:s22+$0x0];
	(erf) = vpow2.f32 v8;
	v4 =	vmul.f32 v4, v7  }
0x26f: {  	s19 =	sadd.s32 $0x400, s19;
	v7 =	vld [tilespmem:s20+$0xFFFFFFA0];
	[tilespmem:s28+$0xFFFFFFD0] =	vst v3;
	v3 =	vmul.f32 v5, v9  }
0x270: {  	v5 =	vld [tilespmem:s19+$0x0];
	v8 =	vpop (erf);
	v2 =	vmul.f32 v2, v12;
	[tilespmem:s28+$0xFFFFFFE0] =	vst v4  }
0x271: {  	v4 =	vld [tilespmem:s20+$0xFFFFFFB0];
	v12 =	vmul.f32 v8, v13;
	v9 =	vpop (erf);
	[tilespmem:s28+$0xFFFFFFF0] =	vst v3  }
0x272: {  	v3 =	vmul.f32 v9, v11;
	v9 =	vld [tilespmem:s20+$0xFFFFFFC0];
	v10 =	vpop (erf);
	[tilespmem:s28+$0xFFFFFF90] =	vst v2;
	s28 =	smov.u32 s19  }
0x273: {  	v2 =	vld [tilespmem:s20+$0xFFFFFFD0];
	v13 =	vadd.f32 v12, v6;
	v8 =	vpop (erf)  }
0x274: {  	v10 =	vmul.f32 v10, v7;
	v7 =	vld [tilespmem:s20+$0xFFFFFFE0];
	v11 =	vpop (erf)  }
0x275: {  	v12 =	vld [tilespmem:s20+$0xFFFFFFF0];
	v15 =	vmul.f32 v13, v5;
	v6 =	vpop (erf)  }
0x276: {  	v13 =	vld [tilespmem:s22+$0xFFFFFF90];
	v14 =	vmul.f32 v8, v4;
	v4 =	vpop (erf)  }
0x277: {  	v8 =	vld [tilespmem:s22+$0xFFFFFFA0];
	v11 =	vmul.f32 v11, v9;
	[tilespmem:s19+$0x0] =	vst v15;
	v5 =	vpop (erf)  }
0x278: {  	v15 =	vld [tilespmem:s22+$0xFFFFFFB0];
	v16 =	vmul.f32 v6, v2  }
0x279: {  	v17 =	vld [tilespmem:s22+$0xFFFFFFC0];
	v6 =	vmul.f32 v4, v7  }
0x27a: {  	v18 =	vld [tilespmem:s22+$0xFFFFFFD0];
	v7 =	vmul.f32 v5, v12  }
.Ltmp6:
0x27b: {  	v2 =	vadd.f32 v3, v13;
	v4 =	vld [tilespmem:s22+$0xFFFFFFE0];
	(pc) =	sbr.rel @p0 .LBB2_15-.Ltmp6, $4  }
0x27c: {  	v9 =	vadd.f32 v10, v8;
	v5 =	vld [tilespmem:s22+$0xFFFFFFF0]  }
0x27d: {  	v8 =	vld [tilespmem:s19+$0xFFFFFFA0];
	v10 =	vadd.f32 v14, v15  }
0x27e: {  	v12 =	vld [tilespmem:s19+$0xFFFFFFB0];
	v11 =	vadd.f32 v11, v17  }
0x27f: {  	s29 =	sadd.s32 $0x400, s29;
	v13 =	vld [tilespmem:s19+$0xFFFFFFC0];
	v3 =	vadd.f32 v16, v18  }
0x280: {  	v14 =	vld [tilespmem:s19+$0xFFFFFFD0]  }
0x281: {  	v15 =	vld [tilespmem:s19+$0xFFFFFFE0]  }
0x282: {  	v8 =	vmul.f32 v9, v8;
	v9 =	vld [tilespmem:s19+$0xFFFFFFF0]  }
0x283: {  	v10 =	vmul.f32 v10, v12;
	v12 =	vld [tilespmem:s19+$0xFFFFFF90]  }
0x284: {  	v4 =	vadd.f32 v6, v4;
	[tilespmem:s19+$0xFFFFFFA0] =	vst v8;
	v6 =	vmul.f32 v11, v13  }
0x285: {  	v5 =	vadd.f32 v7, v5;
	[tilespmem:s19+$0xFFFFFFB0] =	vst v10;
	v3 =	vmul.f32 v3, v14  }
0x286: {  	v4 =	vmul.f32 v4, v15;
	[tilespmem:s19+$0xFFFFFFC0] =	vst v6  }
0x287: {  	[tilespmem:s28+$0xFFFFFFD0] =	vst v3;
	v3 =	vmul.f32 v5, v9  }
0x288: {  	[tilespmem:s28+$0xFFFFFFE0] =	vst v4;
	v2 =	vmul.f32 v2, v12  }
0x289: {  	[tilespmem:s28+$0xFFFFFFF0] =	vst v3  }
0x28a: {  	[tilespmem:s28+$0xFFFFFF90] =	vst v2  }
0x28b: {  	v2 =	vld [tilespmem:s24+$0x0]  }
0x28c: {  	v3 =	vld [tilespmem:s24+$0xFFFFFF90]  }
0x28d: {  	v4 =	vld [tilespmem:s24+$0xFFFFFFA0]  }
0x28e: {  	v5 =	vld [tilespmem:s24+$0xFFFFFFB0]  }
0x28f: {  	v6 =	vld [tilespmem:s24+$0xFFFFFFC0]  }
0x290: {  	v7 =	vld [tilespmem:s24+$0xFFFFFFD0]  }
0x291: {  	v8 =	vld [tilespmem:s24+$0xFFFFFFE0];
	v2 =	vmul.f32 $1.442695020e+00, v2  }
0x292: {  	v9 =	vld [tilespmem:s24+$0xFFFFFFF0]  }
0x293: {  	v10 =	vld [tilespmem:s23+$0x0];
	(erf) = vpow2.f32 v2  }
0x294: {  	v11 =	vld [tilespmem:s23+$0xFFFFFF90];
	v3 =	vmul.f32 $1.442695020e+00, v3  }
0x295: {  	v12 =	vld [tilespmem:s23+$0xFFFFFFB0];
	v4 =	vmul.f32 $1.442695020e+00, v4;
	v5 =	vmul.f32 $1.442695020e+00, v5  }
0x296: {  	v13 =	vld [tilespmem:s21+$0xFFFFFF90];
	v6 =	vmul.f32 $1.442695020e+00, v6;
	(erf) = vpow2.f32 v3  }
0x297: {  	v14 =	vld [tilespmem:s21+$0xFFFFFFA0];
	v7 =	vmul.f32 $1.442695020e+00, v7;
	(erf) = vpow2.f32 v4  }
0x298: {  	v15 =	vld [tilespmem:s21+$0xFFFFFFB0];
	(erf) = vpow2.f32 v5;
	v5 =	vmul.f32 $1.442695020e+00, v8  }
0x299: {  	v17 =	vld [tilespmem:s21+$0xFFFFFFC0];
	(erf) = vpow2.f32 v6  }
0x29a: {  	v2 =	vld [tilespmem:s21+$0x0];
	v8 =	vmul.f32 $1.442695020e+00, v9;
	(erf) = vpow2.f32 v7  }
0x29b: {  	v19 =	vld [tilespmem:s21+$0xFFFFFFD0];
	(erf) = vpow2.f32 v5  }
0x29c: {  	v3 =	vld [tilespmem:s23+$0xFFFFFFA0];
	(erf) = vpow2.f32 v8;
	v5 =	vpop (erf)  }
0x29d: {  	v4 =	vld [tilespmem:s17+$0x0];
	v5 =	vmul.f32 v5, v10  }
0x29e: {  	v6 =	vld [tilespmem:s23+$0xFFFFFFC0]  }
0x29f: {  	v7 =	vld [tilespmem:s23+$0xFFFFFFD0];
	v10 =	vpop (erf);
	v2 =	vadd.f32 v5, v2  }
0x2a0: {  	v9 =	vld [tilespmem:s23+$0xFFFFFFE0];
	v16 =	vpop (erf)  }
0x2a1: {  	v8 =	vld [tilespmem:s23+$0xFFFFFFF0];
	v18 =	vpop (erf);
	v3 =	vmul.f32 v16, v3  }
0x2a2: {  	v10 =	vmul.f32 v10, v11;
	v5 =	vld [tilespmem:s21+$0xFFFFFFE0];
	v11 =	vpop (erf)  }
0x2a3: {  	v12 =	vmul.f32 v18, v12;
	v62 =	vmul.f32 v2, v4;
	v4 =	vld [tilespmem:s21+$0xFFFFFFF0];
	v2 =	vpop (erf)  }
0x2a4: {  	v63 =	vmul.f32 v11, v6;
	v11 =	vld [tilespmem:s17+$0xFFFFFFA0];
	v20 =	vmul.f32 v2, v7;
	v6 =	vpop (erf);
	v2 =	vadd.f32 v10, v13  }
0x2a5: {  	v10 =	vadd.f32 v12, v15;
	v13 =	vld [tilespmem:s17+$0xFFFFFFB0];
	v6 =	vmul.f32 v6, v9;
	v9 =	vadd.f32 v3, v14;
	v3 =	vpop (erf)  }
0x2a6: {  	s20 =	simm.s32 $0x0;
	s22 =	simm.s32 $0xB070;
	s19 =	simm.s32 $0x470;
	[tilespmem:s17+$0x0] =	vst v62;
	v12 =	vld [tilespmem:s17+$0xFFFFFFC0];
	v7 =	vmul.f32 v3, v8;
	v8 =	vadd.f32 v63, v17;
	v3 =	vadd.f32 v20, v19  }
.LBB2_17:
0x2a7: {  	v14 =	vld [tilespmem:s22+$0x0];
	s20 =	sadd.s32 $0x80, s20;
	v5 =	vadd.f32 v6, v5  }
0x2a8: {  	v6 =	vld [tilespmem:s22+$0xFFFFFF90];
	p0 =	slt.u32 s20, $0x680;
	v4 =	vadd.f32 v7, v4  }
0x2a9: {  	v7 =	vld [tilespmem:s22+$0xFFFFFFA0];
	v9 =	vmul.f32 v9, v11  }
0x2aa: {  	v11 =	vld [tilespmem:s22+$0xFFFFFFB0];
	v10 =	vmul.f32 v10, v13  }
0x2ab: {  	v13 =	vld [tilespmem:s22+$0xFFFFFFC0];
	[tilespmem:s17+$0xFFFFFFA0] =	vst v9;
	v8 =	vmul.f32 v8, v12  }
0x2ac: {  	v9 =	vld [tilespmem:s22+$0xFFFFFFD0];
	v12 =	vmul.f32 $1.442695020e+00, v14;
	[tilespmem:s17+$0xFFFFFFB0] =	vst v10  }
0x2ad: {  	v6 =	vmul.f32 $1.442695020e+00, v6;
	v10 =	vld [tilespmem:s22+$0xFFFFFFE0];
	[tilespmem:s17+$0xFFFFFFC0] =	vst v8  }
0x2ae: {  	v7 =	vmul.f32 $1.442695020e+00, v7;
	v8 =	vld [tilespmem:s22+$0xFFFFFFF0];
	(erf) = vpow2.f32 v12  }
0x2af: {  	v11 =	vmul.f32 $1.442695020e+00, v11;
	(erf) = vpow2.f32 v6;
	v6 =	vld [tilespmem:s17+$0xFFFFFFD0]  }
0x2b0: {  	v12 =	vmul.f32 $1.442695020e+00, v13;
	(erf) = vpow2.f32 v7;
	v7 =	vld [tilespmem:s17+$0xFFFFFFE0]  }
0x2b1: {  	v9 =	vmul.f32 $1.442695020e+00, v9;
	(erf) = vpow2.f32 v11;
	v11 =	vld [tilespmem:s17+$0xFFFFFFF0]  }
0x2b2: {  	s23 =	sadd.s32 $0x400, s23;
	v10 =	vmul.f32 $1.442695020e+00, v10;
	(erf) = vpow2.f32 v12;
	v12 =	vld [tilespmem:s17+$0xFFFFFF90]  }
0x2b3: {  	v8 =	vmul.f32 $1.442695020e+00, v8;
	v13 =	vld [tilespmem:s23+$0x0];
	(erf) = vpow2.f32 v9  }
0x2b4: {  	s21 =	sadd.s32 $0x400, s21;
	v9 =	vld [tilespmem:s23+$0xFFFFFF90];
	(erf) = vpow2.f32 v10;
	v3 =	vmul.f32 v3, v6  }
0x2b5: {  	v6 =	vld [tilespmem:s21+$0x0];
	(erf) = vpow2.f32 v8;
	v5 =	vmul.f32 v5, v7  }
0x2b6: {  	s17 =	sadd.s32 $0x400, s17;
	v7 =	vld [tilespmem:s23+$0xFFFFFFA0];
	[tilespmem:s19+$0xFFFFFFD0] =	vst v3;
	v3 =	vmul.f32 v4, v11  }
0x2b7: {  	v4 =	vld [tilespmem:s17+$0x0];
	v8 =	vpop (erf);
	v2 =	vmul.f32 v2, v12;
	[tilespmem:s19+$0xFFFFFFE0] =	vst v5  }
0x2b8: {  	v5 =	vld [tilespmem:s23+$0xFFFFFFB0];
	v12 =	vmul.f32 v8, v13;
	v10 =	vpop (erf);
	[tilespmem:s19+$0xFFFFFFF0] =	vst v3  }
0x2b9: {  	v3 =	vmul.f32 v10, v9;
	v9 =	vld [tilespmem:s23+$0xFFFFFFC0];
	v10 =	vpop (erf);
	[tilespmem:s19+$0xFFFFFF90] =	vst v2;
	s19 =	smov.u32 s17  }
0x2ba: {  	v2 =	vld [tilespmem:s23+$0xFFFFFFD0];
	v13 =	vadd.f32 v12, v6;
	v8 =	vpop (erf)  }
0x2bb: {  	v10 =	vmul.f32 v10, v7;
	v7 =	vld [tilespmem:s23+$0xFFFFFFE0];
	v11 =	vpop (erf)  }
0x2bc: {  	v12 =	vld [tilespmem:s23+$0xFFFFFFF0];
	v16 =	vmul.f32 v13, v4;
	v6 =	vpop (erf)  }
0x2bd: {  	v13 =	vld [tilespmem:s21+$0xFFFFFF90];
	v8 =	vmul.f32 v8, v5;
	v5 =	vpop (erf)  }
0x2be: {  	v14 =	vld [tilespmem:s21+$0xFFFFFFA0];
	v15 =	vmul.f32 v11, v9;
	[tilespmem:s17+$0x0] =	vst v16;
	v4 =	vpop (erf)  }
0x2bf: {  	v16 =	vld [tilespmem:s21+$0xFFFFFFB0];
	v17 =	vmul.f32 v6, v2  }
0x2c0: {  	v18 =	vld [tilespmem:s21+$0xFFFFFFC0];
	v6 =	vmul.f32 v5, v7  }
0x2c1: {  	v19 =	vld [tilespmem:s21+$0xFFFFFFD0];
	v7 =	vmul.f32 v4, v12  }
.Ltmp7:
0x2c2: {  	v2 =	vadd.f32 v3, v13;
	v5 =	vld [tilespmem:s21+$0xFFFFFFE0];
	(pc) =	sbr.rel @p0 .LBB2_17-.Ltmp7, $4  }
0x2c3: {  	v9 =	vadd.f32 v10, v14;
	v4 =	vld [tilespmem:s21+$0xFFFFFFF0]  }
0x2c4: {  	v11 =	vld [tilespmem:s17+$0xFFFFFFA0];
	v10 =	vadd.f32 v8, v16  }
0x2c5: {  	v13 =	vld [tilespmem:s17+$0xFFFFFFB0];
	v8 =	vadd.f32 v15, v18  }
0x2c6: {  	s22 =	sadd.s32 $0x400, s22;
	v12 =	vld [tilespmem:s17+$0xFFFFFFC0];
	v3 =	vadd.f32 v17, v19  }
0x2c7: {  	v14 =	vld [tilespmem:s17+$0xFFFFFFD0];
	s20 =	smulhi.u32 $0x30C30C31, s16  }
0x2c8: {  	v15 =	vld [tilespmem:s17+$0xFFFFFFE0]  }
0x2c9: {  	v62 =	vld [tilespmem:s17+$0xFFFFFF90];
	v9 =	vmul.f32 v9, v11;
	s20 =	sshrl.u32 s20, $0x2  }
0x2ca: {  	v61 =	vld [tilespmem:s17+$0xFFFFFFF0];
	v10 =	vmul.f32 v10, v13;
	s21 =	smul.u32 $0x15, s20  }
0x2cb: {  	v5 =	vadd.f32 v6, v5;
	s20 =	sadd.s32 s6, s20;
	[tilespmem:s17+$0xFFFFFFA0] =	vst v9;
	v63 =	vmul.f32 v8, v12  }
0x2cc: {  	s20 =	smul.u32 $0x49800, s20;
	[tilespmem:s17+$0xFFFFFFB0] =	vst v10;
	v3 =	vmul.f32 v3, v14;
	s21 =	ssub.s32 s16, s21  }
0x2cd: {  	p0 =	seq.s32 s14, $0x29;
	v4 =	vadd.f32 v7, v4;
	v5 =	vmul.f32 v5, v15;
	[tilespmem:s17+$0xFFFFFFC0] =	vst v63;
	s29 =	smul.u32 $0x3800, s21  }
.Ltmp8:
0x2ce: {  	v2 =	vmul.f32 v2, v62;
	[tilespmem:s19+$0xFFFFFFD0] =	vst v3;
	(pc) =	sbr.rel @p0 .LBB2_20-.Ltmp8, $4  }
0x2cf: {  	v3 =	vmul.f32 v4, v61;
	[tilespmem:s19+$0xFFFFFFE0] =	vst v5;
	s17 =	sadd.s32 s29, s20  }
0x2d0: {  	[tilespmem:s19+$0xFFFFFF90] =	vst v2;
	s17 =	sshrl.u32 s17, $0x3  }
0x2d1: {  	[tilespmem:s19+$0xFFFFFFF0] =	vst v3;
	s17 =	sadd.s32 s8, s17  }
0x2d2: {  	[hbm4b:s17+s5] =	stream.linear.scatter [tilespmem:s26], [sflag:$0x3], $0x3800, $0x38;
	[tilespmem:$0x1C080] =	vst v63  }
0x2d3: {  	s16 =	sadd.s32 $0x2, s16  }
0x2d4: {  	s17 =	smulhi.u32 $0x30C30C31, s16;
	_ =	sdelay $0x1  }
0x2d5: {  	s17 =	sshrl.u32 s17, $0x2  }
0x2d6: {  	s19 =	smul.u32 $0x15, s17  }
0x2d7: {  	s24 =	sadd.s32 s6, s17  }
0x2d8: {  	s16 =	ssub.s32 s16, s19;
	s19 =	smul.u32 $0x49800, s24  }
0x2d9: {  	s16 =	smul.u32 $0x3800, s16;
	_ =	sdelay $0x1  }
0x2da: {  	_ =	swait.ge [sflag:s13], $0x3800;
	s19 =	sadd.s32 s16, s19  }
0x2db: {  	[sflag:s13] =	ssyncset.done $0x0;
	s19 =	sshrl.u32 s19, $0x3  }
0x2dc: {  	[sflag:s13] =	ssyncadd.s32 $0xFFFFC800;
	s20 =	sadd.s32 s7, s19  }
0x2dd: {  	[tilespmem:s26], [sflag:$0x1] =	stream.linear.gather [hbm4b:s20+s5], $0x3800, $0x38;
	[tilespmem:$0x1C080] =	vst v63  }
0x2de: {  	s25 =	simm.s32 $0x3880;
	s17 =	sshll.u32 s17, $0x3;
	s19 =	sadd.s32 s1, s19  }
0x2df: {  	[tilespmem:s25], [sflag:$0x1] =	stream.linear.gather [hbm4b:s19+s5], $0x3800, $0x38;
	[tilespmem:$0x1C080] =	vst v63  }
0x2e0: {  	v2 =	vld.msk [tilespmem:s17+$0x0], $0xff;
	_ =	sdelay $0x4  }
0x2e1: {  	v3 =	vshrl.u32 v2, $0x3  }
0x2e2: {  	v3 =	vmul.u32 $0x930, v3  }
0x2e3: {  	v2 =	vand.u32 $0x7, v2  }
0x2e4: {  	v2 =	vor.u32 v2, v3  }
0x2e5: {  	v2 =	vperm.xlane v2, v0;
	_ =	sdelay $0x1  }
0x2e6: {  	v2 =	vadd.s32 v1, v2;
	_ =	sdelay $0x2  }
0x2e7: {  	s16 =	sshrl.u32 s16, $0x3  }
0x2e8: {  	s28 =	simm.s32 $0x7080;
	s19 =	sadd.s32 s2, s16  }
0x2e9: {  	[tilespmem:s28], [sflag:$0x1] =	stream.indirect_vreg.gather [hbm4b:s19+s5], $0x80, v2, vm0, $0xb8;
	[tilespmem:$0x1C080] =	vst v63  }
0x2ea: {  	s21 =	simm.s32 $0x7880;
	s29 =	sadd.s32 $0x100, s19  }
0x2eb: {  	[tilespmem:s21], [sflag:$0x1] =	stream.indirect_vreg.gather [hbm4b:s29+s5], $0x80, v2, vm0, $0xb8;
	[tilespmem:$0x1C080] =	vst v63  }
0x2ec: {  	s23 =	simm.s32 $0x8080;
	s22 =	sadd.s32 $0x200, s19  }
0x2ed: {  	[tilespmem:s23], [sflag:$0x1] =	stream.indirect_vreg.gather [hbm4b:s22+s5], $0x80, v2, vm0, $0xb8;
	[tilespmem:$0x1C080] =	vst v63  }
0x2ee: {  	s25 =	simm.s32 $0x8880;
	s24 =	sadd.s32 $0x300, s19  }
0x2ef: {  	[tilespmem:s25], [sflag:$0x1] =	stream.indirect_vreg.gather [hbm4b:s24+s5], $0x80, v2, vm0, $0xb8;
	[tilespmem:$0x1C080] =	vst v63  }
0x2f0: {  	s28 =	sadd.s32 $0x400, s19;
	s29 =	simm.s32 $0x9080  }
0x2f1: {  	[tilespmem:s29], [sflag:$0x1] =	stream.indirect_vreg.gather [hbm4b:s28+s5], $0x80, v2, vm0, $0xb8;
	[tilespmem:$0x1C080] =	vst v63  }
0x2f2: {  	s22 =	sadd.s32 $0x500, s19;
	s23 =	simm.s32 $0x9880  }
0x2f3: {  	[tilespmem:s23], [sflag:$0x1] =	stream.indirect_vreg.gather [hbm4b:s22+s5], $0x80, v2, vm0, $0xb8;
	[tilespmem:$0x1C080] =	vst v63  }
0x2f4: {  	s19 =	sadd.s32 $0x600, s19;
	s24 =	simm.s32 $0xA080  }
0x2f5: {  	[tilespmem:s24], [sflag:$0x1] =	stream.indirect_vreg.gather [hbm4b:s19+s5], $0x80, v2, vm0, $0xb8;
	[tilespmem:$0x1C080] =	vst v63  }
0x2f6: {  	v2 =	vld.msk [tilespmem:s17+$0x0], $0xff;
	_ =	sdelay $0x4  }
0x2f7: {  	v3 =	vshrl.u32 v2, $0x3  }
0x2f8: {  	v3 =	vmul.u32 $0x930, v3  }
0x2f9: {  	v2 =	vand.u32 $0x7, v2  }
0x2fa: {  	v2 =	vor.u32 v2, v3  }
0x2fb: {  	v2 =	vperm.xlane v2, v0;
	_ =	sdelay $0x1  }
0x2fc: {  	v2 =	vadd.s32 v1, v2;
	_ =	sdelay $0x3  }
0x2fd: {  	s16 =	sadd.s32 s4, s16;
	s25 =	simm.s32 $0xA880  }
0x2fe: {  	[tilespmem:s25], [sflag:$0x1] =	stream.indirect_vreg.gather [hbm4b:s16+s5], $0x80, v2, vm0, $0xb8;
	[tilespmem:$0x1C080] =	vst v63  }
0x2ff: {  	s28 =	sadd.s32 $0x100, s16;
	s29 =	simm.s32 $0xB080  }
0x300: {  	[tilespmem:s29], [sflag:$0x1] =	stream.indirect_vreg.gather [hbm4b:s28+s5], $0x80, v2, vm0, $0xb8;
	[tilespmem:$0x1C080] =	vst v63  }
0x301: {  	s20 =	simm.s32 $0xB880;
	s19 =	sadd.s32 $0x200, s16  }
0x302: {  	[tilespmem:s20], [sflag:$0x1] =	stream.indirect_vreg.gather [hbm4b:s19+s5], $0x80, v2, vm0, $0xb8;
	[tilespmem:$0x1C080] =	vst v63  }
0x303: {  	s21 =	sadd.s32 $0x300, s16;
	s22 =	simm.s32 $0xC080  }
0x304: {  	[tilespmem:s22], [sflag:$0x1] =	stream.indirect_vreg.gather [hbm4b:s21+s5], $0x80, v2, vm0, $0xb8;
	[tilespmem:$0x1C080] =	vst v63  }
0x305: {  	s23 =	sadd.s32 $0x400, s16;
	s24 =	simm.s32 $0xC880  }
0x306: {  	[tilespmem:s24], [sflag:$0x1] =	stream.indirect_vreg.gather [hbm4b:s23+s5], $0x80, v2, vm0, $0xb8;
	[tilespmem:$0x1C080] =	vst v63  }
0x307: {  	s25 =	sadd.s32 $0x500, s16;
	s28 =	simm.s32 $0xD080  }
0x308: {  	[tilespmem:s28], [sflag:$0x1] =	stream.indirect_vreg.gather [hbm4b:s25+s5], $0x80, v2, vm0, $0xb8;
	[tilespmem:$0x1C080] =	vst v63  }
0x309: {  	s16 =	sadd.s32 $0x600, s16;
	s29 =	simm.s32 $0xD880  }
0x30a: {  	[tilespmem:s29], [sflag:$0x1] =	stream.indirect_vreg.gather [hbm4b:s16+s5], $0x80, v2, vm0, $0xb8;
	[tilespmem:$0x1C080] =	vst v63  }
.LBB2_20:
0x30b: {  	_ =	swait.ge [sflag:s12], $0x3800  }
0x30c: {  	[sflag:s12] =	ssyncset.done $0x0  }
0x30d: {  	[sflag:s12] =	ssyncadd.s32 $0xFFFFC800  }
0x30e: {  	_ =	swait.ge [sflag:s12], $0x3800  }
0x30f: {  	[sflag:s12] =	ssyncset.done $0x0  }
0x310: {  	[sflag:s12] =	ssyncadd.s32 $0xFFFFC800  }
0x311: {  	_ =	swait.ge [sflag:s12], $0x3800  }
0x312: {  	[sflag:s12] =	ssyncset.done $0x0  }
0x313: {  	[sflag:s12] =	ssyncadd.s32 $0xFFFFC800  }
0x314: {  	_ =	swait.ge [sflag:s12], $0x3800  }
0x315: {  	[sflag:s12] =	ssyncset.done $0x0  }
0x316: {  	s16 =	simm.s32 $0x188C0;
	[sflag:s12] =	ssyncadd.s32 $0xFFFFC800  }
0x317: {  	v2 =	vld [tilespmem:s16+$0x30]  }
0x318: {  	v3 =	vld [tilespmem:s16+$0xFFFFFFC0]  }
0x319: {  	v4 =	vld [tilespmem:s16+$0xFFFFFFD0]  }
0x31a: {  	v5 =	vld [tilespmem:s16+$0xFFFFFFE0]  }
0x31b: {  	v6 =	vld [tilespmem:s16+$0xFFFFFFF0]  }
0x31c: {  	v7 =	vld [tilespmem:s16+$0x0]  }
0x31d: {  	v8 =	vld [tilespmem:s16+$0x10];
	v2 =	vmul.f32 $1.442695020e+00, v2  }
0x31e: {  	s19 =	simm.s32 $0x118C0;
	v9 =	vld [tilespmem:s16+$0x20]  }
0x31f: {  	v10 =	vld [tilespmem:s19+$0x30];
	(erf) = vpow2.f32 v2  }
0x320: {  	s17 =	simm.s32 $0xE0C0;
	v11 =	vld [tilespmem:s19+$0xFFFFFFC0];
	v3 =	vmul.f32 $1.442695020e+00, v3  }
0x321: {  	v12 =	vld [tilespmem:s17+$0x30];
	v4 =	vmul.f32 $1.442695020e+00, v4  }
0x322: {  	s21 =	simm.s32 $0x150C0;
	v13 =	vld [tilespmem:s19+$0x20];
	v5 =	vmul.f32 $1.442695020e+00, v5;
	(erf) = vpow2.f32 v3  }
0x323: {  	v14 =	vld [tilespmem:s21+$0xFFFFFFD0];
	v6 =	vmul.f32 $1.442695020e+00, v6;
	(erf) = vpow2.f32 v4  }
0x324: {  	v15 =	vld [tilespmem:s21+$0xFFFFFFE0];
	v4 =	vmul.f32 $1.442695020e+00, v7;
	(erf) = vpow2.f32 v5  }
0x325: {  	v17 =	vld [tilespmem:s21+$0xFFFFFFF0];
	v7 =	vmul.f32 $1.442695020e+00, v8;
	(erf) = vpow2.f32 v6  }
0x326: {  	v2 =	vld [tilespmem:s21+$0x30];
	v8 =	vmul.f32 $1.442695020e+00, v9;
	(erf) = vpow2.f32 v4  }
0x327: {  	v3 =	vld [tilespmem:s19+$0xFFFFFFD0];
	(erf) = vpow2.f32 v7  }
0x328: {  	v9 =	vld [tilespmem:s19+$0x0];
	(erf) = vpow2.f32 v8;
	v4 =	vpop (erf)  }
0x329: {  	v5 =	vld [tilespmem:s19+$0xFFFFFFE0];
	v4 =	vmul.f32 v4, v10  }
0x32a: {  	v6 =	vld [tilespmem:s19+$0xFFFFFFF0]  }
0x32b: {  	v8 =	vld [tilespmem:s21+$0xFFFFFFC0];
	v10 =	vpop (erf);
	v2 =	vadd.f32 v4, v2  }
0x32c: {  	v7 =	vld [tilespmem:s19+$0x10];
	v16 =	vpop (erf)  }
0x32d: {  	v19 =	vld [tilespmem:s21+$0x0];
	v18 =	vpop (erf);
	v3 =	vmul.f32 v16, v3  }
0x32e: {  	v10 =	vmul.f32 v10, v11;
	v4 =	vld [tilespmem:s21+$0x10];
	v11 =	vpop (erf)  }
0x32f: {  	v62 =	vmul.f32 v2, v12;
	v12 =	vmul.f32 v18, v5;
	v5 =	vld [tilespmem:s21+$0x20];
	v2 =	vpop (erf)  }
0x330: {  	s24 =	simm.s32 $0x0;
	v11 =	vmul.f32 v11, v6;
	v63 =	vmul.f32 v2, v9;
	v6 =	vpop (erf);
	v2 =	vadd.f32 v10, v8;
	v8 =	vld [tilespmem:s17+$0xFFFFFFD0]  }
0x331: {  	s20 =	simm.s32 $0x15170;
	s23 =	simm.s32 $0x18970;
	s22 =	simm.s32 $0x11970;
	v9 =	vadd.f32 v3, v14;
	v10 =	vadd.f32 v12, v15;
	v12 =	vld [tilespmem:s17+$0xFFFFFFE0];
	v6 =	vmul.f32 v6, v7;
	v3 =	vpop (erf)  }
0x332: {  	s28 =	simm.s32 $0x18CC0;
	s25 =	simm.s32 $0xE0C0;
	s16 =	simm.s32 $0xE170;
	[tilespmem:s17+$0x30] =	vst v62;
	v11 =	vadd.f32 v11, v17;
	v7 =	vmul.f32 v3, v13;
	v13 =	vld [tilespmem:s17+$0xFFFFFFF0];
	v3 =	vadd.f32 v63, v19  }
.LBB2_21:
0x333: {  	v14 =	vld [tilespmem:s28+$0x30];
	s24 =	sadd.s32 $0x80, s24;
	v4 =	vadd.f32 v6, v4  }
0x334: {  	v6 =	vld [tilespmem:s28+$0xFFFFFFC0];
	p0 =	slt.u32 s24, $0x680;
	v5 =	vadd.f32 v7, v5  }
0x335: {  	v7 =	vld [tilespmem:s28+$0xFFFFFFD0];
	v8 =	vmul.f32 v9, v8  }
0x336: {  	v9 =	vld [tilespmem:s28+$0xFFFFFFE0];
	v10 =	vmul.f32 v10, v12  }
0x337: {  	v12 =	vld [tilespmem:s28+$0xFFFFFFF0];
	[tilespmem:s17+$0xFFFFFFD0] =	vst v8;
	v8 =	vmul.f32 v11, v13  }
0x338: {  	v11 =	vld [tilespmem:s28+$0x0];
	v13 =	vmul.f32 $1.442695020e+00, v14;
	[tilespmem:s17+$0xFFFFFFE0] =	vst v10  }
0x339: {  	v6 =	vmul.f32 $1.442695020e+00, v6;
	v10 =	vld [tilespmem:s28+$0x10];
	[tilespmem:s17+$0xFFFFFFF0] =	vst v8  }
0x33a: {  	v7 =	vmul.f32 $1.442695020e+00, v7;
	v8 =	vld [tilespmem:s28+$0x20];
	(erf) = vpow2.f32 v13  }
0x33b: {  	v9 =	vmul.f32 $1.442695020e+00, v9;
	(erf) = vpow2.f32 v6;
	v6 =	vld [tilespmem:s17+$0x0]  }
0x33c: {  	v12 =	vmul.f32 $1.442695020e+00, v12;
	(erf) = vpow2.f32 v7;
	v7 =	vld [tilespmem:s17+$0x10]  }
0x33d: {  	v11 =	vmul.f32 $1.442695020e+00, v11;
	(erf) = vpow2.f32 v9;
	v9 =	vld [tilespmem:s17+$0x20]  }
0x33e: {  	s19 =	sadd.s32 $0x400, s19;
	v10 =	vmul.f32 $1.442695020e+00, v10;
	(erf) = vpow2.f32 v12;
	v12 =	vld [tilespmem:s17+$0xFFFFFFC0]  }
0x33f: {  	v8 =	vmul.f32 $1.442695020e+00, v8;
	v13 =	vld [tilespmem:s19+$0x30];
	(erf) = vpow2.f32 v11  }
0x340: {  	s21 =	sadd.s32 $0x400, s21;
	v11 =	vld [tilespmem:s19+$0xFFFFFFC0];
	(erf) = vpow2.f32 v10;
	v3 =	vmul.f32 v3, v6  }
0x341: {  	v6 =	vld [tilespmem:s21+$0x30];
	(erf) = vpow2.f32 v8;
	v4 =	vmul.f32 v4, v7  }
0x342: {  	s17 =	sadd.s32 $0x400, s17;
	v7 =	vld [tilespmem:s19+$0xFFFFFFD0];
	[tilespmem:s25+$0x0] =	vst v3;
	v3 =	vmul.f32 v5, v9  }
0x343: {  	v5 =	vld [tilespmem:s17+$0x30];
	v8 =	vpop (erf);
	v2 =	vmul.f32 v2, v12;
	[tilespmem:s25+$0x10] =	vst v4  }
0x344: {  	v4 =	vld [tilespmem:s19+$0xFFFFFFE0];
	v12 =	vmul.f32 v8, v13;
	v9 =	vpop (erf);
	[tilespmem:s25+$0x20] =	vst v3  }
0x345: {  	v3 =	vmul.f32 v9, v11;
	v9 =	vld [tilespmem:s19+$0xFFFFFFF0];
	v10 =	vpop (erf);
	[tilespmem:s25+$0xFFFFFFC0] =	vst v2;
	s25 =	smov.u32 s17  }
0x346: {  	v2 =	vld [tilespmem:s19+$0x0];
	v13 =	vadd.f32 v12, v6;
	v8 =	vpop (erf)  }
0x347: {  	v10 =	vmul.f32 v10, v7;
	v7 =	vld [tilespmem:s19+$0x10];
	v11 =	vpop (erf)  }
0x348: {  	v12 =	vld [tilespmem:s19+$0x20];
	v15 =	vmul.f32 v13, v5;
	v6 =	vpop (erf)  }
0x349: {  	v13 =	vld [tilespmem:s21+$0xFFFFFFC0];
	v14 =	vmul.f32 v8, v4;
	v4 =	vpop (erf)  }
0x34a: {  	v8 =	vld [tilespmem:s21+$0xFFFFFFD0];
	v11 =	vmul.f32 v11, v9;
	[tilespmem:s17+$0x30] =	vst v15;
	v5 =	vpop (erf)  }
0x34b: {  	v15 =	vld [tilespmem:s21+$0xFFFFFFE0];
	v16 =	vmul.f32 v6, v2  }
0x34c: {  	v17 =	vld [tilespmem:s21+$0xFFFFFFF0];
	v6 =	vmul.f32 v4, v7  }
0x34d: {  	v18 =	vld [tilespmem:s21+$0x0];
	v7 =	vmul.f32 v5, v12  }
.Ltmp9:
0x34e: {  	v2 =	vadd.f32 v3, v13;
	v4 =	vld [tilespmem:s21+$0x10];
	(pc) =	sbr.rel @p0 .LBB2_21-.Ltmp9, $4  }
0x34f: {  	v9 =	vadd.f32 v10, v8;
	v5 =	vld [tilespmem:s21+$0x20]  }
0x350: {  	v8 =	vld [tilespmem:s17+$0xFFFFFFD0];
	v10 =	vadd.f32 v14, v15  }
0x351: {  	v12 =	vld [tilespmem:s17+$0xFFFFFFE0];
	v11 =	vadd.f32 v11, v17  }
0x352: {  	s28 =	sadd.s32 $0x400, s28;
	v13 =	vld [tilespmem:s17+$0xFFFFFFF0];
	v3 =	vadd.f32 v16, v18  }
0x353: {  	v14 =	vld [tilespmem:s17+$0x0]  }
0x354: {  	v15 =	vld [tilespmem:s17+$0x10]  }
0x355: {  	v8 =	vmul.f32 v9, v8;
	v9 =	vld [tilespmem:s17+$0x20]  }
0x356: {  	v10 =	vmul.f32 v10, v12;
	v12 =	vld [tilespmem:s17+$0xFFFFFFC0]  }
0x357: {  	v4 =	vadd.f32 v6, v4;
	[tilespmem:s17+$0xFFFFFFD0] =	vst v8;
	v6 =	vmul.f32 v11, v13  }
0x358: {  	v5 =	vadd.f32 v7, v5;
	[tilespmem:s17+$0xFFFFFFE0] =	vst v10;
	v3 =	vmul.f32 v3, v14  }
0x359: {  	v4 =	vmul.f32 v4, v15;
	[tilespmem:s17+$0xFFFFFFF0] =	vst v6  }
0x35a: {  	[tilespmem:s25+$0x0] =	vst v3;
	v3 =	vmul.f32 v5, v9  }
0x35b: {  	[tilespmem:s25+$0x10] =	vst v4;
	v2 =	vmul.f32 v2, v12  }
0x35c: {  	[tilespmem:s25+$0x20] =	vst v3  }
0x35d: {  	[tilespmem:s25+$0xFFFFFFC0] =	vst v2  }
0x35e: {  	v2 =	vld [tilespmem:s23+$0x0]  }
0x35f: {  	v3 =	vld [tilespmem:s23+$0xFFFFFF90]  }
0x360: {  	v4 =	vld [tilespmem:s23+$0xFFFFFFA0]  }
0x361: {  	v5 =	vld [tilespmem:s23+$0xFFFFFFB0]  }
0x362: {  	v6 =	vld [tilespmem:s23+$0xFFFFFFC0]  }
0x363: {  	v7 =	vld [tilespmem:s23+$0xFFFFFFD0]  }
0x364: {  	v8 =	vld [tilespmem:s23+$0xFFFFFFE0];
	v2 =	vmul.f32 $1.442695020e+00, v2  }
0x365: {  	v9 =	vld [tilespmem:s23+$0xFFFFFFF0]  }
0x366: {  	v10 =	vld [tilespmem:s22+$0x0];
	(erf) = vpow2.f32 v2  }
0x367: {  	v11 =	vld [tilespmem:s22+$0xFFFFFF90];
	v3 =	vmul.f32 $1.442695020e+00, v3  }
0x368: {  	v12 =	vld [tilespmem:s16+$0x0];
	v4 =	vmul.f32 $1.442695020e+00, v4  }
0x369: {  	v13 =	vld [tilespmem:s22+$0xFFFFFFF0];
	v5 =	vmul.f32 $1.442695020e+00, v5;
	(erf) = vpow2.f32 v3  }
0x36a: {  	v14 =	vld [tilespmem:s20+$0xFFFFFFA0];
	v6 =	vmul.f32 $1.442695020e+00, v6;
	(erf) = vpow2.f32 v4  }
0x36b: {  	v15 =	vld [tilespmem:s20+$0xFFFFFFB0];
	v4 =	vmul.f32 $1.442695020e+00, v7;
	(erf) = vpow2.f32 v5  }
0x36c: {  	v17 =	vld [tilespmem:s20+$0xFFFFFFC0];
	v7 =	vmul.f32 $1.442695020e+00, v8;
	(erf) = vpow2.f32 v6  }
0x36d: {  	v2 =	vld [tilespmem:s20+$0x0];
	v8 =	vmul.f32 $1.442695020e+00, v9;
	(erf) = vpow2.f32 v4  }
0x36e: {  	v3 =	vld [tilespmem:s22+$0xFFFFFFA0];
	(erf) = vpow2.f32 v7  }
0x36f: {  	v9 =	vld [tilespmem:s22+$0xFFFFFFD0];
	(erf) = vpow2.f32 v8;
	v4 =	vpop (erf)  }
0x370: {  	v5 =	vld [tilespmem:s22+$0xFFFFFFB0];
	v4 =	vmul.f32 v4, v10  }
0x371: {  	v6 =	vld [tilespmem:s22+$0xFFFFFFC0]  }
0x372: {  	v8 =	vld [tilespmem:s20+$0xFFFFFF90];
	v10 =	vpop (erf);
	v2 =	vadd.f32 v4, v2  }
0x373: {  	v7 =	vld [tilespmem:s22+$0xFFFFFFE0];
	v16 =	vpop (erf)  }
0x374: {  	v19 =	vld [tilespmem:s20+$0xFFFFFFD0];
	v18 =	vpop (erf);
	v3 =	vmul.f32 v16, v3  }
0x375: {  	v10 =	vmul.f32 v10, v11;
	v4 =	vld [tilespmem:s20+$0xFFFFFFE0];
	v11 =	vpop (erf)  }
0x376: {  	v62 =	vmul.f32 v2, v12;
	v12 =	vmul.f32 v18, v5;
	v5 =	vld [tilespmem:s20+$0xFFFFFFF0];
	v2 =	vpop (erf)  }
0x377: {  	s24 =	simm.s32 $0x0;
	v11 =	vmul.f32 v11, v6;
	v63 =	vmul.f32 v2, v9;
	v6 =	vpop (erf);
	v2 =	vadd.f32 v10, v8;
	v8 =	vld [tilespmem:s16+$0xFFFFFFA0]  }
0x378: {  	s19 =	simm.s32 $0x119F0;
	s21 =	simm.s32 $0x151F0;
	s28 =	simm.s32 $0x18D70;
	v9 =	vadd.f32 v3, v14;
	v10 =	vadd.f32 v12, v15;
	v12 =	vld [tilespmem:s16+$0xFFFFFFB0];
	v6 =	vmul.f32 v6, v7;
	v3 =	vpop (erf)  }
0x379: {  	s17 =	simm.s32 $0xE1F0;
	s25 =	simm.s32 $0xE170;
	s23 =	simm.s32 $0x189F0;
	[tilespmem:s16+$0x0] =	vst v62;
	v11 =	vadd.f32 v11, v17;
	v7 =	vmul.f32 v3, v13;
	v13 =	vld [tilespmem:s16+$0xFFFFFFC0];
	v3 =	vadd.f32 v63, v19  }
.LBB2_23:
0x37a: {  	v14 =	vld [tilespmem:s28+$0x0];
	s24 =	sadd.s32 $0x80, s24;
	v4 =	vadd.f32 v6, v4  }
0x37b: {  	v6 =	vld [tilespmem:s28+$0xFFFFFF90];
	p0 =	slt.u32 s24, $0x680;
	v5 =	vadd.f32 v7, v5  }
0x37c: {  	v7 =	vld [tilespmem:s28+$0xFFFFFFA0];
	v8 =	vmul.f32 v9, v8  }
0x37d: {  	v9 =	vld [tilespmem:s28+$0xFFFFFFB0];
	v10 =	vmul.f32 v10, v12  }
0x37e: {  	v12 =	vld [tilespmem:s28+$0xFFFFFFC0];
	[tilespmem:s16+$0xFFFFFFA0] =	vst v8;
	v8 =	vmul.f32 v11, v13  }
0x37f: {  	v11 =	vld [tilespmem:s28+$0xFFFFFFD0];
	v13 =	vmul.f32 $1.442695020e+00, v14;
	[tilespmem:s16+$0xFFFFFFB0] =	vst v10  }
0x380: {  	v6 =	vmul.f32 $1.442695020e+00, v6;
	v10 =	vld [tilespmem:s28+$0xFFFFFFE0];
	[tilespmem:s16+$0xFFFFFFC0] =	vst v8  }
0x381: {  	v7 =	vmul.f32 $1.442695020e+00, v7;
	v8 =	vld [tilespmem:s28+$0xFFFFFFF0];
	(erf) = vpow2.f32 v13  }
0x382: {  	v9 =	vmul.f32 $1.442695020e+00, v9;
	(erf) = vpow2.f32 v6;
	v6 =	vld [tilespmem:s16+$0xFFFFFFD0]  }
0x383: {  	v12 =	vmul.f32 $1.442695020e+00, v12;
	(erf) = vpow2.f32 v7;
	v7 =	vld [tilespmem:s16+$0xFFFFFFE0]  }
0x384: {  	v11 =	vmul.f32 $1.442695020e+00, v11;
	(erf) = vpow2.f32 v9;
	v9 =	vld [tilespmem:s16+$0xFFFFFFF0]  }
0x385: {  	s22 =	sadd.s32 $0x400, s22;
	v10 =	vmul.f32 $1.442695020e+00, v10;
	(erf) = vpow2.f32 v12;
	v12 =	vld [tilespmem:s16+$0xFFFFFF90]  }
0x386: {  	v8 =	vmul.f32 $1.442695020e+00, v8;
	v13 =	vld [tilespmem:s22+$0x0];
	(erf) = vpow2.f32 v11  }
0x387: {  	s20 =	sadd.s32 $0x400, s20;
	v11 =	vld [tilespmem:s22+$0xFFFFFF90];
	(erf) = vpow2.f32 v10;
	v3 =	vmul.f32 v3, v6  }
0x388: {  	v6 =	vld [tilespmem:s20+$0x0];
	(erf) = vpow2.f32 v8;
	v4 =	vmul.f32 v4, v7  }
0x389: {  	s16 =	sadd.s32 $0x400, s16;
	v7 =	vld [tilespmem:s22+$0xFFFFFFA0];
	[tilespmem:s25+$0xFFFFFFD0] =	vst v3;
	v3 =	vmul.f32 v5, v9  }
0x38a: {  	v5 =	vld [tilespmem:s16+$0x0];
	v8 =	vpop (erf);
	v2 =	vmul.f32 v2, v12;
	[tilespmem:s25+$0xFFFFFFE0] =	vst v4  }
0x38b: {  	v4 =	vld [tilespmem:s22+$0xFFFFFFB0];
	v12 =	vmul.f32 v8, v13;
	v9 =	vpop (erf);
	[tilespmem:s25+$0xFFFFFFF0] =	vst v3  }
0x38c: {  	v3 =	vmul.f32 v9, v11;
	v9 =	vld [tilespmem:s22+$0xFFFFFFC0];
	v10 =	vpop (erf);
	[tilespmem:s25+$0xFFFFFF90] =	vst v2;
	s25 =	smov.u32 s16  }
0x38d: {  	v2 =	vld [tilespmem:s22+$0xFFFFFFD0];
	v13 =	vadd.f32 v12, v6;
	v8 =	vpop (erf)  }
0x38e: {  	v10 =	vmul.f32 v10, v7;
	v7 =	vld [tilespmem:s22+$0xFFFFFFE0];
	v11 =	vpop (erf)  }
0x38f: {  	v12 =	vld [tilespmem:s22+$0xFFFFFFF0];
	v15 =	vmul.f32 v13, v5;
	v6 =	vpop (erf)  }
0x390: {  	v13 =	vld [tilespmem:s20+$0xFFFFFF90];
	v14 =	vmul.f32 v8, v4;
	v4 =	vpop (erf)  }
0x391: {  	v8 =	vld [tilespmem:s20+$0xFFFFFFA0];
	v11 =	vmul.f32 v11, v9;
	[tilespmem:s16+$0x0] =	vst v15;
	v5 =	vpop (erf)  }
0x392: {  	v15 =	vld [tilespmem:s20+$0xFFFFFFB0];
	v16 =	vmul.f32 v6, v2  }
0x393: {  	v17 =	vld [tilespmem:s20+$0xFFFFFFC0];
	v6 =	vmul.f32 v4, v7  }
0x394: {  	v18 =	vld [tilespmem:s20+$0xFFFFFFD0];
	v7 =	vmul.f32 v5, v12  }
.Ltmp10:
0x395: {  	v2 =	vadd.f32 v3, v13;
	v4 =	vld [tilespmem:s20+$0xFFFFFFE0];
	(pc) =	sbr.rel @p0 .LBB2_23-.Ltmp10, $4  }
0x396: {  	v9 =	vadd.f32 v10, v8;
	v5 =	vld [tilespmem:s20+$0xFFFFFFF0]  }
0x397: {  	v8 =	vld [tilespmem:s16+$0xFFFFFFA0];
	v10 =	vadd.f32 v14, v15  }
0x398: {  	v12 =	vld [tilespmem:s16+$0xFFFFFFB0];
	v11 =	vadd.f32 v11, v17  }
0x399: {  	s28 =	sadd.s32 $0x400, s28;
	v13 =	vld [tilespmem:s16+$0xFFFFFFC0];
	v3 =	vadd.f32 v16, v18  }
0x39a: {  	v14 =	vld [tilespmem:s16+$0xFFFFFFD0]  }
0x39b: {  	v15 =	vld [tilespmem:s16+$0xFFFFFFE0]  }
0x39c: {  	v8 =	vmul.f32 v9, v8;
	v9 =	vld [tilespmem:s16+$0xFFFFFFF0]  }
0x39d: {  	v10 =	vmul.f32 v10, v12;
	v12 =	vld [tilespmem:s16+$0xFFFFFF90]  }
0x39e: {  	v4 =	vadd.f32 v6, v4;
	[tilespmem:s16+$0xFFFFFFA0] =	vst v8;
	v6 =	vmul.f32 v11, v13  }
0x39f: {  	v5 =	vadd.f32 v7, v5;
	[tilespmem:s16+$0xFFFFFFB0] =	vst v10;
	v3 =	vmul.f32 v3, v14  }
0x3a0: {  	v4 =	vmul.f32 v4, v15;
	[tilespmem:s16+$0xFFFFFFC0] =	vst v6  }
0x3a1: {  	[tilespmem:s25+$0xFFFFFFD0] =	vst v3;
	v3 =	vmul.f32 v5, v9  }
0x3a2: {  	[tilespmem:s25+$0xFFFFFFE0] =	vst v4;
	v2 =	vmul.f32 v2, v12  }
0x3a3: {  	[tilespmem:s25+$0xFFFFFFF0] =	vst v3  }
0x3a4: {  	[tilespmem:s25+$0xFFFFFF90] =	vst v2  }
0x3a5: {  	v2 =	vld [tilespmem:s23+$0x0]  }
0x3a6: {  	v3 =	vld [tilespmem:s23+$0xFFFFFF90]  }
0x3a7: {  	v4 =	vld [tilespmem:s23+$0xFFFFFFA0]  }
0x3a8: {  	v5 =	vld [tilespmem:s23+$0xFFFFFFB0]  }
0x3a9: {  	v6 =	vld [tilespmem:s23+$0xFFFFFFC0]  }
0x3aa: {  	v7 =	vld [tilespmem:s23+$0xFFFFFFD0]  }
0x3ab: {  	v8 =	vld [tilespmem:s23+$0xFFFFFFE0];
	v2 =	vmul.f32 $1.442695020e+00, v2  }
0x3ac: {  	v9 =	vld [tilespmem:s23+$0xFFFFFFF0]  }
0x3ad: {  	v10 =	vld [tilespmem:s19+$0x0];
	(erf) = vpow2.f32 v2  }
0x3ae: {  	v11 =	vld [tilespmem:s19+$0xFFFFFF90];
	v3 =	vmul.f32 $1.442695020e+00, v3  }
0x3af: {  	v12 =	vld [tilespmem:s17+$0x0];
	v4 =	vmul.f32 $1.442695020e+00, v4  }
0x3b0: {  	v13 =	vld [tilespmem:s19+$0xFFFFFFF0];
	v5 =	vmul.f32 $1.442695020e+00, v5;
	(erf) = vpow2.f32 v3  }
0x3b1: {  	v14 =	vld [tilespmem:s21+$0xFFFFFFA0];
	v6 =	vmul.f32 $1.442695020e+00, v6;
	(erf) = vpow2.f32 v4  }
0x3b2: {  	v15 =	vld [tilespmem:s21+$0xFFFFFFB0];
	v4 =	vmul.f32 $1.442695020e+00, v7;
	(erf) = vpow2.f32 v5  }
0x3b3: {  	v17 =	vld [tilespmem:s21+$0xFFFFFFC0];
	v7 =	vmul.f32 $1.442695020e+00, v8;
	(erf) = vpow2.f32 v6  }
0x3b4: {  	v2 =	vld [tilespmem:s21+$0x0];
	v8 =	vmul.f32 $1.442695020e+00, v9;
	(erf) = vpow2.f32 v4  }
0x3b5: {  	v3 =	vld [tilespmem:s19+$0xFFFFFFA0];
	(erf) = vpow2.f32 v7  }
0x3b6: {  	v9 =	vld [tilespmem:s19+$0xFFFFFFD0];
	(erf) = vpow2.f32 v8;
	v4 =	vpop (erf)  }
0x3b7: {  	v5 =	vld [tilespmem:s19+$0xFFFFFFB0];
	v4 =	vmul.f32 v4, v10  }
0x3b8: {  	v6 =	vld [tilespmem:s19+$0xFFFFFFC0]  }
0x3b9: {  	v8 =	vld [tilespmem:s21+$0xFFFFFF90];
	v10 =	vpop (erf);
	v2 =	vadd.f32 v4, v2  }
0x3ba: {  	v7 =	vld [tilespmem:s19+$0xFFFFFFE0];
	v16 =	vpop (erf)  }
0x3bb: {  	v19 =	vld [tilespmem:s21+$0xFFFFFFD0];
	v18 =	vpop (erf);
	v3 =	vmul.f32 v16, v3  }
0x3bc: {  	v10 =	vmul.f32 v10, v11;
	v4 =	vld [tilespmem:s21+$0xFFFFFFE0];
	v11 =	vpop (erf)  }
0x3bd: {  	v62 =	vmul.f32 v2, v12;
	v12 =	vmul.f32 v18, v5;
	v5 =	vld [tilespmem:s21+$0xFFFFFFF0];
	v2 =	vpop (erf)  }
0x3be: {  	s24 =	simm.s32 $0x0;
	v11 =	vmul.f32 v11, v6;
	v63 =	vmul.f32 v2, v9;
	v6 =	vpop (erf);
	v2 =	vadd.f32 v10, v8;
	v8 =	vld [tilespmem:s17+$0xFFFFFFA0]  }
0x3bf: {  	s20 =	simm.s32 $0x15270;
	s22 =	simm.s32 $0x11A70;
	s28 =	simm.s32 $0x18DF0;
	v9 =	vadd.f32 v3, v14;
	v10 =	vadd.f32 v12, v15;
	v12 =	vld [tilespmem:s17+$0xFFFFFFB0];
	v6 =	vmul.f32 v6, v7;
	v3 =	vpop (erf)  }
0x3c0: {  	s16 =	simm.s32 $0xE270;
	s25 =	simm.s32 $0xE1F0;
	s23 =	simm.s32 $0x18A70;
	[tilespmem:s17+$0x0] =	vst v62;
	v11 =	vadd.f32 v11, v17;
	v7 =	vmul.f32 v3, v13;
	v13 =	vld [tilespmem:s17+$0xFFFFFFC0];
	v3 =	vadd.f32 v63, v19  }
.LBB2_25:
0x3c1: {  	v14 =	vld [tilespmem:s28+$0x0];
	s24 =	sadd.s32 $0x80, s24;
	v4 =	vadd.f32 v6, v4  }
0x3c2: {  	v6 =	vld [tilespmem:s28+$0xFFFFFF90];
	p0 =	slt.u32 s24, $0x680;
	v5 =	vadd.f32 v7, v5  }
0x3c3: {  	v7 =	vld [tilespmem:s28+$0xFFFFFFA0];
	v8 =	vmul.f32 v9, v8  }
0x3c4: {  	v9 =	vld [tilespmem:s28+$0xFFFFFFB0];
	v10 =	vmul.f32 v10, v12  }
0x3c5: {  	v12 =	vld [tilespmem:s28+$0xFFFFFFC0];
	[tilespmem:s17+$0xFFFFFFA0] =	vst v8;
	v8 =	vmul.f32 v11, v13  }
0x3c6: {  	v11 =	vld [tilespmem:s28+$0xFFFFFFD0];
	v13 =	vmul.f32 $1.442695020e+00, v14;
	[tilespmem:s17+$0xFFFFFFB0] =	vst v10  }
0x3c7: {  	v6 =	vmul.f32 $1.442695020e+00, v6;
	v10 =	vld [tilespmem:s28+$0xFFFFFFE0];
	[tilespmem:s17+$0xFFFFFFC0] =	vst v8  }
0x3c8: {  	v7 =	vmul.f32 $1.442695020e+00, v7;
	v8 =	vld [tilespmem:s28+$0xFFFFFFF0];
	(erf) = vpow2.f32 v13  }
0x3c9: {  	v9 =	vmul.f32 $1.442695020e+00, v9;
	(erf) = vpow2.f32 v6;
	v6 =	vld [tilespmem:s17+$0xFFFFFFD0]  }
0x3ca: {  	v12 =	vmul.f32 $1.442695020e+00, v12;
	(erf) = vpow2.f32 v7;
	v7 =	vld [tilespmem:s17+$0xFFFFFFE0]  }
0x3cb: {  	v11 =	vmul.f32 $1.442695020e+00, v11;
	(erf) = vpow2.f32 v9;
	v9 =	vld [tilespmem:s17+$0xFFFFFFF0]  }
0x3cc: {  	s19 =	sadd.s32 $0x400, s19;
	v10 =	vmul.f32 $1.442695020e+00, v10;
	(erf) = vpow2.f32 v12;
	v12 =	vld [tilespmem:s17+$0xFFFFFF90]  }
0x3cd: {  	v8 =	vmul.f32 $1.442695020e+00, v8;
	v13 =	vld [tilespmem:s19+$0x0];
	(erf) = vpow2.f32 v11  }
0x3ce: {  	s21 =	sadd.s32 $0x400, s21;
	v11 =	vld [tilespmem:s19+$0xFFFFFF90];
	(erf) = vpow2.f32 v10;
	v3 =	vmul.f32 v3, v6  }
0x3cf: {  	v6 =	vld [tilespmem:s21+$0x0];
	(erf) = vpow2.f32 v8;
	v4 =	vmul.f32 v4, v7  }
0x3d0: {  	s17 =	sadd.s32 $0x400, s17;
	v7 =	vld [tilespmem:s19+$0xFFFFFFA0];
	[tilespmem:s25+$0xFFFFFFD0] =	vst v3;
	v3 =	vmul.f32 v5, v9  }
0x3d1: {  	v5 =	vld [tilespmem:s17+$0x0];
	v8 =	vpop (erf);
	v2 =	vmul.f32 v2, v12;
	[tilespmem:s25+$0xFFFFFFE0] =	vst v4  }
0x3d2: {  	v4 =	vld [tilespmem:s19+$0xFFFFFFB0];
	v12 =	vmul.f32 v8, v13;
	v9 =	vpop (erf);
	[tilespmem:s25+$0xFFFFFFF0] =	vst v3  }
0x3d3: {  	v3 =	vmul.f32 v9, v11;
	v9 =	vld [tilespmem:s19+$0xFFFFFFC0];
	v10 =	vpop (erf);
	[tilespmem:s25+$0xFFFFFF90] =	vst v2;
	s25 =	smov.u32 s17  }
0x3d4: {  	v2 =	vld [tilespmem:s19+$0xFFFFFFD0];
	v13 =	vadd.f32 v12, v6;
	v8 =	vpop (erf)  }
0x3d5: {  	v10 =	vmul.f32 v10, v7;
	v7 =	vld [tilespmem:s19+$0xFFFFFFE0];
	v11 =	vpop (erf)  }
0x3d6: {  	v12 =	vld [tilespmem:s19+$0xFFFFFFF0];
	v15 =	vmul.f32 v13, v5;
	v6 =	vpop (erf)  }
0x3d7: {  	v13 =	vld [tilespmem:s21+$0xFFFFFF90];
	v14 =	vmul.f32 v8, v4;
	v4 =	vpop (erf)  }
0x3d8: {  	v8 =	vld [tilespmem:s21+$0xFFFFFFA0];
	v11 =	vmul.f32 v11, v9;
	[tilespmem:s17+$0x0] =	vst v15;
	v5 =	vpop (erf)  }
0x3d9: {  	v15 =	vld [tilespmem:s21+$0xFFFFFFB0];
	v16 =	vmul.f32 v6, v2  }
0x3da: {  	v17 =	vld [tilespmem:s21+$0xFFFFFFC0];
	v6 =	vmul.f32 v4, v7  }
0x3db: {  	v18 =	vld [tilespmem:s21+$0xFFFFFFD0];
	v7 =	vmul.f32 v5, v12  }
.Ltmp11:
0x3dc: {  	v2 =	vadd.f32 v3, v13;
	v4 =	vld [tilespmem:s21+$0xFFFFFFE0];
	(pc) =	sbr.rel @p0 .LBB2_25-.Ltmp11, $4  }
0x3dd: {  	v9 =	vadd.f32 v10, v8;
	v5 =	vld [tilespmem:s21+$0xFFFFFFF0]  }
0x3de: {  	v8 =	vld [tilespmem:s17+$0xFFFFFFA0];
	v10 =	vadd.f32 v14, v15  }
0x3df: {  	v12 =	vld [tilespmem:s17+$0xFFFFFFB0];
	v11 =	vadd.f32 v11, v17  }
0x3e0: {  	s28 =	sadd.s32 $0x400, s28;
	v13 =	vld [tilespmem:s17+$0xFFFFFFC0];
	v3 =	vadd.f32 v16, v18  }
0x3e1: {  	v14 =	vld [tilespmem:s17+$0xFFFFFFD0]  }
0x3e2: {  	v15 =	vld [tilespmem:s17+$0xFFFFFFE0]  }
0x3e3: {  	v8 =	vmul.f32 v9, v8;
	v9 =	vld [tilespmem:s17+$0xFFFFFFF0]  }
0x3e4: {  	v10 =	vmul.f32 v10, v12;
	v12 =	vld [tilespmem:s17+$0xFFFFFF90]  }
0x3e5: {  	v4 =	vadd.f32 v6, v4;
	[tilespmem:s17+$0xFFFFFFA0] =	vst v8;
	v6 =	vmul.f32 v11, v13  }
0x3e6: {  	v5 =	vadd.f32 v7, v5;
	[tilespmem:s17+$0xFFFFFFB0] =	vst v10;
	v3 =	vmul.f32 v3, v14  }
0x3e7: {  	v4 =	vmul.f32 v4, v15;
	[tilespmem:s17+$0xFFFFFFC0] =	vst v6  }
0x3e8: {  	[tilespmem:s25+$0xFFFFFFD0] =	vst v3;
	v3 =	vmul.f32 v5, v9  }
0x3e9: {  	[tilespmem:s25+$0xFFFFFFE0] =	vst v4;
	v2 =	vmul.f32 v2, v12  }
0x3ea: {  	[tilespmem:s25+$0xFFFFFFF0] =	vst v3  }
0x3eb: {  	[tilespmem:s25+$0xFFFFFF90] =	vst v2  }
0x3ec: {  	v2 =	vld [tilespmem:s23+$0x0]  }
0x3ed: {  	v3 =	vld [tilespmem:s23+$0xFFFFFF90]  }
0x3ee: {  	v4 =	vld [tilespmem:s23+$0xFFFFFFA0]  }
0x3ef: {  	v5 =	vld [tilespmem:s23+$0xFFFFFFB0]  }
0x3f0: {  	v6 =	vld [tilespmem:s23+$0xFFFFFFC0]  }
0x3f1: {  	v7 =	vld [tilespmem:s23+$0xFFFFFFD0]  }
0x3f2: {  	v8 =	vld [tilespmem:s23+$0xFFFFFFE0];
	v2 =	vmul.f32 $1.442695020e+00, v2  }
0x3f3: {  	v9 =	vld [tilespmem:s23+$0xFFFFFFF0]  }
0x3f4: {  	v10 =	vld [tilespmem:s22+$0x0];
	(erf) = vpow2.f32 v2  }
0x3f5: {  	v11 =	vld [tilespmem:s22+$0xFFFFFF90];
	v3 =	vmul.f32 $1.442695020e+00, v3  }
0x3f6: {  	v12 =	vld [tilespmem:s16+$0x0];
	v4 =	vmul.f32 $1.442695020e+00, v4  }
0x3f7: {  	v13 =	vld [tilespmem:s22+$0xFFFFFFF0];
	v5 =	vmul.f32 $1.442695020e+00, v5;
	(erf) = vpow2.f32 v3  }
0x3f8: {  	v14 =	vld [tilespmem:s20+$0xFFFFFFA0];
	v6 =	vmul.f32 $1.442695020e+00, v6;
	(erf) = vpow2.f32 v4  }
0x3f9: {  	v15 =	vld [tilespmem:s20+$0xFFFFFFB0];
	v4 =	vmul.f32 $1.442695020e+00, v7;
	(erf) = vpow2.f32 v5  }
0x3fa: {  	v17 =	vld [tilespmem:s20+$0xFFFFFFC0];
	v7 =	vmul.f32 $1.442695020e+00, v8;
	(erf) = vpow2.f32 v6  }
0x3fb: {  	v2 =	vld [tilespmem:s20+$0x0];
	v8 =	vmul.f32 $1.442695020e+00, v9;
	(erf) = vpow2.f32 v4  }
0x3fc: {  	v3 =	vld [tilespmem:s22+$0xFFFFFFA0];
	(erf) = vpow2.f32 v7  }
0x3fd: {  	v9 =	vld [tilespmem:s22+$0xFFFFFFD0];
	(erf) = vpow2.f32 v8;
	v4 =	vpop (erf)  }
0x3fe: {  	v5 =	vld [tilespmem:s22+$0xFFFFFFB0];
	v4 =	vmul.f32 v4, v10  }
0x3ff: {  	v6 =	vld [tilespmem:s22+$0xFFFFFFC0]  }
0x400: {  	v8 =	vld [tilespmem:s20+$0xFFFFFF90];
	v10 =	vpop (erf);
	v2 =	vadd.f32 v4, v2  }
0x401: {  	v7 =	vld [tilespmem:s22+$0xFFFFFFE0];
	v16 =	vpop (erf)  }
0x402: {  	v19 =	vld [tilespmem:s20+$0xFFFFFFD0];
	v18 =	vpop (erf);
	v3 =	vmul.f32 v16, v3  }
0x403: {  	v10 =	vmul.f32 v10, v11;
	v4 =	vld [tilespmem:s20+$0xFFFFFFE0];
	v11 =	vpop (erf)  }
0x404: {  	v62 =	vmul.f32 v2, v12;
	v12 =	vmul.f32 v18, v5;
	v5 =	vld [tilespmem:s20+$0xFFFFFFF0];
	v2 =	vpop (erf)  }
0x405: {  	s24 =	simm.s32 $0x0;
	v11 =	vmul.f32 v11, v6;
	v63 =	vmul.f32 v2, v9;
	v6 =	vpop (erf);
	v2 =	vadd.f32 v10, v8;
	v8 =	vld [tilespmem:s16+$0xFFFFFFA0]  }
0x406: {  	s19 =	simm.s32 $0x11AF0;
	s21 =	simm.s32 $0x152F0;
	s28 =	simm.s32 $0x18E70;
	v9 =	vadd.f32 v3, v14;
	v10 =	vadd.f32 v12, v15;
	v12 =	vld [tilespmem:s16+$0xFFFFFFB0];
	v6 =	vmul.f32 v6, v7;
	v3 =	vpop (erf)  }
0x407: {  	s17 =	simm.s32 $0xE2F0;
	s25 =	simm.s32 $0xE270;
	s23 =	simm.s32 $0x18AF0;
	[tilespmem:s16+$0x0] =	vst v62;
	v11 =	vadd.f32 v11, v17;
	v7 =	vmul.f32 v3, v13;
	v13 =	vld [tilespmem:s16+$0xFFFFFFC0];
	v3 =	vadd.f32 v63, v19  }
.LBB2_27:
0x408: {  	v14 =	vld [tilespmem:s28+$0x0];
	s24 =	sadd.s32 $0x80, s24;
	v4 =	vadd.f32 v6, v4  }
0x409: {  	v6 =	vld [tilespmem:s28+$0xFFFFFF90];
	p0 =	slt.u32 s24, $0x680;
	v5 =	vadd.f32 v7, v5  }
0x40a: {  	v7 =	vld [tilespmem:s28+$0xFFFFFFA0];
	v8 =	vmul.f32 v9, v8  }
0x40b: {  	v9 =	vld [tilespmem:s28+$0xFFFFFFB0];
	v10 =	vmul.f32 v10, v12  }
0x40c: {  	v12 =	vld [tilespmem:s28+$0xFFFFFFC0];
	[tilespmem:s16+$0xFFFFFFA0] =	vst v8;
	v8 =	vmul.f32 v11, v13  }
0x40d: {  	v11 =	vld [tilespmem:s28+$0xFFFFFFD0];
	v13 =	vmul.f32 $1.442695020e+00, v14;
	[tilespmem:s16+$0xFFFFFFB0] =	vst v10  }
0x40e: {  	v6 =	vmul.f32 $1.442695020e+00, v6;
	v10 =	vld [tilespmem:s28+$0xFFFFFFE0];
	[tilespmem:s16+$0xFFFFFFC0] =	vst v8  }
0x40f: {  	v7 =	vmul.f32 $1.442695020e+00, v7;
	v8 =	vld [tilespmem:s28+$0xFFFFFFF0];
	(erf) = vpow2.f32 v13  }
0x410: {  	v9 =	vmul.f32 $1.442695020e+00, v9;
	(erf) = vpow2.f32 v6;
	v6 =	vld [tilespmem:s16+$0xFFFFFFD0]  }
0x411: {  	v12 =	vmul.f32 $1.442695020e+00, v12;
	(erf) = vpow2.f32 v7;
	v7 =	vld [tilespmem:s16+$0xFFFFFFE0]  }
0x412: {  	v11 =	vmul.f32 $1.442695020e+00, v11;
	(erf) = vpow2.f32 v9;
	v9 =	vld [tilespmem:s16+$0xFFFFFFF0]  }
0x413: {  	s22 =	sadd.s32 $0x400, s22;
	v10 =	vmul.f32 $1.442695020e+00, v10;
	(erf) = vpow2.f32 v12;
	v12 =	vld [tilespmem:s16+$0xFFFFFF90]  }
0x414: {  	v8 =	vmul.f32 $1.442695020e+00, v8;
	v13 =	vld [tilespmem:s22+$0x0];
	(erf) = vpow2.f32 v11  }
0x415: {  	s20 =	sadd.s32 $0x400, s20;
	v11 =	vld [tilespmem:s22+$0xFFFFFF90];
	(erf) = vpow2.f32 v10;
	v3 =	vmul.f32 v3, v6  }
0x416: {  	v6 =	vld [tilespmem:s20+$0x0];
	(erf) = vpow2.f32 v8;
	v4 =	vmul.f32 v4, v7  }
0x417: {  	s16 =	sadd.s32 $0x400, s16;
	v7 =	vld [tilespmem:s22+$0xFFFFFFA0];
	[tilespmem:s25+$0xFFFFFFD0] =	vst v3;
	v3 =	vmul.f32 v5, v9  }
0x418: {  	v5 =	vld [tilespmem:s16+$0x0];
	v8 =	vpop (erf);
	v2 =	vmul.f32 v2, v12;
	[tilespmem:s25+$0xFFFFFFE0] =	vst v4  }
0x419: {  	v4 =	vld [tilespmem:s22+$0xFFFFFFB0];
	v12 =	vmul.f32 v8, v13;
	v9 =	vpop (erf);
	[tilespmem:s25+$0xFFFFFFF0] =	vst v3  }
0x41a: {  	v3 =	vmul.f32 v9, v11;
	v9 =	vld [tilespmem:s22+$0xFFFFFFC0];
	v10 =	vpop (erf);
	[tilespmem:s25+$0xFFFFFF90] =	vst v2;
	s25 =	smov.u32 s16  }
0x41b: {  	v2 =	vld [tilespmem:s22+$0xFFFFFFD0];
	v13 =	vadd.f32 v12, v6;
	v8 =	vpop (erf)  }
0x41c: {  	v10 =	vmul.f32 v10, v7;
	v7 =	vld [tilespmem:s22+$0xFFFFFFE0];
	v11 =	vpop (erf)  }
0x41d: {  	v12 =	vld [tilespmem:s22+$0xFFFFFFF0];
	v15 =	vmul.f32 v13, v5;
	v6 =	vpop (erf)  }
0x41e: {  	v13 =	vld [tilespmem:s20+$0xFFFFFF90];
	v14 =	vmul.f32 v8, v4;
	v4 =	vpop (erf)  }
0x41f: {  	v8 =	vld [tilespmem:s20+$0xFFFFFFA0];
	v11 =	vmul.f32 v11, v9;
	[tilespmem:s16+$0x0] =	vst v15;
	v5 =	vpop (erf)  }
0x420: {  	v15 =	vld [tilespmem:s20+$0xFFFFFFB0];
	v16 =	vmul.f32 v6, v2  }
0x421: {  	v17 =	vld [tilespmem:s20+$0xFFFFFFC0];
	v6 =	vmul.f32 v4, v7  }
0x422: {  	v18 =	vld [tilespmem:s20+$0xFFFFFFD0];
	v7 =	vmul.f32 v5, v12  }
.Ltmp12:
0x423: {  	v2 =	vadd.f32 v3, v13;
	v4 =	vld [tilespmem:s20+$0xFFFFFFE0];
	(pc) =	sbr.rel @p0 .LBB2_27-.Ltmp12, $4  }
0x424: {  	v9 =	vadd.f32 v10, v8;
	v5 =	vld [tilespmem:s20+$0xFFFFFFF0]  }
0x425: {  	v8 =	vld [tilespmem:s16+$0xFFFFFFA0];
	v10 =	vadd.f32 v14, v15  }
0x426: {  	v12 =	vld [tilespmem:s16+$0xFFFFFFB0];
	v11 =	vadd.f32 v11, v17  }
0x427: {  	s28 =	sadd.s32 $0x400, s28;
	v13 =	vld [tilespmem:s16+$0xFFFFFFC0];
	v3 =	vadd.f32 v16, v18  }
0x428: {  	v14 =	vld [tilespmem:s16+$0xFFFFFFD0]  }
0x429: {  	v15 =	vld [tilespmem:s16+$0xFFFFFFE0]  }
0x42a: {  	v8 =	vmul.f32 v9, v8;
	v9 =	vld [tilespmem:s16+$0xFFFFFFF0]  }
0x42b: {  	v10 =	vmul.f32 v10, v12;
	v12 =	vld [tilespmem:s16+$0xFFFFFF90]  }
0x42c: {  	v4 =	vadd.f32 v6, v4;
	[tilespmem:s16+$0xFFFFFFA0] =	vst v8;
	v6 =	vmul.f32 v11, v13  }
0x42d: {  	v5 =	vadd.f32 v7, v5;
	[tilespmem:s16+$0xFFFFFFB0] =	vst v10;
	v3 =	vmul.f32 v3, v14  }
0x42e: {  	v4 =	vmul.f32 v4, v15;
	[tilespmem:s16+$0xFFFFFFC0] =	vst v6  }
0x42f: {  	[tilespmem:s25+$0xFFFFFFD0] =	vst v3;
	v3 =	vmul.f32 v5, v9  }
0x430: {  	[tilespmem:s25+$0xFFFFFFE0] =	vst v4;
	v2 =	vmul.f32 v2, v12  }
0x431: {  	[tilespmem:s25+$0xFFFFFFF0] =	vst v3  }
0x432: {  	[tilespmem:s25+$0xFFFFFF90] =	vst v2  }
0x433: {  	v2 =	vld [tilespmem:s23+$0x0]  }
0x434: {  	v3 =	vld [tilespmem:s23+$0xFFFFFF90]  }
0x435: {  	v4 =	vld [tilespmem:s23+$0xFFFFFFA0]  }
0x436: {  	v5 =	vld [tilespmem:s23+$0xFFFFFFB0]  }
0x437: {  	v6 =	vld [tilespmem:s23+$0xFFFFFFC0]  }
0x438: {  	v7 =	vld [tilespmem:s23+$0xFFFFFFD0]  }
0x439: {  	v8 =	vld [tilespmem:s23+$0xFFFFFFE0];
	v2 =	vmul.f32 $1.442695020e+00, v2  }
0x43a: {  	v9 =	vld [tilespmem:s23+$0xFFFFFFF0]  }
0x43b: {  	v10 =	vld [tilespmem:s19+$0x0];
	(erf) = vpow2.f32 v2  }
0x43c: {  	v11 =	vld [tilespmem:s19+$0xFFFFFF90];
	v3 =	vmul.f32 $1.442695020e+00, v3  }
0x43d: {  	v12 =	vld [tilespmem:s17+$0x0];
	v4 =	vmul.f32 $1.442695020e+00, v4  }
0x43e: {  	v13 =	vld [tilespmem:s19+$0xFFFFFFF0];
	v5 =	vmul.f32 $1.442695020e+00, v5;
	(erf) = vpow2.f32 v3  }
0x43f: {  	v14 =	vld [tilespmem:s21+$0xFFFFFFA0];
	v6 =	vmul.f32 $1.442695020e+00, v6;
	(erf) = vpow2.f32 v4  }
0x440: {  	v15 =	vld [tilespmem:s21+$0xFFFFFFB0];
	v4 =	vmul.f32 $1.442695020e+00, v7;
	(erf) = vpow2.f32 v5  }
0x441: {  	v17 =	vld [tilespmem:s21+$0xFFFFFFC0];
	v7 =	vmul.f32 $1.442695020e+00, v8;
	(erf) = vpow2.f32 v6  }
0x442: {  	v2 =	vld [tilespmem:s21+$0x0];
	v8 =	vmul.f32 $1.442695020e+00, v9;
	(erf) = vpow2.f32 v4  }
0x443: {  	v3 =	vld [tilespmem:s19+$0xFFFFFFA0];
	(erf) = vpow2.f32 v7  }
0x444: {  	v9 =	vld [tilespmem:s19+$0xFFFFFFD0];
	(erf) = vpow2.f32 v8;
	v4 =	vpop (erf)  }
0x445: {  	v5 =	vld [tilespmem:s19+$0xFFFFFFB0];
	v4 =	vmul.f32 v4, v10  }
0x446: {  	v6 =	vld [tilespmem:s19+$0xFFFFFFC0]  }
0x447: {  	v8 =	vld [tilespmem:s21+$0xFFFFFF90];
	v10 =	vpop (erf);
	v2 =	vadd.f32 v4, v2  }
0x448: {  	v7 =	vld [tilespmem:s19+$0xFFFFFFE0];
	v16 =	vpop (erf)  }
0x449: {  	v19 =	vld [tilespmem:s21+$0xFFFFFFD0];
	v18 =	vpop (erf);
	v3 =	vmul.f32 v16, v3  }
0x44a: {  	v10 =	vmul.f32 v10, v11;
	v4 =	vld [tilespmem:s21+$0xFFFFFFE0];
	v11 =	vpop (erf)  }
0x44b: {  	v62 =	vmul.f32 v2, v12;
	v12 =	vmul.f32 v18, v5;
	v5 =	vld [tilespmem:s21+$0xFFFFFFF0];
	v2 =	vpop (erf)  }
0x44c: {  	s24 =	simm.s32 $0x0;
	v11 =	vmul.f32 v11, v6;
	v63 =	vmul.f32 v2, v9;
	v6 =	vpop (erf);
	v2 =	vadd.f32 v10, v8;
	v8 =	vld [tilespmem:s17+$0xFFFFFFA0]  }
0x44d: {  	s20 =	simm.s32 $0x15370;
	s22 =	simm.s32 $0x11B70;
	s28 =	simm.s32 $0x18EF0;
	v9 =	vadd.f32 v3, v14;
	v10 =	vadd.f32 v12, v15;
	v12 =	vld [tilespmem:s17+$0xFFFFFFB0];
	v6 =	vmul.f32 v6, v7;
	v3 =	vpop (erf)  }
0x44e: {  	s16 =	simm.s32 $0xE370;
	s25 =	simm.s32 $0xE2F0;
	s23 =	simm.s32 $0x18B70;
	[tilespmem:s17+$0x0] =	vst v62;
	v11 =	vadd.f32 v11, v17;
	v7 =	vmul.f32 v3, v13;
	v13 =	vld [tilespmem:s17+$0xFFFFFFC0];
	v3 =	vadd.f32 v63, v19  }
.LBB2_29:
0x44f: {  	v14 =	vld [tilespmem:s28+$0x0];
	s24 =	sadd.s32 $0x80, s24;
	v4 =	vadd.f32 v6, v4  }
0x450: {  	v6 =	vld [tilespmem:s28+$0xFFFFFF90];
	p0 =	slt.u32 s24, $0x680;
	v5 =	vadd.f32 v7, v5  }
0x451: {  	v7 =	vld [tilespmem:s28+$0xFFFFFFA0];
	v8 =	vmul.f32 v9, v8  }
0x452: {  	v9 =	vld [tilespmem:s28+$0xFFFFFFB0];
	v10 =	vmul.f32 v10, v12  }
0x453: {  	v12 =	vld [tilespmem:s28+$0xFFFFFFC0];
	[tilespmem:s17+$0xFFFFFFA0] =	vst v8;
	v8 =	vmul.f32 v11, v13  }
0x454: {  	v11 =	vld [tilespmem:s28+$0xFFFFFFD0];
	v13 =	vmul.f32 $1.442695020e+00, v14;
	[tilespmem:s17+$0xFFFFFFB0] =	vst v10  }
0x455: {  	v6 =	vmul.f32 $1.442695020e+00, v6;
	v10 =	vld [tilespmem:s28+$0xFFFFFFE0];
	[tilespmem:s17+$0xFFFFFFC0] =	vst v8  }
0x456: {  	v7 =	vmul.f32 $1.442695020e+00, v7;
	v8 =	vld [tilespmem:s28+$0xFFFFFFF0];
	(erf) = vpow2.f32 v13  }
0x457: {  	v9 =	vmul.f32 $1.442695020e+00, v9;
	(erf) = vpow2.f32 v6;
	v6 =	vld [tilespmem:s17+$0xFFFFFFD0]  }
0x458: {  	v12 =	vmul.f32 $1.442695020e+00, v12;
	(erf) = vpow2.f32 v7;
	v7 =	vld [tilespmem:s17+$0xFFFFFFE0]  }
0x459: {  	v11 =	vmul.f32 $1.442695020e+00, v11;
	(erf) = vpow2.f32 v9;
	v9 =	vld [tilespmem:s17+$0xFFFFFFF0]  }
0x45a: {  	s19 =	sadd.s32 $0x400, s19;
	v10 =	vmul.f32 $1.442695020e+00, v10;
	(erf) = vpow2.f32 v12;
	v12 =	vld [tilespmem:s17+$0xFFFFFF90]  }
0x45b: {  	v8 =	vmul.f32 $1.442695020e+00, v8;
	v13 =	vld [tilespmem:s19+$0x0];
	(erf) = vpow2.f32 v11  }
0x45c: {  	s21 =	sadd.s32 $0x400, s21;
	v11 =	vld [tilespmem:s19+$0xFFFFFF90];
	(erf) = vpow2.f32 v10;
	v3 =	vmul.f32 v3, v6  }
0x45d: {  	v6 =	vld [tilespmem:s21+$0x0];
	(erf) = vpow2.f32 v8;
	v4 =	vmul.f32 v4, v7  }
0x45e: {  	s17 =	sadd.s32 $0x400, s17;
	v7 =	vld [tilespmem:s19+$0xFFFFFFA0];
	[tilespmem:s25+$0xFFFFFFD0] =	vst v3;
	v3 =	vmul.f32 v5, v9  }
0x45f: {  	v5 =	vld [tilespmem:s17+$0x0];
	v8 =	vpop (erf);
	v2 =	vmul.f32 v2, v12;
	[tilespmem:s25+$0xFFFFFFE0] =	vst v4  }
0x460: {  	v4 =	vld [tilespmem:s19+$0xFFFFFFB0];
	v12 =	vmul.f32 v8, v13;
	v9 =	vpop (erf);
	[tilespmem:s25+$0xFFFFFFF0] =	vst v3  }
0x461: {  	v3 =	vmul.f32 v9, v11;
	v9 =	vld [tilespmem:s19+$0xFFFFFFC0];
	v10 =	vpop (erf);
	[tilespmem:s25+$0xFFFFFF90] =	vst v2;
	s25 =	smov.u32 s17  }
0x462: {  	v2 =	vld [tilespmem:s19+$0xFFFFFFD0];
	v13 =	vadd.f32 v12, v6;
	v8 =	vpop (erf)  }
0x463: {  	v10 =	vmul.f32 v10, v7;
	v7 =	vld [tilespmem:s19+$0xFFFFFFE0];
	v11 =	vpop (erf)  }
0x464: {  	v12 =	vld [tilespmem:s19+$0xFFFFFFF0];
	v15 =	vmul.f32 v13, v5;
	v6 =	vpop (erf)  }
0x465: {  	v13 =	vld [tilespmem:s21+$0xFFFFFF90];
	v14 =	vmul.f32 v8, v4;
	v4 =	vpop (erf)  }
0x466: {  	v8 =	vld [tilespmem:s21+$0xFFFFFFA0];
	v11 =	vmul.f32 v11, v9;
	[tilespmem:s17+$0x0] =	vst v15;
	v5 =	vpop (erf)  }
0x467: {  	v15 =	vld [tilespmem:s21+$0xFFFFFFB0];
	v16 =	vmul.f32 v6, v2  }
0x468: {  	v17 =	vld [tilespmem:s21+$0xFFFFFFC0];
	v6 =	vmul.f32 v4, v7  }
0x469: {  	v18 =	vld [tilespmem:s21+$0xFFFFFFD0];
	v7 =	vmul.f32 v5, v12  }
.Ltmp13:
0x46a: {  	v2 =	vadd.f32 v3, v13;
	v4 =	vld [tilespmem:s21+$0xFFFFFFE0];
	(pc) =	sbr.rel @p0 .LBB2_29-.Ltmp13, $4  }
0x46b: {  	v9 =	vadd.f32 v10, v8;
	v5 =	vld [tilespmem:s21+$0xFFFFFFF0]  }
0x46c: {  	v8 =	vld [tilespmem:s17+$0xFFFFFFA0];
	v10 =	vadd.f32 v14, v15  }
0x46d: {  	v12 =	vld [tilespmem:s17+$0xFFFFFFB0];
	v11 =	vadd.f32 v11, v17  }
0x46e: {  	s28 =	sadd.s32 $0x400, s28;
	v13 =	vld [tilespmem:s17+$0xFFFFFFC0];
	v3 =	vadd.f32 v16, v18  }
0x46f: {  	v14 =	vld [tilespmem:s17+$0xFFFFFFD0]  }
0x470: {  	v15 =	vld [tilespmem:s17+$0xFFFFFFE0]  }
0x471: {  	v8 =	vmul.f32 v9, v8;
	v9 =	vld [tilespmem:s17+$0xFFFFFFF0]  }
0x472: {  	v10 =	vmul.f32 v10, v12;
	v12 =	vld [tilespmem:s17+$0xFFFFFF90]  }
0x473: {  	v4 =	vadd.f32 v6, v4;
	[tilespmem:s17+$0xFFFFFFA0] =	vst v8;
	v6 =	vmul.f32 v11, v13  }
0x474: {  	v5 =	vadd.f32 v7, v5;
	[tilespmem:s17+$0xFFFFFFB0] =	vst v10;
	v3 =	vmul.f32 v3, v14  }
0x475: {  	v4 =	vmul.f32 v4, v15;
	[tilespmem:s17+$0xFFFFFFC0] =	vst v6  }
0x476: {  	[tilespmem:s25+$0xFFFFFFD0] =	vst v3;
	v3 =	vmul.f32 v5, v9  }
0x477: {  	[tilespmem:s25+$0xFFFFFFE0] =	vst v4;
	v2 =	vmul.f32 v2, v12  }
0x478: {  	[tilespmem:s25+$0xFFFFFFF0] =	vst v3  }
0x479: {  	[tilespmem:s25+$0xFFFFFF90] =	vst v2  }
0x47a: {  	v2 =	vld [tilespmem:s23+$0x0]  }
0x47b: {  	v3 =	vld [tilespmem:s23+$0xFFFFFF90]  }
0x47c: {  	v4 =	vld [tilespmem:s23+$0xFFFFFFA0]  }
0x47d: {  	v5 =	vld [tilespmem:s23+$0xFFFFFFB0]  }
0x47e: {  	v6 =	vld [tilespmem:s23+$0xFFFFFFC0]  }
0x47f: {  	v7 =	vld [tilespmem:s23+$0xFFFFFFD0]  }
0x480: {  	v8 =	vld [tilespmem:s23+$0xFFFFFFE0];
	v2 =	vmul.f32 $1.442695020e+00, v2  }
0x481: {  	v9 =	vld [tilespmem:s23+$0xFFFFFFF0]  }
0x482: {  	v10 =	vld [tilespmem:s22+$0x0];
	(erf) = vpow2.f32 v2  }
0x483: {  	v11 =	vld [tilespmem:s22+$0xFFFFFF90];
	v3 =	vmul.f32 $1.442695020e+00, v3  }
0x484: {  	v12 =	vld [tilespmem:s16+$0x0];
	v4 =	vmul.f32 $1.442695020e+00, v4  }
0x485: {  	v13 =	vld [tilespmem:s22+$0xFFFFFFF0];
	v5 =	vmul.f32 $1.442695020e+00, v5;
	(erf) = vpow2.f32 v3  }
0x486: {  	v14 =	vld [tilespmem:s20+$0xFFFFFFA0];
	v6 =	vmul.f32 $1.442695020e+00, v6;
	(erf) = vpow2.f32 v4  }
0x487: {  	v15 =	vld [tilespmem:s20+$0xFFFFFFB0];
	v4 =	vmul.f32 $1.442695020e+00, v7;
	(erf) = vpow2.f32 v5  }
0x488: {  	v17 =	vld [tilespmem:s20+$0xFFFFFFC0];
	v7 =	vmul.f32 $1.442695020e+00, v8;
	(erf) = vpow2.f32 v6  }
0x489: {  	v2 =	vld [tilespmem:s20+$0x0];
	v8 =	vmul.f32 $1.442695020e+00, v9;
	(erf) = vpow2.f32 v4  }
0x48a: {  	v3 =	vld [tilespmem:s22+$0xFFFFFFA0];
	(erf) = vpow2.f32 v7  }
0x48b: {  	v9 =	vld [tilespmem:s22+$0xFFFFFFD0];
	(erf) = vpow2.f32 v8;
	v4 =	vpop (erf)  }
0x48c: {  	v5 =	vld [tilespmem:s22+$0xFFFFFFB0];
	v4 =	vmul.f32 v4, v10  }
0x48d: {  	v6 =	vld [tilespmem:s22+$0xFFFFFFC0]  }
0x48e: {  	v8 =	vld [tilespmem:s20+$0xFFFFFF90];
	v10 =	vpop (erf);
	v2 =	vadd.f32 v4, v2  }
0x48f: {  	v7 =	vld [tilespmem:s22+$0xFFFFFFE0];
	v16 =	vpop (erf)  }
0x490: {  	v19 =	vld [tilespmem:s20+$0xFFFFFFD0];
	v18 =	vpop (erf);
	v3 =	vmul.f32 v16, v3  }
0x491: {  	v10 =	vmul.f32 v10, v11;
	v4 =	vld [tilespmem:s20+$0xFFFFFFE0];
	v11 =	vpop (erf)  }
0x492: {  	v62 =	vmul.f32 v2, v12;
	v12 =	vmul.f32 v18, v5;
	v5 =	vld [tilespmem:s20+$0xFFFFFFF0];
	v2 =	vpop (erf)  }
0x493: {  	s24 =	simm.s32 $0x0;
	v11 =	vmul.f32 v11, v6;
	v63 =	vmul.f32 v2, v9;
	v6 =	vpop (erf);
	v2 =	vadd.f32 v10, v8;
	v8 =	vld [tilespmem:s16+$0xFFFFFFA0]  }
0x494: {  	s19 =	simm.s32 $0x11BF0;
	s21 =	simm.s32 $0x153F0;
	s28 =	simm.s32 $0x18F70;
	v9 =	vadd.f32 v3, v14;
	v10 =	vadd.f32 v12, v15;
	v12 =	vld [tilespmem:s16+$0xFFFFFFB0];
	v6 =	vmul.f32 v6, v7;
	v3 =	vpop (erf)  }
0x495: {  	s17 =	simm.s32 $0xE3F0;
	s25 =	simm.s32 $0xE370;
	s23 =	simm.s32 $0x18BF0;
	[tilespmem:s16+$0x0] =	vst v62;
	v11 =	vadd.f32 v11, v17;
	v7 =	vmul.f32 v3, v13;
	v13 =	vld [tilespmem:s16+$0xFFFFFFC0];
	v3 =	vadd.f32 v63, v19  }
.LBB2_31:
0x496: {  	v14 =	vld [tilespmem:s28+$0x0];
	s24 =	sadd.s32 $0x80, s24;
	v4 =	vadd.f32 v6, v4  }
0x497: {  	v6 =	vld [tilespmem:s28+$0xFFFFFF90];
	p0 =	slt.u32 s24, $0x680;
	v5 =	vadd.f32 v7, v5  }
0x498: {  	v7 =	vld [tilespmem:s28+$0xFFFFFFA0];
	v8 =	vmul.f32 v9, v8  }
0x499: {  	v9 =	vld [tilespmem:s28+$0xFFFFFFB0];
	v10 =	vmul.f32 v10, v12  }
0x49a: {  	v12 =	vld [tilespmem:s28+$0xFFFFFFC0];
	[tilespmem:s16+$0xFFFFFFA0] =	vst v8;
	v8 =	vmul.f32 v11, v13  }
0x49b: {  	v11 =	vld [tilespmem:s28+$0xFFFFFFD0];
	v13 =	vmul.f32 $1.442695020e+00, v14;
	[tilespmem:s16+$0xFFFFFFB0] =	vst v10  }
0x49c: {  	v6 =	vmul.f32 $1.442695020e+00, v6;
	v10 =	vld [tilespmem:s28+$0xFFFFFFE0];
	[tilespmem:s16+$0xFFFFFFC0] =	vst v8  }
0x49d: {  	v7 =	vmul.f32 $1.442695020e+00, v7;
	v8 =	vld [tilespmem:s28+$0xFFFFFFF0];
	(erf) = vpow2.f32 v13  }
0x49e: {  	v9 =	vmul.f32 $1.442695020e+00, v9;
	(erf) = vpow2.f32 v6;
	v6 =	vld [tilespmem:s16+$0xFFFFFFD0]  }
0x49f: {  	v12 =	vmul.f32 $1.442695020e+00, v12;
	(erf) = vpow2.f32 v7;
	v7 =	vld [tilespmem:s16+$0xFFFFFFE0]  }
0x4a0: {  	v11 =	vmul.f32 $1.442695020e+00, v11;
	(erf) = vpow2.f32 v9;
	v9 =	vld [tilespmem:s16+$0xFFFFFFF0]  }
0x4a1: {  	s22 =	sadd.s32 $0x400, s22;
	v10 =	vmul.f32 $1.442695020e+00, v10;
	(erf) = vpow2.f32 v12;
	v12 =	vld [tilespmem:s16+$0xFFFFFF90]  }
0x4a2: {  	v8 =	vmul.f32 $1.442695020e+00, v8;
	v13 =	vld [tilespmem:s22+$0x0];
	(erf) = vpow2.f32 v11  }
0x4a3: {  	s20 =	sadd.s32 $0x400, s20;
	v11 =	vld [tilespmem:s22+$0xFFFFFF90];
	(erf) = vpow2.f32 v10;
	v3 =	vmul.f32 v3, v6  }
0x4a4: {  	v6 =	vld [tilespmem:s20+$0x0];
	(erf) = vpow2.f32 v8;
	v4 =	vmul.f32 v4, v7  }
0x4a5: {  	s16 =	sadd.s32 $0x400, s16;
	v7 =	vld [tilespmem:s22+$0xFFFFFFA0];
	[tilespmem:s25+$0xFFFFFFD0] =	vst v3;
	v3 =	vmul.f32 v5, v9  }
0x4a6: {  	v5 =	vld [tilespmem:s16+$0x0];
	v8 =	vpop (erf);
	v2 =	vmul.f32 v2, v12;
	[tilespmem:s25+$0xFFFFFFE0] =	vst v4  }
0x4a7: {  	v4 =	vld [tilespmem:s22+$0xFFFFFFB0];
	v12 =	vmul.f32 v8, v13;
	v9 =	vpop (erf);
	[tilespmem:s25+$0xFFFFFFF0] =	vst v3  }
0x4a8: {  	v3 =	vmul.f32 v9, v11;
	v9 =	vld [tilespmem:s22+$0xFFFFFFC0];
	v10 =	vpop (erf);
	[tilespmem:s25+$0xFFFFFF90] =	vst v2;
	s25 =	smov.u32 s16  }
0x4a9: {  	v2 =	vld [tilespmem:s22+$0xFFFFFFD0];
	v13 =	vadd.f32 v12, v6;
	v8 =	vpop (erf)  }
0x4aa: {  	v10 =	vmul.f32 v10, v7;
	v7 =	vld [tilespmem:s22+$0xFFFFFFE0];
	v11 =	vpop (erf)  }
0x4ab: {  	v12 =	vld [tilespmem:s22+$0xFFFFFFF0];
	v15 =	vmul.f32 v13, v5;
	v6 =	vpop (erf)  }
0x4ac: {  	v13 =	vld [tilespmem:s20+$0xFFFFFF90];
	v14 =	vmul.f32 v8, v4;
	v4 =	vpop (erf)  }
0x4ad: {  	v8 =	vld [tilespmem:s20+$0xFFFFFFA0];
	v11 =	vmul.f32 v11, v9;
	[tilespmem:s16+$0x0] =	vst v15;
	v5 =	vpop (erf)  }
0x4ae: {  	v15 =	vld [tilespmem:s20+$0xFFFFFFB0];
	v16 =	vmul.f32 v6, v2  }
0x4af: {  	v17 =	vld [tilespmem:s20+$0xFFFFFFC0];
	v6 =	vmul.f32 v4, v7  }
0x4b0: {  	v18 =	vld [tilespmem:s20+$0xFFFFFFD0];
	v7 =	vmul.f32 v5, v12  }
.Ltmp14:
0x4b1: {  	v2 =	vadd.f32 v3, v13;
	v4 =	vld [tilespmem:s20+$0xFFFFFFE0];
	(pc) =	sbr.rel @p0 .LBB2_31-.Ltmp14, $4  }
0x4b2: {  	v9 =	vadd.f32 v10, v8;
	v5 =	vld [tilespmem:s20+$0xFFFFFFF0]  }
0x4b3: {  	v8 =	vld [tilespmem:s16+$0xFFFFFFA0];
	v10 =	vadd.f32 v14, v15  }
0x4b4: {  	v12 =	vld [tilespmem:s16+$0xFFFFFFB0];
	v11 =	vadd.f32 v11, v17  }
0x4b5: {  	s28 =	sadd.s32 $0x400, s28;
	v13 =	vld [tilespmem:s16+$0xFFFFFFC0];
	v3 =	vadd.f32 v16, v18  }
0x4b6: {  	v14 =	vld [tilespmem:s16+$0xFFFFFFD0]  }
0x4b7: {  	v15 =	vld [tilespmem:s16+$0xFFFFFFE0]  }
0x4b8: {  	v8 =	vmul.f32 v9, v8;
	v9 =	vld [tilespmem:s16+$0xFFFFFFF0]  }
0x4b9: {  	v10 =	vmul.f32 v10, v12;
	v12 =	vld [tilespmem:s16+$0xFFFFFF90]  }
0x4ba: {  	v4 =	vadd.f32 v6, v4;
	[tilespmem:s16+$0xFFFFFFA0] =	vst v8;
	v6 =	vmul.f32 v11, v13  }
0x4bb: {  	v5 =	vadd.f32 v7, v5;
	[tilespmem:s16+$0xFFFFFFB0] =	vst v10;
	v3 =	vmul.f32 v3, v14  }
0x4bc: {  	v4 =	vmul.f32 v4, v15;
	[tilespmem:s16+$0xFFFFFFC0] =	vst v6  }
0x4bd: {  	[tilespmem:s25+$0xFFFFFFD0] =	vst v3;
	v3 =	vmul.f32 v5, v9  }
0x4be: {  	[tilespmem:s25+$0xFFFFFFE0] =	vst v4;
	v2 =	vmul.f32 v2, v12  }
0x4bf: {  	[tilespmem:s25+$0xFFFFFFF0] =	vst v3  }
0x4c0: {  	[tilespmem:s25+$0xFFFFFF90] =	vst v2  }
0x4c1: {  	v2 =	vld [tilespmem:s23+$0x0]  }
0x4c2: {  	v3 =	vld [tilespmem:s23+$0xFFFFFF90]  }
0x4c3: {  	v4 =	vld [tilespmem:s23+$0xFFFFFFA0]  }
0x4c4: {  	v5 =	vld [tilespmem:s23+$0xFFFFFFB0]  }
0x4c5: {  	v6 =	vld [tilespmem:s23+$0xFFFFFFC0]  }
0x4c6: {  	v7 =	vld [tilespmem:s23+$0xFFFFFFD0]  }
0x4c7: {  	v8 =	vld [tilespmem:s23+$0xFFFFFFE0];
	v2 =	vmul.f32 $1.442695020e+00, v2  }
0x4c8: {  	v9 =	vld [tilespmem:s23+$0xFFFFFFF0]  }
0x4c9: {  	v10 =	vld [tilespmem:s19+$0x0];
	(erf) = vpow2.f32 v2  }
0x4ca: {  	v11 =	vld [tilespmem:s19+$0xFFFFFF90];
	v3 =	vmul.f32 $1.442695020e+00, v3  }
0x4cb: {  	v12 =	vld [tilespmem:s17+$0x0];
	v4 =	vmul.f32 $1.442695020e+00, v4  }
0x4cc: {  	v13 =	vld [tilespmem:s19+$0xFFFFFFF0];
	v5 =	vmul.f32 $1.442695020e+00, v5;
	(erf) = vpow2.f32 v3  }
0x4cd: {  	v14 =	vld [tilespmem:s21+$0xFFFFFFA0];
	v6 =	vmul.f32 $1.442695020e+00, v6;
	(erf) = vpow2.f32 v4  }
0x4ce: {  	v15 =	vld [tilespmem:s21+$0xFFFFFFB0];
	v4 =	vmul.f32 $1.442695020e+00, v7;
	(erf) = vpow2.f32 v5  }
0x4cf: {  	v17 =	vld [tilespmem:s21+$0xFFFFFFC0];
	v7 =	vmul.f32 $1.442695020e+00, v8;
	(erf) = vpow2.f32 v6  }
0x4d0: {  	v2 =	vld [tilespmem:s21+$0x0];
	v8 =	vmul.f32 $1.442695020e+00, v9;
	(erf) = vpow2.f32 v4  }
0x4d1: {  	v3 =	vld [tilespmem:s19+$0xFFFFFFA0];
	(erf) = vpow2.f32 v7  }
0x4d2: {  	v9 =	vld [tilespmem:s19+$0xFFFFFFD0];
	(erf) = vpow2.f32 v8;
	v4 =	vpop (erf)  }
0x4d3: {  	v5 =	vld [tilespmem:s19+$0xFFFFFFB0];
	v4 =	vmul.f32 v4, v10  }
0x4d4: {  	v6 =	vld [tilespmem:s19+$0xFFFFFFC0]  }
0x4d5: {  	v8 =	vld [tilespmem:s21+$0xFFFFFF90];
	v10 =	vpop (erf);
	v2 =	vadd.f32 v4, v2  }
0x4d6: {  	v7 =	vld [tilespmem:s19+$0xFFFFFFE0];
	v16 =	vpop (erf)  }
0x4d7: {  	v19 =	vld [tilespmem:s21+$0xFFFFFFD0];
	v18 =	vpop (erf);
	v3 =	vmul.f32 v16, v3  }
0x4d8: {  	v10 =	vmul.f32 v10, v11;
	v4 =	vld [tilespmem:s21+$0xFFFFFFE0];
	v11 =	vpop (erf)  }
0x4d9: {  	v62 =	vmul.f32 v2, v12;
	v12 =	vmul.f32 v18, v5;
	v5 =	vld [tilespmem:s21+$0xFFFFFFF0];
	v2 =	vpop (erf)  }
0x4da: {  	s24 =	simm.s32 $0x0;
	v11 =	vmul.f32 v11, v6;
	v63 =	vmul.f32 v2, v9;
	v6 =	vpop (erf);
	v2 =	vadd.f32 v10, v8;
	v8 =	vld [tilespmem:s17+$0xFFFFFFA0]  }
0x4db: {  	s20 =	simm.s32 $0x15470;
	s22 =	simm.s32 $0x11C70;
	s28 =	simm.s32 $0x18FF0;
	v9 =	vadd.f32 v3, v14;
	v10 =	vadd.f32 v12, v15;
	v12 =	vld [tilespmem:s17+$0xFFFFFFB0];
	v6 =	vmul.f32 v6, v7;
	v3 =	vpop (erf)  }
0x4dc: {  	s16 =	simm.s32 $0xE470;
	s25 =	simm.s32 $0xE3F0;
	s23 =	simm.s32 $0x18C70;
	[tilespmem:s17+$0x0] =	vst v62;
	v11 =	vadd.f32 v11, v17;
	v7 =	vmul.f32 v3, v13;
	v13 =	vld [tilespmem:s17+$0xFFFFFFC0];
	v3 =	vadd.f32 v63, v19  }
.LBB2_33:
0x4dd: {  	v14 =	vld [tilespmem:s28+$0x0];
	s24 =	sadd.s32 $0x80, s24;
	v4 =	vadd.f32 v6, v4  }
0x4de: {  	v6 =	vld [tilespmem:s28+$0xFFFFFF90];
	p0 =	slt.u32 s24, $0x680;
	v5 =	vadd.f32 v7, v5  }
0x4df: {  	v7 =	vld [tilespmem:s28+$0xFFFFFFA0];
	v8 =	vmul.f32 v9, v8  }
0x4e0: {  	v9 =	vld [tilespmem:s28+$0xFFFFFFB0];
	v10 =	vmul.f32 v10, v12  }
0x4e1: {  	v12 =	vld [tilespmem:s28+$0xFFFFFFC0];
	[tilespmem:s17+$0xFFFFFFA0] =	vst v8;
	v8 =	vmul.f32 v11, v13  }
0x4e2: {  	v11 =	vld [tilespmem:s28+$0xFFFFFFD0];
	v13 =	vmul.f32 $1.442695020e+00, v14;
	[tilespmem:s17+$0xFFFFFFB0] =	vst v10  }
0x4e3: {  	v6 =	vmul.f32 $1.442695020e+00, v6;
	v10 =	vld [tilespmem:s28+$0xFFFFFFE0];
	[tilespmem:s17+$0xFFFFFFC0] =	vst v8  }
0x4e4: {  	v7 =	vmul.f32 $1.442695020e+00, v7;
	v8 =	vld [tilespmem:s28+$0xFFFFFFF0];
	(erf) = vpow2.f32 v13  }
0x4e5: {  	v9 =	vmul.f32 $1.442695020e+00, v9;
	(erf) = vpow2.f32 v6;
	v6 =	vld [tilespmem:s17+$0xFFFFFFD0]  }
0x4e6: {  	v12 =	vmul.f32 $1.442695020e+00, v12;
	(erf) = vpow2.f32 v7;
	v7 =	vld [tilespmem:s17+$0xFFFFFFE0]  }
0x4e7: {  	v11 =	vmul.f32 $1.442695020e+00, v11;
	(erf) = vpow2.f32 v9;
	v9 =	vld [tilespmem:s17+$0xFFFFFFF0]  }
0x4e8: {  	s19 =	sadd.s32 $0x400, s19;
	v10 =	vmul.f32 $1.442695020e+00, v10;
	(erf) = vpow2.f32 v12;
	v12 =	vld [tilespmem:s17+$0xFFFFFF90]  }
0x4e9: {  	v8 =	vmul.f32 $1.442695020e+00, v8;
	v13 =	vld [tilespmem:s19+$0x0];
	(erf) = vpow2.f32 v11  }
0x4ea: {  	s21 =	sadd.s32 $0x400, s21;
	v11 =	vld [tilespmem:s19+$0xFFFFFF90];
	(erf) = vpow2.f32 v10;
	v3 =	vmul.f32 v3, v6  }
0x4eb: {  	v6 =	vld [tilespmem:s21+$0x0];
	(erf) = vpow2.f32 v8;
	v4 =	vmul.f32 v4, v7  }
0x4ec: {  	s17 =	sadd.s32 $0x400, s17;
	v7 =	vld [tilespmem:s19+$0xFFFFFFA0];
	[tilespmem:s25+$0xFFFFFFD0] =	vst v3;
	v3 =	vmul.f32 v5, v9  }
0x4ed: {  	v5 =	vld [tilespmem:s17+$0x0];
	v8 =	vpop (erf);
	v2 =	vmul.f32 v2, v12;
	[tilespmem:s25+$0xFFFFFFE0] =	vst v4  }
0x4ee: {  	v4 =	vld [tilespmem:s19+$0xFFFFFFB0];
	v12 =	vmul.f32 v8, v13;
	v9 =	vpop (erf);
	[tilespmem:s25+$0xFFFFFFF0] =	vst v3  }
0x4ef: {  	v3 =	vmul.f32 v9, v11;
	v9 =	vld [tilespmem:s19+$0xFFFFFFC0];
	v10 =	vpop (erf);
	[tilespmem:s25+$0xFFFFFF90] =	vst v2;
	s25 =	smov.u32 s17  }
0x4f0: {  	v2 =	vld [tilespmem:s19+$0xFFFFFFD0];
	v13 =	vadd.f32 v12, v6;
	v8 =	vpop (erf)  }
0x4f1: {  	v10 =	vmul.f32 v10, v7;
	v7 =	vld [tilespmem:s19+$0xFFFFFFE0];
	v11 =	vpop (erf)  }
0x4f2: {  	v12 =	vld [tilespmem:s19+$0xFFFFFFF0];
	v15 =	vmul.f32 v13, v5;
	v6 =	vpop (erf)  }
0x4f3: {  	v13 =	vld [tilespmem:s21+$0xFFFFFF90];
	v14 =	vmul.f32 v8, v4;
	v4 =	vpop (erf)  }
0x4f4: {  	v8 =	vld [tilespmem:s21+$0xFFFFFFA0];
	v11 =	vmul.f32 v11, v9;
	[tilespmem:s17+$0x0] =	vst v15;
	v5 =	vpop (erf)  }
0x4f5: {  	v15 =	vld [tilespmem:s21+$0xFFFFFFB0];
	v16 =	vmul.f32 v6, v2  }
0x4f6: {  	v17 =	vld [tilespmem:s21+$0xFFFFFFC0];
	v6 =	vmul.f32 v4, v7  }
0x4f7: {  	v18 =	vld [tilespmem:s21+$0xFFFFFFD0];
	v7 =	vmul.f32 v5, v12  }
.Ltmp15:
0x4f8: {  	v2 =	vadd.f32 v3, v13;
	v4 =	vld [tilespmem:s21+$0xFFFFFFE0];
	(pc) =	sbr.rel @p0 .LBB2_33-.Ltmp15, $4  }
0x4f9: {  	v9 =	vadd.f32 v10, v8;
	v5 =	vld [tilespmem:s21+$0xFFFFFFF0]  }
0x4fa: {  	v8 =	vld [tilespmem:s17+$0xFFFFFFA0];
	v10 =	vadd.f32 v14, v15  }
0x4fb: {  	v12 =	vld [tilespmem:s17+$0xFFFFFFB0];
	v11 =	vadd.f32 v11, v17  }
0x4fc: {  	s28 =	sadd.s32 $0x400, s28;
	v13 =	vld [tilespmem:s17+$0xFFFFFFC0];
	v3 =	vadd.f32 v16, v18  }
0x4fd: {  	v14 =	vld [tilespmem:s17+$0xFFFFFFD0]  }
0x4fe: {  	v15 =	vld [tilespmem:s17+$0xFFFFFFE0]  }
0x4ff: {  	v8 =	vmul.f32 v9, v8;
	v9 =	vld [tilespmem:s17+$0xFFFFFFF0]  }
0x500: {  	v10 =	vmul.f32 v10, v12;
	v12 =	vld [tilespmem:s17+$0xFFFFFF90]  }
0x501: {  	v4 =	vadd.f32 v6, v4;
	[tilespmem:s17+$0xFFFFFFA0] =	vst v8;
	v6 =	vmul.f32 v11, v13  }
0x502: {  	v5 =	vadd.f32 v7, v5;
	[tilespmem:s17+$0xFFFFFFB0] =	vst v10;
	v3 =	vmul.f32 v3, v14  }
0x503: {  	v4 =	vmul.f32 v4, v15;
	[tilespmem:s17+$0xFFFFFFC0] =	vst v6  }
0x504: {  	[tilespmem:s25+$0xFFFFFFD0] =	vst v3;
	v3 =	vmul.f32 v5, v9  }
0x505: {  	[tilespmem:s25+$0xFFFFFFE0] =	vst v4;
	v2 =	vmul.f32 v2, v12  }
0x506: {  	[tilespmem:s25+$0xFFFFFFF0] =	vst v3  }
0x507: {  	[tilespmem:s25+$0xFFFFFF90] =	vst v2  }
0x508: {  	v2 =	vld [tilespmem:s23+$0x0]  }
0x509: {  	v3 =	vld [tilespmem:s23+$0xFFFFFF90]  }
0x50a: {  	v4 =	vld [tilespmem:s23+$0xFFFFFFA0]  }
0x50b: {  	v5 =	vld [tilespmem:s23+$0xFFFFFFB0]  }
0x50c: {  	v6 =	vld [tilespmem:s23+$0xFFFFFFC0]  }
0x50d: {  	v7 =	vld [tilespmem:s23+$0xFFFFFFD0]  }
0x50e: {  	v8 =	vld [tilespmem:s23+$0xFFFFFFE0];
	v2 =	vmul.f32 $1.442695020e+00, v2  }
0x50f: {  	v9 =	vld [tilespmem:s23+$0xFFFFFFF0]  }
0x510: {  	v10 =	vld [tilespmem:s22+$0x0];
	(erf) = vpow2.f32 v2  }
0x511: {  	v11 =	vld [tilespmem:s22+$0xFFFFFF90];
	v3 =	vmul.f32 $1.442695020e+00, v3  }
0x512: {  	v12 =	vld [tilespmem:s16+$0x0];
	v4 =	vmul.f32 $1.442695020e+00, v4  }
0x513: {  	v13 =	vld [tilespmem:s22+$0xFFFFFFF0];
	v5 =	vmul.f32 $1.442695020e+00, v5;
	(erf) = vpow2.f32 v3  }
0x514: {  	v14 =	vld [tilespmem:s20+$0xFFFFFFA0];
	v6 =	vmul.f32 $1.442695020e+00, v6;
	(erf) = vpow2.f32 v4  }
0x515: {  	v15 =	vld [tilespmem:s20+$0xFFFFFFB0];
	v4 =	vmul.f32 $1.442695020e+00, v7;
	(erf) = vpow2.f32 v5  }
0x516: {  	v17 =	vld [tilespmem:s20+$0xFFFFFFC0];
	v7 =	vmul.f32 $1.442695020e+00, v8;
	(erf) = vpow2.f32 v6  }
0x517: {  	v2 =	vld [tilespmem:s20+$0x0];
	v8 =	vmul.f32 $1.442695020e+00, v9;
	(erf) = vpow2.f32 v4  }
0x518: {  	v3 =	vld [tilespmem:s22+$0xFFFFFFA0];
	(erf) = vpow2.f32 v7  }
0x519: {  	v9 =	vld [tilespmem:s22+$0xFFFFFFD0];
	(erf) = vpow2.f32 v8;
	v4 =	vpop (erf)  }
0x51a: {  	v5 =	vld [tilespmem:s22+$0xFFFFFFB0];
	v4 =	vmul.f32 v4, v10  }
0x51b: {  	v6 =	vld [tilespmem:s22+$0xFFFFFFC0]  }
0x51c: {  	v8 =	vld [tilespmem:s20+$0xFFFFFF90];
	v10 =	vpop (erf);
	v2 =	vadd.f32 v4, v2  }
0x51d: {  	v7 =	vld [tilespmem:s22+$0xFFFFFFE0];
	v16 =	vpop (erf)  }
0x51e: {  	v19 =	vld [tilespmem:s20+$0xFFFFFFD0];
	v18 =	vpop (erf);
	v3 =	vmul.f32 v16, v3  }
0x51f: {  	v10 =	vmul.f32 v10, v11;
	v4 =	vld [tilespmem:s20+$0xFFFFFFE0];
	v11 =	vpop (erf)  }
0x520: {  	v62 =	vmul.f32 v2, v12;
	v12 =	vmul.f32 v18, v5;
	v5 =	vld [tilespmem:s20+$0xFFFFFFF0];
	v2 =	vpop (erf)  }
0x521: {  	v11 =	vmul.f32 v11, v6;
	v63 =	vmul.f32 v2, v9;
	v6 =	vpop (erf);
	v2 =	vadd.f32 v10, v8;
	v9 =	vld [tilespmem:s16+$0xFFFFFFA0]  }
0x522: {  	v8 =	vadd.f32 v3, v14;
	v10 =	vadd.f32 v12, v15;
	v12 =	vld [tilespmem:s16+$0xFFFFFFB0];
	v6 =	vmul.f32 v6, v7;
	v3 =	vpop (erf)  }
0x523: {  	s19 =	simm.s32 $0x0;
	s21 =	simm.s32 $0x19070;
	s17 =	simm.s32 $0xE470;
	[tilespmem:s16+$0x0] =	vst v62;
	v11 =	vadd.f32 v11, v17;
	v7 =	vmul.f32 v3, v13;
	v13 =	vld [tilespmem:s16+$0xFFFFFFC0];
	v3 =	vadd.f32 v63, v19  }
.LBB2_35:
0x524: {  	v14 =	vld [tilespmem:s21+$0x0];
	s19 =	sadd.s32 $0x80, s19;
	v4 =	vadd.f32 v6, v4  }
0x525: {  	v6 =	vld [tilespmem:s21+$0xFFFFFF90];
	p0 =	slt.u32 s19, $0x680;
	v5 =	vadd.f32 v7, v5  }
0x526: {  	v7 =	vld [tilespmem:s21+$0xFFFFFFA0];
	v8 =	vmul.f32 v8, v9  }
0x527: {  	v9 =	vld [tilespmem:s21+$0xFFFFFFB0];
	v10 =	vmul.f32 v10, v12  }
0x528: {  	v12 =	vld [tilespmem:s21+$0xFFFFFFC0];
	[tilespmem:s16+$0xFFFFFFA0] =	vst v8;
	v8 =	vmul.f32 v11, v13  }
0x529: {  	v11 =	vld [tilespmem:s21+$0xFFFFFFD0];
	v13 =	vmul.f32 $1.442695020e+00, v14;
	[tilespmem:s16+$0xFFFFFFB0] =	vst v10  }
0x52a: {  	v6 =	vmul.f32 $1.442695020e+00, v6;
	v10 =	vld [tilespmem:s21+$0xFFFFFFE0];
	[tilespmem:s16+$0xFFFFFFC0] =	vst v8  }
0x52b: {  	v7 =	vmul.f32 $1.442695020e+00, v7;
	v8 =	vld [tilespmem:s21+$0xFFFFFFF0];
	(erf) = vpow2.f32 v13  }
0x52c: {  	v9 =	vmul.f32 $1.442695020e+00, v9;
	(erf) = vpow2.f32 v6;
	v6 =	vld [tilespmem:s16+$0xFFFFFFD0]  }
0x52d: {  	v12 =	vmul.f32 $1.442695020e+00, v12;
	(erf) = vpow2.f32 v7;
	v7 =	vld [tilespmem:s16+$0xFFFFFFE0]  }
0x52e: {  	v11 =	vmul.f32 $1.442695020e+00, v11;
	(erf) = vpow2.f32 v9;
	v9 =	vld [tilespmem:s16+$0xFFFFFFF0]  }
0x52f: {  	s22 =	sadd.s32 $0x400, s22;
	v10 =	vmul.f32 $1.442695020e+00, v10;
	(erf) = vpow2.f32 v12;
	v12 =	vld [tilespmem:s16+$0xFFFFFF90]  }
0x530: {  	v8 =	vmul.f32 $1.442695020e+00, v8;
	v13 =	vld [tilespmem:s22+$0x0];
	(erf) = vpow2.f32 v11  }
0x531: {  	s20 =	sadd.s32 $0x400, s20;
	v11 =	vld [tilespmem:s22+$0xFFFFFF90];
	(erf) = vpow2.f32 v10;
	v3 =	vmul.f32 v3, v6  }
0x532: {  	v6 =	vld [tilespmem:s20+$0x0];
	(erf) = vpow2.f32 v8;
	v4 =	vmul.f32 v4, v7  }
0x533: {  	s16 =	sadd.s32 $0x400, s16;
	v7 =	vld [tilespmem:s22+$0xFFFFFFA0];
	[tilespmem:s17+$0xFFFFFFD0] =	vst v3;
	v3 =	vmul.f32 v5, v9  }
0x534: {  	v5 =	vld [tilespmem:s16+$0x0];
	v8 =	vpop (erf);
	v2 =	vmul.f32 v2, v12;
	[tilespmem:s17+$0xFFFFFFE0] =	vst v4  }
0x535: {  	v4 =	vld [tilespmem:s22+$0xFFFFFFB0];
	v12 =	vmul.f32 v8, v13;
	v9 =	vpop (erf);
	[tilespmem:s17+$0xFFFFFFF0] =	vst v3  }
0x536: {  	v3 =	vmul.f32 v9, v11;
	v9 =	vld [tilespmem:s22+$0xFFFFFFC0];
	v10 =	vpop (erf);
	[tilespmem:s17+$0xFFFFFF90] =	vst v2;
	s17 =	smov.u32 s16  }
0x537: {  	v2 =	vld [tilespmem:s22+$0xFFFFFFD0];
	v13 =	vadd.f32 v12, v6;
	v8 =	vpop (erf)  }
0x538: {  	v10 =	vmul.f32 v10, v7;
	v7 =	vld [tilespmem:s22+$0xFFFFFFE0];
	v11 =	vpop (erf)  }
0x539: {  	v12 =	vld [tilespmem:s22+$0xFFFFFFF0];
	v15 =	vmul.f32 v13, v5;
	v6 =	vpop (erf)  }
0x53a: {  	v13 =	vld [tilespmem:s20+$0xFFFFFF90];
	v14 =	vmul.f32 v8, v4;
	v4 =	vpop (erf)  }
0x53b: {  	v8 =	vld [tilespmem:s20+$0xFFFFFFA0];
	v11 =	vmul.f32 v11, v9;
	[tilespmem:s16+$0x0] =	vst v15;
	v5 =	vpop (erf)  }
0x53c: {  	v15 =	vld [tilespmem:s20+$0xFFFFFFB0];
	v16 =	vmul.f32 v6, v2  }
0x53d: {  	v17 =	vld [tilespmem:s20+$0xFFFFFFC0];
	v6 =	vmul.f32 v4, v7  }
0x53e: {  	v18 =	vld [tilespmem:s20+$0xFFFFFFD0];
	v7 =	vmul.f32 v5, v12  }
.Ltmp16:
0x53f: {  	v2 =	vadd.f32 v3, v13;
	v4 =	vld [tilespmem:s20+$0xFFFFFFE0];
	(pc) =	sbr.rel @p0 .LBB2_35-.Ltmp16, $4  }
0x540: {  	v8 =	vadd.f32 v10, v8;
	v5 =	vld [tilespmem:s20+$0xFFFFFFF0]  }
0x541: {  	v9 =	vld [tilespmem:s16+$0xFFFFFFA0];
	v10 =	vadd.f32 v14, v15  }
0x542: {  	v12 =	vld [tilespmem:s16+$0xFFFFFFB0];
	v11 =	vadd.f32 v11, v17  }
0x543: {  	s21 =	sadd.s32 $0x400, s21;
	v13 =	vld [tilespmem:s16+$0xFFFFFFC0];
	v3 =	vadd.f32 v16, v18  }
0x544: {  	v14 =	vld [tilespmem:s16+$0xFFFFFFD0]  }
0x545: {  	v15 =	vld [tilespmem:s16+$0xFFFFFFE0]  }
0x546: {  	v62 =	vld [tilespmem:s16+$0xFFFFFF90];
	v8 =	vmul.f32 v8, v9  }
0x547: {  	v61 =	vld [tilespmem:s16+$0xFFFFFFF0];
	v10 =	vmul.f32 v10, v12  }
0x548: {  	v4 =	vadd.f32 v6, v4;
	[tilespmem:s16+$0xFFFFFFA0] =	vst v8;
	v63 =	vmul.f32 v11, v13  }
0x549: {  	s14 =	sadd.s32 $0x1, s14;
	[tilespmem:s16+$0xFFFFFFB0] =	vst v10;
	v3 =	vmul.f32 v3, v14  }
0x54a: {  	v5 =	vadd.f32 v7, v5;
	p0 =	sne.s32 s14, $0x2A;
	v4 =	vmul.f32 v4, v15;
	[tilespmem:s16+$0xFFFFFFC0] =	vst v63  }
.Ltmp17:
0x54b: {  	v2 =	vmul.f32 v2, v62;
	[tilespmem:s17+$0xFFFFFFD0] =	vst v3;
	(pc) =	sbr.rel @p0 .LBB2_2-.Ltmp17, $4  }
0x54c: {  	v3 =	vmul.f32 v5, v61;
	[tilespmem:s17+$0xFFFFFFE0] =	vst v4  }
0x54d: {  	[tilespmem:s17+$0xFFFFFF90] =	vst v2  }
0x54e: {  	s15 =	sadd.s32 s8, s15;
	[tilespmem:s17+$0xFFFFFFF0] =	vst v3  }
0x54f: {  	[hbm4b:s15+s5] =	stream.linear.scatter [tilespmem:s18], [sflag:$0x4], $0x3800, $0x38;
	[tilespmem:$0x1C080] =	vst v63  }
0x550: {  	_ =	swait.ge [sflag:s13], $0x3800  }
0x551: {  	[sflag:s13] =	ssyncset.done $0x0  }
0x552: {  	s15 =	simm.s32 $0x4;
	[sflag:s13] =	ssyncadd.s32 $0xFFFFC800  }
0x553: {  	_ =	swait.ge [sflag:s15], $0x3800  }
0x554: {  	s16 =	rddreg [dreg:$0x15]  }
0x555: {  	s14 =	rddreg [dreg:$0x14];
	s16 =	sadd.s32 $0x1, s16  }
0x556: {  	p0 =	sne.s32 s16, s14  }
.Ltmp18:
0x557: {  	_ = 	snop;
	(pc) =	sbr.rel @p0 .LBB2_1-.Ltmp18, $3  }
0x558: {  	_ =	sdelay $0x1  }
0x559: {  	[sflag:s15] =	ssyncset.done $0x0  }
0x55a: {  	[sflag:s15] =	ssyncadd.s32 $0xFFFFC800  }
0x55b: {  	_ =	sfence.sel $0x180000  }
0x55c: {  	[bflag:$0x0] =	sbarrier.arrive $0xFFFF  }
0x55d: {  	_ =	strace $0x90000047  }
0x55e: {  	s0 =	stileid.u32;
	[bflag:$0x2] =	sbarrier.arrive $0xFFFF  }
0x55f: {  	p0 =	sne.s32 s0, $0x0;
	s0 =	rddreg [dreg:$0x4]  }
0x560: {  	s0 =	sadd.s32 @!p0 $0x100000, s0  }
0x561: {  	[sflag:s0] =	ssyncadd.tile.s32 @!p0 $0x1;
	_ =	shalt  }
.Lfunc_end2:
_tile_overlayer_lowered:
.L_overlay_start_2:
0x562: {  	(tag) =	ssettag $0x2  }
0x563: {  	s0 =	rddreg [dreg:$0x0];
	s2 =	stileid.u32  }
0x564: {  	s1 =	rddreg [dreg:$0x1];
	p0 =	sne.s32 s2, $0x0  }
0x565: {  	s3 =	rddreg [dreg:$0x2];
	[bflag:$0x3] =	sbarrier.arrive $0xFFFF;
	s2 =	simm.s32 @!p0 $0x1C05  }
0x566: {  	[timem:s3], [sflag:s2] =	dma.local @!p0 [hbm:s0], s1  }
0x567: {  	s0 =	simm.s32 @!p0 $0x5  }
0x568: {  	_ =	swait.ge @!p0 [sflag:s0], s1  }
0x569: {  	s1 =	ssub.s32 @!p0 $0x0, s1;
	[sflag:s0] =	ssyncset.done @!p0 $0x0  }
0x56a: {  	[sflag:s0] =	ssyncadd.s32 @!p0 s1  }
0x56b: {  	[bflag:$0x3] =	sbarrier.arrive $0xFFFF  }
0x56c: {  	_ =	shalt  }

// kernel: sparse-core-data-format-call.cloned.1.call-start
scs
called_computation_lowered:
.L_overlay_start_0:
0x0: {  	s2 =	sld [smem:$0x3FD9]  }
0x1: {  	s3 =	sld [smem:$0x3FFE];
	_ =	sdelay $0x1  }
0x2: {  	s1 =	srdreg.scid  }
0x3: {  	s0 =	sand.u32 $0x1, s1  }
0x4: {  	s18 =	sshll.u32 s0, $0xA;
	s2 =	sadd.s32 s3, s2  }
0x5: {  	s2 =	sadd.s32 s2, s18  }
0x6: {  	[smem:$0x3FC3] =	sst s2  }
0x7: {  	_ = 	snop  }
0x8: {  	s2 =	sld [smem:$0x3FD0];
	(tm) =	ssettm $0x1  }
0x9: {  	s19 =	sld [smem:$0x3FFB];
	_ =	sdelay $0x3  }
0xa: {  	_ =	strace s19  }
0xb: {  	s3 =	sld [smem:$0x3FFC];
	_ =	sdelay $0x3  }
0xc: {  	_ =	strace s3  }
0xd: {  	s3 =	sld [smem:$0x3FFD];
	_ =	sdelay $0x3  }
0xe: {  	_ =	strace s3  }
0xf: {  	_ =	strace $0x8FFFFFFF  }
0x10: {  	s20 =	sld [smem:$0x3FDB];
	_ =	sdelay $0x1  }
0x11: {  	s4 =	simm.s32 $_scs_section_size  }
0x12: {  	s5 =	simm.s32 $_size__tile_overlayer_lowered;
	s6 =	simm.s32 $_tile_overlayer_lowered  }
0x13: {  	s23 =	simm.s32 $0x1BFF;
	s22 =	sshll.u32 s6, $0x1;
	s3 =	sadd.s32 s4, s20  }
0x14: {  	s7 =	simm.s32 $0x0;
	s21 =	sshll.u32 s5, $0x1;
	s5 =	sadd.s32 s22, s3  }
0x15: {  	[timem:s7], [sflag:s23] =	dma.local [hbm:s5], s21  }
0x16: {  	_ =	swait.ge [sflag:s23], s21  }
0x17: {  	s4 =	ssub.s32 $0x0, s21;
	[sflag:s23] =	ssyncset.done $0x0  }
0x18: {  	[sflag:s23] =	ssyncadd.s32 s4;
	_ =	sdelay $0x1  }
0x19: {  	s24 =	simm.s32 $0x1B8B  }
0x1a: {  	_ =	swait.ge [sflag:s24], $0x1  }
0x1b: {  	[sflag:s24] =	ssyncset.done $0x0  }
0x1c: {  	s26 =	simm.s32 $0x1B8E;
	s25 =	sld [smem:$0x3FFE];
	[sflag:s24] =	ssyncadd.s32 $0xFFFFFFFF  }
0x1d: {  	s27 =	simm.s32 $execute0_lowered;
	[smem:$0x3FD2] =	sst s26  }
0x1e: {  	s5 =	sshll.u32 s27, $0x1;
	_ =	strace $0x80000049;
	[dreg:$0x1] =	wrdreg $0xFFFFFFFF  }
0x1f: {  	s28 =	simm.s32 $_size_execute0_lowered;
	s3 =	sadd.s32 s3, s5;
	[dreg:$0x0] =	wrdreg $0x0  }
0x20: {  	s5 =	sshll.u32 s28, $0x1;
	[dreg:$0x2] =	wrdreg s3  }
0x21: {  	[dreg:$0x3] =	wrdreg s5  }
0x22: {  	[dreg:$0x4] =	wrdreg $0xC0  }
0x23: {  	_ =	task [dreg:s7], $0x5FFFF  }
0x24: {  	[dreg:$0x1] =	wrdreg $0xFFFFFFFF  }
0x25: {  	[dreg:$0x0] =	wrdreg $0x60  }
0x26: {  	[dreg:$0x2] =	wrdreg s25  }
0x27: {  	[dreg:$0x3] =	wrdreg s2  }
0x28: {  	[dreg:$0x4] =	wrdreg $0x9  }
0x29: {  	_ =	task.clear_ibuf [dreg:s7], $0x5FFFF;
	_ =	strace $0x90000049  }
0x2a: {  	s29 =	simm.s32 $0x9;
	_ =	strace $0x8000004B  }
0x2b: {  	_ =	swait.ge [sflag:s29], $0x1  }
0x2c: {  	[sflag:s29] =	ssyncadd.s32 $0xFFFFFFFF  }
0x2d: {  	_ =	strace $0x9000004B  }
0x2e: {  	_ =	sfence  }
0x2f: {  	s30 =	sld [smem:$0x0];
	_ =	sdelay $0x2  }
0x30: {  	s31 =	sshll.u32 s1, $0xD;
	s1 =	sshrl.u32 s1, $0x2  }
0x31: {  	s3 =	sand.u32 $0x4000, s31;
	s1 =	sadd.s32 s1, s30  }
0x32: {  	s0 =	sor.u32 s3, s0;
	s1 =	sshll.u32 s1, $0x11  }
0x33: {  	s0 =	sor.u32 s1, s0  }
0x34: {  	s0 =	sadd.s32 $0x8F2B, s0  }
0x35: {  	[sflag:s0] =	ssyncadd.remote.s32 $0x1  }
0x36: {  	_ =	sfence.sel $0xFFFF  }
0x37: {  	[dreg:$0x0] =	wrdreg $0xFFFFFFFF;
	(pc) =	sbr.abs _section_cstart, $3  }
0x38: {  	[dreg:$0x1] =	wrdreg $0xFFFFFFFF  }
0x39: {  	_ =	task.clear_ibuf [dreg:s7], $0x2FFFF;
	_ =	strace $0x9FFFFFFF  }
0x3a: {  	(tm) =	ssettm $0x7FFFFFFF  }
0x3b: {  	_ =	shalt  }
tec
execute0_lowered:
.L_overlay_start_1:
0x0: {  	(tag) =	ssettag $0x1  }
0x1: {  	s0 =	srdreg.scid  }
0x2: {  	s1 =	sshll.u32 s0, $0x4  }
0x3: {  	s0 =	stileid.u32;
	s1 =	sand.u32 $0x10, s1  }
0x4: {  	s8 =	sor.u32 s0, s1  }
0x5: {  	s7 =	rddreg [dreg:$0x0];
	s1 =	sshll.u32 s8, $0x5  }
0x6: {  	s5 =	simm.s32 $0x1;
	s9 =	simm.s32 $0x2;
	s1 =	sand.u32 $0x380, s1  }
0x7: {  	s20 =	simm.s32 $0x0;
	s11 =	simm.s32 $0x400;
	s2 =	ssub.s32 $0x400, s1  }
0x8: {  	s12 =	simm.s32 $0x2000;
	s17 =	simm.s32 $0x0;
	s4 =	sand.u32 $0x380, s2  }
0x9: {  	s19 =	simm.s32 $0x0;
	s3 =	sand.u32 $0x3, s0;
	p0 =	sne.s32 s4, $0x0  }
0xa: {  	s6 =	ssub.s32 $0x11, s3;
	s2 =	sshrl.u32 s2, $0xA;
	s5 =	simm.s32 @!p0 $0x0  }
0xb: {  	s18 =	simm.s32 $0x0;
	s6 =	sshrl.u32 s6, $0x2;
	s5 =	sadd.s32 s5, s2  }
0xc: {  	s13 =	simm.s32 $0x0;
	s15 =	simm.s32 $0x0;
	s6 =	smul.u32 s5, s6  }
.Ltmp0:
0xd: {  	s16 =	simm.s32 $0x0;
	s4 =	rddreg [dreg:$0x1];
	(pc) =	sbr.rel .LBB1_1-.Ltmp0, $4  }
0xe: {  	s7 =	sadd.s32 $0xA00, s7;
	s8 =	sshll.u32 s8, $0x8;
	s2 =	rddreg [dreg:$0x2]  }
0xf: {  	_ =	strace $0x8000004A;
	s5 =	simm.s32 $0x1;
	s6 =	smul.u32 $0x15, s6  }
0x10: {  	s14 =	smov.u32 s3;
	s8 =	sand.u32 $0x1C00, s8;
	[sflag:s5] =	ssyncpa.u1 $0x0  }
0x11: {  	[sflag:s9] =	ssyncpa.u1 $0x0;
	s9 =	sadd.s32 $0x6000, s4;
	s10 =	sadd.s32 $0x1, s6  }
.LBB1_7:
0x12: {  	s21 =	sadd.s32 $0x2, s13  }
0x13: {  	s17 =	sadd.s32 $0x4, s14;
	s22 =	smov.u32 s14;
	p1 =	sgt.s32 s21, $0xD  }
0x14: {  	s22 =	smov.u32 @p1 s17  }
0x15: {  	s23 =	smov.u32 s15;
	s17 =	sadd.s32 $0x40, s15;
	p2 =	sgt.s32 s22, $0xD  }
0x16: {  	s23 =	smov.u32 @p2 s17  }
0x17: {  	s21 =	simm.s32 @p1 $0x0;
	p1 =	sgt.s32 s23, $0xBF  }
0x18: {  	p0 =	slt.u32 s16, $0x2;
	s23 =	simm.s32 @p1 $0x0;
	p1 =	sne.s32 s16, s10  }
.Ltmp1:
0x19: {  	s20 =	simm.s32 @!p0 $0x2;
	(pc) =	sbr.rel @!p1 .LBB1_8-.Ltmp1, $4  }
0x1a: {  	s19 =	smov.u32 s14;
	s18 =	smov.u32 s15;
	_ =	swait.ge @!p0 [sflag:s20], $0x4000  }
0x1b: {  	[sflag:s20] =	ssyncset.done @!p0 $0x0;
	s22 =	smov.u32 @p2 s3;
	s17 =	smov.u32 s13  }
0x1c: {  	[sflag:s20] =	ssyncadd.s32 @!p0 $0xFFFFC000;
	s20 =	smov.u32 s1;
	s13 =	smov.u32 s21  }
0x1d: {  	s14 =	smov.u32 s22;
	s16 =	sadd.s32 $0x1, s16;
	s15 =	smov.u32 s23  }
.LBB1_1:
0x1e: {  	p0 =	sge.u32 s16, s6  }
0x1f: {  	s31 =	sadd.s32 $0xFFFFFFFF, s16;
	s21 =	sxor.u32 @!p0 $0xFFFFFFFF, s16;
	s23 =	smul.u32 @!p0 $0x7000, s15  }
0x20: {  	s22 =	sshll.u32 @!p0 s13, $0xA;
	s24 =	sshll.u32 @!p0 s14, $0xB;
	s25 =	sshll.u32 @!p0 s13, $0x4  }
0x21: {  	s21 =	sshll.u32 @!p0 s21, $0xE;
	s22 =	sand.u32 @!p0 $0x2000, s22;
	s23 =	sadd.s32 @!p0 s7, s23  }
0x22: {  	s25 =	sand.u32 @!p0 $0x70, s25;
	s22 =	sor.u32 @!p0 s8, s22;
	s23 =	sadd.s32 @!p0 s24, s23  }
0x23: {  	s21 =	sand.u32 @!p0 $0x4000, s21;
	s22 =	sshrl.u32 @!p0 s22, $0x3;
	s23 =	sadd.s32 @!p0 s25, s23  }
0x24: {  	s24 =	simm.s32 @!p0 $0x38000;
	s22 =	sadd.s32 @!p0 s22, s23;
	s23 =	simm.s32 @!p0 $0x100  }
0x25: {  	[tilespmem:s21], [sflag:$0x1] =	stream.strided.gather @!p0 [hbm4b:s22+s23], $0x4000, s24, s23, $0x38;
	[tilespmem:$0x10000] =	vst v63  }
0x26: {  	p0 =	sge.u32 s31, s6  }
.Ltmp2:
0x27: {  	_ = 	snop;
	(pc) =	sbr.rel @p0 .LBB1_7-.Ltmp2, $1  }
0x28: {  	_ =	sdelay $0x3  }
0x29: {  	_ =	swait.ge [sflag:s5], $0x4000;
	s21 =	sshll.u32 s16, $0xE  }
0x2a: {  	[sflag:s5] =	ssyncset.done $0x0;
	s21 =	sand.u32 $0x4000, s21  }
0x2b: {  	s23 =	simm.s32 $0x0;
	[sflag:s5] =	ssyncadd.s32 $0xFFFFC000;
	s22 =	sor.u32 $0x8000, s21  }
.LBB1_3:
0x2c: {  	s24 =	sshll.u32 s23, $0x8  }
0x2d: {  	s24 =	sand.u32 $0x3FFFFF00, s24  }
0x2e: {  	s25 =	sshll.u32 s23, $0x7;
	s24 =	sadd.s32 s24, s21  }
0x2f: {  	s25 =	sand.u32 $0x3FFFFF80, s25;
	v0 =	vmov s24  }
0x30: {  	s25 =	sadd.s32 s25, s22  }
0x31: {  	p0 =	por $0x1, $0x1;
	v1 =	vmov s25;
	s24 =	simm.s32 $0x0  }
.LBB1_4:
0x32: {  	s25 =	sshll.u32 s24, $0x7  }
0x33: {  	s25 =	sand.u32 $0x3FFFFF80, s25  }
0x34: {  	v2 =	vld.idx.msk [tilespmem:v0+s25+$0x0 ss:$0x1], $0xffff  }
0x35: {  	v3 =	vld.idx.msk [tilespmem:v0+s25+$0x10 ss:$0x1], $0xffff  }
0x36: {  	v4 =	vld.idx.msk [tilespmem:v0+s25+$0x20 ss:$0x1], $0xffff  }
0x37: {  	s31 =	sshll.u32 s24, $0xD;
	v5 =	vld.idx.msk [tilespmem:v0+s25+$0x30 ss:$0x1], $0xffff  }
0x38: {  	s24 =	sand.u32 $0x3FFFE000, s31;
	v6 =	vld.idx.msk [tilespmem:v0+s25+$0x40 ss:$0x1], $0xffff  }
0x39: {  	v63 =	vld.idx.msk [tilespmem:v0+s25+$0x70 ss:$0x1], $0xffff;
	[tilespmem:v1+s24+$0x0 ss:$0x1] =	vst.idx.msk $0xffff, v2  }
0x3a: {  	v2 =	vld.idx.msk [tilespmem:v0+s25+$0x50 ss:$0x1], $0xffff;
	[tilespmem:v1+s24+$0x10 ss:$0x1] =	vst.idx.msk $0xffff, v3  }
0x3b: {  	p1 =	por p0, p0;
	v3 =	vld.idx.msk [tilespmem:v0+s25+$0x60 ss:$0x1], $0xffff;
	[tilespmem:v1+s24+$0x20 ss:$0x1] =	vst.idx.msk $0xffff, v4  }
.Ltmp3:
0x3c: {  	[tilespmem:v1+s24+$0x30 ss:$0x1] =	vst.idx.msk $0xffff, v5;
	(pc) =	sbr.rel @p1 .LBB1_4-.Ltmp3, $4  }
0x3d: {  	[tilespmem:v1+s24+$0x40 ss:$0x1] =	vst.idx.msk $0xffff, v6  }
0x3e: {  	[tilespmem:v1+s24+$0x70 ss:$0x1] =	vst.idx.msk $0xffff, v63  }
0x3f: {  	[tilespmem:v1+s24+$0x50 ss:$0x1] =	vst.idx.msk $0xffff, v2  }
0x40: {  	p0 =	por $0x0, $0x0;
	[tilespmem:v1+s24+$0x60 ss:$0x1] =	vst.idx.msk $0xffff, v3;
	s24 =	simm.s32 $0x1  }
0x41: {  	s23 =	sadd.s32 $0x1, s23  }
0x42: {  	p0 =	sne.s32 s23, $0x40  }
.Ltmp4:
0x43: {  	_ = 	snop;
	(pc) =	sbr.rel @p0 .LBB1_3-.Ltmp4, $1  }
0x44: {  	_ =	sdelay $0x3  }
0x45: {  	s23 =	sshll.u32 s18, $0xA  }
0x46: {  	s20 =	sshll.u32 s20, $0x3;
	s23 =	sand.u32 $0xFFFFE000, s23  }
0x47: {  	s19 =	smul.u32 $0x54000, s19;
	s20 =	sor.u32 s23, s20  }
0x48: {  	s17 =	smul.u32 $0x6000, s17;
	s20 =	sshrl.u32 s20, $0xA  }
0x49: {  	s28 =	smulhi.u32 $0x1555556, s20;
	_ =	sdelay $0x1  }
0x4a: {  	s29 =	sshll.u32 s18, $0x4;
	s24 =	sadd.s32 s19, s17;
	s23 =	smul.u32 $0xC0, s28  }
0x4b: {  	s18 =	sand.u32 $0x70, s29;
	s30 =	sadd.s32 s4, s24  }
0x4c: {  	s19 =	sadd.s32 s19, s9;
	s20 =	ssub.s32 s20, s23;
	s23 =	sadd.s32 s18, s30  }
.Ltmp5:
0x4d: {  	s18 =	sadd.s32 s18, s19;
	s20 =	sshll.u32 s20, $0x7;
	(pc) =	sbr.rel .LBB1_7-.Ltmp5, $4  }
0x4e: {  	s17 =	sadd.s32 s17, s18;
	s23 =	sadd.s32 s20, s23  }
0x4f: {  	[hbm4b:s23+s11] =	stream.strided.scatter [tilespmem:s22], [sflag:$0x2], $0x2000, s12, s11, $0x38;
	[tilespmem:$0x10000] =	vst v63  }
0x50: {  	s31 =	sadd.s32 $0xA000, s21;
	s17 =	sadd.s32 s20, s17  }
0x51: {  	[hbm4b:s17+s11] =	stream.strided.scatter [tilespmem:s31], [sflag:$0x2], $0x2000, s12, s11, $0x38;
	[tilespmem:$0x10000] =	vst v63  }
.LBB1_8:
0x52: {  	_ =	sfence.sel $0x180000  }
0x53: {  	s1 =	simm.s32 $0x1;
	[bflag:$0x0] =	sbarrier.arrive $0xFFFF  }
0x54: {  	s31 =	simm.s32 $0x2;
	[sflag:s1] =	ssyncpa.u1 $0x1  }
0x55: {  	[sflag:s31] =	ssyncpa.u1 $0x1  }
0x56: {  	p0 =	sne.s32 s0, $0x0;
	_ =	strace $0x9000004A  }
0x57: {  	s0 =	sadd.s32 @!p0 $0x100000, s2;
	[bflag:$0x2] =	sbarrier.arrive $0xFFFF  }
0x58: {  	[sflag:s0] =	ssyncadd.tile.s32 @!p0 $0x1;
	_ =	shalt  }
.Lfunc_end1:
_tile_overlayer_lowered:
.L_overlay_start_2:
0x59: {  	(tag) =	ssettag $0x2  }
0x5a: {  	s0 =	rddreg [dreg:$0x0];
	s2 =	stileid.u32  }
0x5b: {  	s1 =	rddreg [dreg:$0x1];
	p0 =	sne.s32 s2, $0x0  }
0x5c: {  	s3 =	rddreg [dreg:$0x2];
	[bflag:$0x3] =	sbarrier.arrive $0xFFFF;
	s2 =	simm.s32 @!p0 $0x1C01  }
0x5d: {  	[timem:s3], [sflag:s2] =	dma.local @!p0 [hbm:s0], s1  }
0x5e: {  	s0 =	simm.s32 @!p0 $0x1  }
0x5f: {  	_ =	swait.ge @!p0 [sflag:s0], s1  }
0x60: {  	s1 =	ssub.s32 @!p0 $0x0, s1;
	[sflag:s0] =	ssyncset.done @!p0 $0x0  }
0x61: {  	[sflag:s0] =	ssyncadd.s32 @!p0 s1  }
0x62: {  	[bflag:$0x3] =	sbarrier.arrive $0xFFFF  }
0x63: {  	_ =	shalt  }

</sc_bundles>
